<compile_context>
chip_gen: v7x
topology: tpu7x:2x2x1
jax: 0.10.2.dev20260603
libtpu: 0.0.44.dev20260713+nightly
codegen_flags: <defaults>
</compile_context>

<pallas_src>
import functools

import numpy as np

import jax
import jax.numpy as jnp
from jax import lax
from jax.experimental import pallas as pl
from jax.experimental.pallas import tpu as pltpu
from jax.experimental.pallas import tpu_sc as plsc

_NC = 2
_NS = 16
_CH = 32
_LN = 16

_GDN = lax.GatherDimensionNumbers(
    offset_dims=(), collapsed_slice_dims=(0,), start_index_map=(0,))


def _bcast_lane(vec, lane):
    idx = (jnp.zeros((_LN,), jnp.int32) + lane)[:, None]
    return lax.gather(vec, idx, _GDN, (1,),
                      mode=lax.GatherScatterMode.PROMISE_IN_BOUNDS)


def _pack_rows(piece, o):
    words = []
    for g in range(o // 32):
        lo = lax.bitcast_convert_type(
            piece[:, g * 32:g * 32 + 16].astype(jnp.bfloat16),
            jnp.uint16).astype(jnp.int32)
        hi = lax.bitcast_convert_type(
            piece[:, g * 32 + 16:g * 32 + 32].astype(jnp.bfloat16),
            jnp.uint16).astype(jnp.int32)
        words.append(lo | (hi << 16))
    return jnp.concatenate(words, axis=1)


def _v_table_body(f_ref, w_ref, bc_ref, bs_ref, v_ref, *, o, k, tw):
    g = lax.dot_general(f_ref[...], w_ref[...],
                        (((0,), (0,)), ((), ())),
                        preferred_element_type=jnp.float32)
    ow = o // 2
    v_ref[:, :ow] = _pack_rows(g[:, :o], o)
    for kk in range(k):
        gc = g[:, o * (1 + kk):o * (2 + kk)]
        gs = g[:, o * (1 + k + kk):o * (2 + k + kk)]
        bck = bc_ref[:, kk:kk + 1]
        bsk = bs_ref[:, kk:kk + 1]
        v_ref[:, ow * (1 + kk):ow * (2 + kk)] = _pack_rows(
            2.0 * (bck * gc + bsk * gs), o)
        v_ref[:, ow * (1 + k + kk):ow * (2 + k + kk)] = _pack_rows(
            2.0 * (bsk * gc - bck * gs), o)
    v_ref[:, ow * (2 * k + 1):] = jnp.zeros(
        (v_ref.shape[0], tw - ow * (2 * k + 1)), jnp.int32)


def _make_sc_edge_kernel(n, e, o, tw):
    nw_workers = _NC * _NS
    tch = e // _CH
    nit = (tch + nw_workers - 1) // nw_workers
    rpt = ((n // _NS) // 8 + 1) * 8
    rlast = n - (_NS - 1) * rpt
    zc = 8
    mesh = plsc.VectorSubcoreMesh(core_axis_name="c", subcore_axis_name="s")

    @functools.partial(
        pl.kernel,
        out_type=jax.ShapeDtypeStruct((_NC, n, o), jnp.float32),
        mesh=mesh,
        scratch_types=[
            pltpu.VMEM((_CH,), jnp.int32),
            pltpu.VMEM((_CH,), jnp.int32),
            pltpu.VMEM((_CH,), jnp.int32),
            pltpu.VMEM((_CH,), jnp.int32),
            pltpu.VMEM((_CH + _LN,), jnp.float32),
            pltpu.VMEM((_CH + _LN,), jnp.float32),
            pltpu.VMEM((_CH, o), jnp.float32),
            pltpu.VMEM((_CH, o), jnp.float32),
            pltpu.VMEM((_CH, tw), jnp.int32),
            pltpu.VMEM((_CH, tw), jnp.int32),
            pltpu.VMEM_SHARED((n, o), jnp.float32),
            pltpu.SemaphoreType.DMA,
            pltpu.SemaphoreType.DMA,
            pltpu.SemaphoreType.DMA,
            pltpu.SemaphoreType.DMA,
            pltpu.SemaphoreType.DMA,
            pltpu.SemaphoreType.DMA,
            pltpu.SemaphoreType.DMA,
            pltpu.SemaphoreType.DMA,
        ],
    )
    def sc_edges(v_hbm, co_hbm, src_hbm, tgt_hbm, nw_hbm, out_hbm,
                 idx_s0, idx_s1, idx_t0, idx_t1, nwb0, nwb1, cmsg0, cmsg1,
                 vrows0, vrows1, acc,
                 isem0, isem1, vsem0, vsem1, csem0, csem1, ssem0, ssem1):
        slots = ((idx_s0, idx_t0, nwb0, cmsg0, vrows0, isem0, vsem0, csem0,
                  ssem0),
                 (idx_s1, idx_t1, nwb1, cmsg1, vrows1, isem1, vsem1, csem1,
                  ssem1))
        c = lax.axis_index("c")
        s = lax.axis_index("s")
        wid = s * _NC + c
        my_rows = jnp.where(s == _NS - 1, rlast, rpt)
        my_base = s * rpt

        def zrow(r, carry):
            for j in range(o // _LN):
                cmsg0[r, pl.ds(j * _LN, _LN)] = jnp.zeros((_LN,), jnp.float32)
            return carry
        lax.fori_loop(0, zc, zrow, 0)

        def zcopy(t, carry):
            pltpu.sync_copy(cmsg0.at[pl.ds(0, zc)],
                            acc.at[pl.ds(my_base + t * zc, zc)])
            return carry
        lax.fori_loop(0, my_rows // zc, zcopy, 0)
        plsc.subcore_barrier()

        def stage1(cid, sl):
            idx_s, idx_t, nwb, _, _, isem, _, _, _ = sl
            base = cid * _CH
            pltpu.async_copy(src_hbm.at[pl.ds(base, _CH)], idx_s, isem)
            pltpu.async_copy(tgt_hbm.at[pl.ds(base, _CH)], idx_t, isem)
            pltpu.async_copy(nw_hbm.at[pl.ds(base, _CH)],
                             nwb.at[pl.ds(0, _CH)], isem)

        def stage2(sl, drain_scatter):
            idx_s, idx_t, nwb, cmsg, vrows, isem, vsem, csem, ssem = sl
            if drain_scatter is not None:
                @pl.when(drain_scatter)
                def _drain():
                    pltpu.make_async_copy(cmsg, acc.at[idx_t], ssem).wait()
            pltpu.make_async_copy(
                src_hbm.at[pl.ds(0, _CH)], idx_s, isem).wait()
            pltpu.make_async_copy(
                tgt_hbm.at[pl.ds(0, _CH)], idx_t, isem).wait()
            pltpu.make_async_copy(
                nw_hbm.at[pl.ds(0, _CH)], nwb.at[pl.ds(0, _CH)], isem).wait()
            pltpu.async_copy(v_hbm.at[idx_s], vrows, vsem)
            pltpu.async_copy(co_hbm.at[idx_t], cmsg, csem)

        def gather_wait(sl):
            idx_s, idx_t, nwb, cmsg, vrows, isem, vsem, csem, ssem = sl
            pltpu.make_async_copy(v_hbm.at[idx_s], vrows, vsem).wait()
            pltpu.make_async_copy(co_hbm.at[idx_t], cmsg, csem).wait()

        def compute_chunk(sl):
            idx_s, idx_t, nwb, cmsg, vrows, isem, vsem, csem, ssem = sl

            def edge_body(ei, ecarry):
                grp = (ei // _LN) * _LN
                nwv = _bcast_lane(nwb[pl.ds(grp, _LN)], ei - grp)
                srow = cmsg[ei, pl.ds(0, _LN)] * nwv
                cf = [_bcast_lane(srow, kk) for kk in range(8)]

                def vld2(term, j):
                    w = vrows[ei, pl.ds(term * (o // 2) + j * _LN, _LN)]
                    lo = lax.bitcast_convert_type(w << 16, jnp.float32)
                    hi = lax.bitcast_convert_type(
                        w & jnp.int32(-65536), jnp.float32)
                    return lo, hi

                for j in range(o // (2 * _LN)):
                    alo, ahi = vld2(0, j)
                    alo = nwv * alo
                    ahi = nwv * ahi
                    for kk in range(4):
                        plo, phi = vld2(1 + kk, j)
                        alo = alo + cf[kk] * plo
                        ahi = ahi + cf[kk] * phi
                        qlo, qhi = vld2(5 + kk, j)
                        alo = alo + cf[4 + kk] * qlo
                        ahi = ahi + cf[4 + kk] * qhi
                    cmsg[ei, pl.ds(j * 2 * _LN, _LN)] = alo
                    cmsg[ei, pl.ds(j * 2 * _LN + _LN, _LN)] = ahi
                return ecarry
            lax.fori_loop(0, _CH, edge_body, 0)

        stage1(wid, slots[0])
        stage1(wid + nw_workers, slots[1])
        stage2(slots[0], None)

        def pair_body(it, carry):
            for b in (0, 1):
                ci = 2 * it + b
                cid = wid + ci * nw_workers

                @pl.when(cid < tch)
                def _do_chunk():
                    sl = slots[b]
                    gather_wait(sl)

                    @pl.when(cid + nw_workers < tch)
                    def _fire_next_gathers():
                        stage2(slots[1 - b], ci >= 1 if b == 0 else True)

                    compute_chunk(sl)
                    pltpu.async_copy(sl[3], acc.at[sl[1]], sl[8], add=True)

                    @pl.when(cid + 2 * nw_workers < tch)
                    def _prefetch_ids():
                        stage1(cid + 2 * nw_workers, sl)
            return carry
        lax.fori_loop(0, (nit + 1) // 2, pair_body, 0)
        for b in (0, 1):
            pltpu.make_async_copy(slots[b][3], acc.at[slots[b][1]],
                                  slots[b][8]).wait()
        plsc.subcore_barrier()

        def ocopy(t, carry):
            rows = pl.ds(my_base + t * zc, zc)
            pltpu.sync_copy(acc.at[rows], out_hbm.at[c, rows])
            return carry
        lax.fori_loop(0, my_rows // zc, ocopy, 0)

    return sc_edges


def kernel(f, bases_c, bases_s, bases_0, directed_edges, node_weights,
           weights_c, weights_s, weights_0):
    del bases_0
    b, i, n = f.shape
    o = weights_0.shape[1]
    k = weights_c.shape[2]
    e = directed_edges.shape[1]
    vw = (2 * k + 1) * o

    fp = f[0]
    bc = bases_c[0, :, :, 0]
    bs = bases_s[0, :, :, 0]
    tgt = directed_edges[0, :, 0, 0]
    src = directed_edges[0, :, 1, 0]
    nw = node_weights[0, :, 0]
    w0 = weights_0[:, :, 0, 0]
    wcat = jnp.concatenate(
        [w0] + [weights_c[:, :, kk, 0] for kk in range(k)]
             + [weights_s[:, :, kk, 0] for kk in range(k)], axis=1)
    tw = ((vw // 2 + 127) // 128) * 128

    nb = 1024
    npad = ((n + nb - 1) // nb) * nb
    fpad = jnp.pad(fp, ((0, 0), (0, npad - n)))
    bcp = jnp.pad(bc, ((0, npad - n), (0, 0)))
    bsp = jnp.pad(bs, ((0, npad - n), (0, 0)))

    v_table = pl.pallas_call(
        functools.partial(_v_table_body, o=o, k=k, tw=tw),
        grid=(npad // nb,),
        in_specs=[
            pl.BlockSpec((i, nb), lambda g: (0, g)),
            pl.BlockSpec((i, vw), lambda g: (0, 0)),
            pl.BlockSpec((nb, k), lambda g: (g, 0)),
            pl.BlockSpec((nb, k), lambda g: (g, 0)),
        ],
        out_specs=pl.BlockSpec((nb, tw), lambda g: (g, 0)),
        out_shape=jax.ShapeDtypeStruct((npad, tw), jnp.int32),
    )(fpad, wcat, bcp, bsp)

    coeff = jnp.concatenate(
        [bc, bs, jnp.zeros((n, o - 2 * k), jnp.float32)], axis=1)

    halves = _make_sc_edge_kernel(n, e, o, tw)(v_table, coeff, src, tgt, nw)
    out = halves[0] + halves[1]
    return jnp.transpose(out)[None]

# --- scband reference (transcript-rebuilt; emitter-appended) ---
"""Pipeline reference for scband-spectral-conv-local-66700842107120 (READ-ONLY COPY).

The authoritative reference and input builder live on the scoring server;
editing this copy changes nothing except your own understanding.
"""

import jax, jax.numpy as jnp
import numpy as np

B, N, E, I, O, K, M = 1, 10000, 160000, 128, 128, 4, 1


def setup_inputs(seed: int = 0):
    key = jax.random.key(seed)
    ks = jax.random.split(key, 9)
    scale = 1.0 / (I * O)
    return {
        'f': jax.random.normal(ks[0], (B, I, N), dtype=jnp.float32),
        'bases_c': jax.random.normal(ks[1], (B, N, K, M), dtype=jnp.float32),
        'bases_s': jax.random.normal(ks[2], (B, N, K, M), dtype=jnp.float32),
        'bases_0': jax.random.normal(ks[3], (B, N, 1, M), dtype=jnp.float32),
        'directed_edges': jax.random.randint(ks[4], (B, E, 2, M), 0, N, dtype=jnp.int32),
        'node_weights': jax.random.uniform(ks[5], (B, E, M), dtype=jnp.float32),
        'weights_c': scale * jax.random.uniform(ks[6], (I, O, K, M), dtype=jnp.float32),
        'weights_s': scale * jax.random.uniform(ks[7], (I, O, K, M), dtype=jnp.float32),
        'weights_0': scale * jax.random.uniform(ks[8], (I, O, 1, M), dtype=jnp.float32),
    }


def reference(f, bases_c, bases_s, bases_0, directed_edges, node_weights, weights_c, weights_s, weights_0):
    # f: [B, I, N] -> [B, N, I]
    fp = jnp.transpose(f, (0, 2, 1))
    b, n, i = fp.shape
    m_total = node_weights.shape[-1]
    f_out = jnp.zeros((b, n, i), dtype=fp.dtype)
    bidx = jnp.arange(b)[:, None]
    for m in range(m_total):
        target = directed_edges[..., 0, m]  # [B, E]
        source = directed_edges[..., 1, m]  # [B, E]
        wc = weights_c[..., m]   # [I, O, K]
        ws = weights_s[..., m]   # [I, O, K]
        w0 = weights_0[..., 0, m]  # [I, O]
        # gather source node features and scale by quadrature weights
        f_src = fp[bidx, source] * node_weights[..., m][..., None]  # [B, E, I]
        bc = bases_c[..., m]  # [B, N, K]
        bs = bases_s[..., m]  # [B, N, K]
        bct = bc[bidx, target]
        bcs = bc[bidx, source]
        bst = bs[bidx, target]
        bss = bs[bidx, source]
        message = jnp.einsum('io,bei->beo', w0, f_src)
        # cos-cos + sin-sin term
        message = message + 2.0 * jnp.einsum('iok,bek,bei->beo', wc, bct * bcs + bst * bss, f_src)
        # cos-sin - sin-cos term
        message = message + 2.0 * jnp.einsum('iok,bek,bei->beo', ws, bct * bss - bst * bcs, f_src)
        # scatter-add messages to target nodes
        f_out = f_out.at[bidx, target].add(message)
    return jnp.transpose(f_out, (0, 2, 1))

if __name__ == "__main__":
    import jax
    _d = setup_inputs()
    print(jax.jit(kernel)(*tuple(_d.values())))

</pallas_src>

<mosaic_0001>
#map = affine_map<(d0, d1) -> (0, 0)>
#map1 = affine_map<(d0, d1) -> (0)>
#map2 = affine_map<(d0, d1) -> (0, 0, 0)>
module attributes {stable_mosaic.version = 14 : i64} {
  func.func @sc_edges(%arg0: i32, %arg1: i32, %arg2: memref<10240x640xi32, #tpu.memory_space<hbm>>, %arg3: memref<10000x128xf32, #tpu.memory_space<hbm>>, %arg4: memref<160000xi32, #tpu.memory_space<hbm>>, %arg5: memref<160000xi32, #tpu.memory_space<hbm>>, %arg6: memref<160000xf32, #tpu.memory_space<hbm>>, %arg7: memref<2x10000x128xf32, #tpu.memory_space<hbm>>, %arg8: memref<32xi32, #tpu.memory_space<vmem>>, %arg9: memref<32xi32, #tpu.memory_space<vmem>>, %arg10: memref<32xi32, #tpu.memory_space<vmem>>, %arg11: memref<32xi32, #tpu.memory_space<vmem>>, %arg12: memref<48xf32, #tpu.memory_space<vmem>>, %arg13: memref<48xf32, #tpu.memory_space<vmem>>, %arg14: memref<32x128xf32, #tpu.memory_space<vmem>>, %arg15: memref<32x128xf32, #tpu.memory_space<vmem>>, %arg16: memref<32x640xi32, #tpu.memory_space<vmem>>, %arg17: memref<32x640xi32, #tpu.memory_space<vmem>>, %arg18: memref<10000x128xf32, #tpu.memory_space<vmem_shared>>, %arg19: memref<!tpu.dma_semaphore, #tpu.memory_space<semaphore_mem>>, %arg20: memref<!tpu.dma_semaphore, #tpu.memory_space<semaphore_mem>>, %arg21: memref<!tpu.dma_semaphore, #tpu.memory_space<semaphore_mem>>, %arg22: memref<!tpu.dma_semaphore, #tpu.memory_space<semaphore_mem>>, %arg23: memref<!tpu.dma_semaphore, #tpu.memory_space<semaphore_mem>>, %arg24: memref<!tpu.dma_semaphore, #tpu.memory_space<semaphore_mem>>, %arg25: memref<!tpu.dma_semaphore, #tpu.memory_space<semaphore_mem>>, %arg26: memref<!tpu.dma_semaphore, #tpu.memory_space<semaphore_mem>>) attributes {dimension_semantics = [#tpu.dimension_semantics<core_parallel>, #tpu.dimension_semantics<subcore_parallel>], iteration_bounds = array<i64: 2, 16>, scalar_prefetch = 0 : i64, scratch_operands = 19 : i64, tpu.core_type = #tpu.core_type<sc_vector_subcore>, window_params = [{transform_indices = #map}, {transform_indices = #map}, {transform_indices = #map1}, {transform_indices = #map1}, {transform_indices = #map1}, {transform_indices = #map2}]} {
    %mul3A = arith.constant 2 : i32
    %mul3A_0 = arith.muli %arg1, %mul3A : i32
    %add3A = arith.addi %mul3A_0, %arg0 : i32
    %eq3A = arith.constant 15 : i32
    %eq3A_1 = arith.cmpi eq, %arg1, %eq3A : i32
    %jit3A = arith.constant 520 : i32
    %jit3A_2 = arith.constant 632 : i32
    %select_n3A = arith.select %eq3A_1, %jit3A, %jit3A_2 : i32
    %mul3A_3 = arith.constant 632 : i32
    %mul3A_4 = arith.muli %arg1, %mul3A_3 : i32
    %scan3A = arith.constant 0 : i32
    %scan3A_5 = arith.constant 0 : i32
    %scan3A_6 = arith.constant 8 : i32
    %scan3A_7 = arith.addi %scan3A_5, %scan3A_6 : i32
    %scan3A_8 = arith.constant 1 : i32
    scf.for %scan3A_130 = %scan3A_5 to %scan3A_7 step %scan3A_8  : i32 {
      %broadcast_in_dim3A = arith.constant 0.000000e+00 : f32
      %broadcast_in_dim3A_131 = vector.broadcast %broadcast_in_dim3A : f32 to vector<16xf32>
      %swap3A = arith.index_cast %scan3A_130 : i32 to index
      %swap3A_132 = arith.constant 0 : index
      %swap3A_133 = tpu.vector_load %arg14[%swap3A, %swap3A_132] {strides = array<i32>} : memref<32x128xf32, #tpu.memory_space<vmem>>, vector<1x16xf32>,
      %swap3A_134 = vector.shape_cast %swap3A_133 : vector<1x16xf32> to vector<16xf32>
      %swap3A_135 = vector.shape_cast %broadcast_in_dim3A_131 : vector<16xf32> to vector<1x16xf32>
      tpu.vector_store %arg14[%swap3A, %swap3A_132], %swap3A_135 {strides = array<i32>} : memref<32x128xf32, #tpu.memory_space<vmem>>, vector<1x16xf32>,
      %broadcast_in_dim3A_136 = arith.constant 0.000000e+00 : f32
      %broadcast_in_dim3A_137 = vector.broadcast %broadcast_in_dim3A_136 : f32 to vector<16xf32>
      %swap3A_138 = arith.index_cast %scan3A_130 : i32 to index
      %swap3A_139 = arith.constant 16 : index
      %swap3A_140 = tpu.vector_load %arg14[%swap3A_138, %swap3A_139] {strides = array<i32>} : memref<32x128xf32, #tpu.memory_space<vmem>>, vector<1x16xf32>,
      %swap3A_141 = vector.shape_cast %swap3A_140 : vector<1x16xf32> to vector<16xf32>
      %swap3A_142 = vector.shape_cast %broadcast_in_dim3A_137 : vector<16xf32> to vector<1x16xf32>
      tpu.vector_store %arg14[%swap3A_138, %swap3A_139], %swap3A_142 {strides = array<i32>} : memref<32x128xf32, #tpu.memory_space<vmem>>, vector<1x16xf32>,
      %broadcast_in_dim3A_143 = arith.constant 0.000000e+00 : f32
      %broadcast_in_dim3A_144 = vector.broadcast %broadcast_in_dim3A_143 : f32 to vector<16xf32>
      %swap3A_145 = arith.index_cast %scan3A_130 : i32 to index
      %swap3A_146 = arith.constant 32 : index
      %swap3A_147 = tpu.vector_load %arg14[%swap3A_145, %swap3A_146] {strides = array<i32>} : memref<32x128xf32, #tpu.memory_space<vmem>>, vector<1x16xf32>,
      %swap3A_148 = vector.shape_cast %swap3A_147 : vector<1x16xf32> to vector<16xf32>
      %swap3A_149 = vector.shape_cast %broadcast_in_dim3A_144 : vector<16xf32> to vector<1x16xf32>
      tpu.vector_store %arg14[%swap3A_145, %swap3A_146], %swap3A_149 {strides = array<i32>} : memref<32x128xf32, #tpu.memory_space<vmem>>, vector<1x16xf32>,
      %broadcast_in_dim3A_150 = arith.constant 0.000000e+00 : f32
      %broadcast_in_dim3A_151 = vector.broadcast %broadcast_in_dim3A_150 : f32 to vector<16xf32>
      %swap3A_152 = arith.index_cast %scan3A_130 : i32 to index
      %swap3A_153 = arith.constant 48 : index
      %swap3A_154 = tpu.vector_load %arg14[%swap3A_152, %swap3A_153] {strides = array<i32>} : memref<32x128xf32, #tpu.memory_space<vmem>>, vector<1x16xf32>,
      %swap3A_155 = vector.shape_cast %swap3A_154 : vector<1x16xf32> to vector<16xf32>
      %swap3A_156 = vector.shape_cast %broadcast_in_dim3A_151 : vector<16xf32> to vector<1x16xf32>
      tpu.vector_store %arg14[%swap3A_152, %swap3A_153], %swap3A_156 {strides = array<i32>} : memref<32x128xf32, #tpu.memory_space<vmem>>, vector<1x16xf32>,
      %broadcast_in_dim3A_157 = arith.constant 0.000000e+00 : f32
      %broadcast_in_dim3A_158 = vector.broadcast %broadcast_in_dim3A_157 : f32 to vector<16xf32>
      %swap3A_159 = arith.index_cast %scan3A_130 : i32 to index
      %swap3A_160 = arith.constant 64 : index
      %swap3A_161 = tpu.vector_load %arg14[%swap3A_159, %swap3A_160] {strides = array<i32>} : memref<32x128xf32, #tpu.memory_space<vmem>>, vector<1x16xf32>,
      %swap3A_162 = vector.shape_cast %swap3A_161 : vector<1x16xf32> to vector<16xf32>
      %swap3A_163 = vector.shape_cast %broadcast_in_dim3A_158 : vector<16xf32> to vector<1x16xf32>
      tpu.vector_store %arg14[%swap3A_159, %swap3A_160], %swap3A_163 {strides = array<i32>} : memref<32x128xf32, #tpu.memory_space<vmem>>, vector<1x16xf32>,
      %broadcast_in_dim3A_164 = arith.constant 0.000000e+00 : f32
      %broadcast_in_dim3A_165 = vector.broadcast %broadcast_in_dim3A_164 : f32 to vector<16xf32>
      %swap3A_166 = arith.index_cast %scan3A_130 : i32 to index
      %swap3A_167 = arith.constant 80 : index
      %swap3A_168 = tpu.vector_load %arg14[%swap3A_166, %swap3A_167] {strides = array<i32>} : memref<32x128xf32, #tpu.memory_space<vmem>>, vector<1x16xf32>,
      %swap3A_169 = vector.shape_cast %swap3A_168 : vector<1x16xf32> to vector<16xf32>
      %swap3A_170 = vector.shape_cast %broadcast_in_dim3A_165 : vector<16xf32> to vector<1x16xf32>
      tpu.vector_store %arg14[%swap3A_166, %swap3A_167], %swap3A_170 {strides = array<i32>} : memref<32x128xf32, #tpu.memory_space<vmem>>, vector<1x16xf32>,
      %broadcast_in_dim3A_171 = arith.constant 0.000000e+00 : f32
      %broadcast_in_dim3A_172 = vector.broadcast %broadcast_in_dim3A_171 : f32 to vector<16xf32>
      %swap3A_173 = arith.index_cast %scan3A_130 : i32 to index
      %swap3A_174 = arith.constant 96 : index
      %swap3A_175 = tpu.vector_load %arg14[%swap3A_173, %swap3A_174] {strides = array<i32>} : memref<32x128xf32, #tpu.memory_space<vmem>>, vector<1x16xf32>,
      %swap3A_176 = vector.shape_cast %swap3A_175 : vector<1x16xf32> to vector<16xf32>
      %swap3A_177 = vector.shape_cast %broadcast_in_dim3A_172 : vector<16xf32> to vector<1x16xf32>
      tpu.vector_store %arg14[%swap3A_173, %swap3A_174], %swap3A_177 {strides = array<i32>} : memref<32x128xf32, #tpu.memory_space<vmem>>, vector<1x16xf32>,
      %broadcast_in_dim3A_178 = arith.constant 0.000000e+00 : f32
      %broadcast_in_dim3A_179 = vector.broadcast %broadcast_in_dim3A_178 : f32 to vector<16xf32>
      %swap3A_180 = arith.index_cast %scan3A_130 : i32 to index
      %swap3A_181 = arith.constant 112 : index
      %swap3A_182 = tpu.vector_load %arg14[%swap3A_180, %swap3A_181] {strides = array<i32>} : memref<32x128xf32, #tpu.memory_space<vmem>>, vector<1x16xf32>,
      %swap3A_183 = vector.shape_cast %swap3A_182 : vector<1x16xf32> to vector<16xf32>
      %swap3A_184 = vector.shape_cast %broadcast_in_dim3A_179 : vector<16xf32> to vector<1x16xf32>
      tpu.vector_store %arg14[%swap3A_180, %swap3A_181], %swap3A_184 {strides = array<i32>} : memref<32x128xf32, #tpu.memory_space<vmem>>, vector<1x16xf32>,
    }
    %scan3A_9 = arith.constant 8 : i32
    %jit3A_10 = arith.constant 8 : i32
    %div3A = arith.divsi %select_n3A, %jit3A_10 : i32
    %sign3A = arith.constant 0 : i32
    %sign3A_11 = arith.cmpi sgt, %select_n3A, %sign3A : i32
    %sign3A_12 = arith.extui %sign3A_11 : i1 to i32
    %sign3A_13 = arith.constant 0 : i32
    %sign3A_14 = arith.cmpi slt, %select_n3A, %sign3A_13 : i32
    %sign3A_15 = arith.extui %sign3A_14 : i1 to i32
    %sign3A_16 = arith.subi %sign3A_12, %sign3A_15 : i32
    %sign3A_17 = arith.constant 0 : i32
    %sign3A_18 = arith.cmpi sgt, %jit3A_10, %sign3A_17 : i32
    %sign3A_19 = arith.extui %sign3A_18 : i1 to i32
    %sign3A_20 = arith.constant 0 : i32
    %sign3A_21 = arith.cmpi slt, %jit3A_10, %sign3A_20 : i32
    %sign3A_22 = arith.extui %sign3A_21 : i1 to i32
    %sign3A_23 = arith.subi %sign3A_19, %sign3A_22 : i32
    %ne3A = arith.cmpi ne, %sign3A_16, %sign3A_23 : i32
    %rem3A = arith.remsi %select_n3A, %jit3A_10 : i32
    %ne3A_24 = arith.constant 0 : i32
    %ne3A_25 = arith.cmpi ne, %rem3A, %ne3A_24 : i32
    %and3A = arith.andi %ne3A, %ne3A_25 : i1
    %sub3A = arith.constant 1 : i32
    %sub3A_26 = arith.subi %div3A, %sub3A : i32
    %select_n3A_27 = arith.select %and3A, %sub3A_26, %div3A : i32
    %while3A = arith.constant 0 : i32
    %while3A_28 = arith.constant 0 : i32
    %while3A_29 = arith.subi %select_n3A_27, %while3A_28 : i32
    %while3A_30 = arith.addi %while3A_28, %while3A_29 : i32
    %while3A_31 = arith.constant 1 : i32
    %while3A_32 = arith.divsi %while3A_29, %while3A_31 : i32
    %while3A_33 = arith.muli %while3A_32, %while3A_31 : i32
    %while3A_34 = arith.addi %while3A_28, %while3A_33 : i32
    %while3A_35 = arith.constant 1 : i32
    scf.for %while3A_130 = %while3A_28 to %while3A_34 step %while3A_35  : i32 {
      %mul3A_131 = arith.constant 8 : i32
      %mul3A_132 = arith.muli %while3A_130, %mul3A_131 : i32
      %add3A_133 = arith.addi %mul3A_4, %mul3A_132 : i32
      "tpu.region"() ({
        %run_scoped3A = tpu.sem_alloc : memref<!tpu.dma_semaphore, #tpu.memory_space<semaphore_mem>>
        %dma_start3A_134 = arith.constant 0 : i32
        %dma_start3A_135 = arith.constant 0 : i32
        %dma_start3A_136 = tpu.memref_slice %arg14[%dma_start3A_134, %dma_start3A_135] : memref<32x128xf32, #tpu.memory_space<vmem>> -> memref<8x128xf32, #tpu.memory_space<vmem>>
        %dma_start3A_137 = arith.constant 0 : i32
        %dma_start3A_138 = tpu.memref_slice %arg18[%add3A_133, %dma_start3A_137] : memref<10000x128xf32, #tpu.memory_space<vmem_shared>> -> memref<8x128xf32, #tpu.memory_space<vmem_shared>>
        %dma_start3A_139 = arith.constant 0 : i32
        %dma_start3A_140 = tpu.memref_slice %arg18[%add3A_133, %dma_start3A_139] : memref<10000x128xf32, #tpu.memory_space<vmem_shared>> -> memref<8x128xf32, #tpu.memory_space<vmem_shared>>
        %dma_start3A_141 = arith.constant 0 : i32
        %dma_start3A_142 = arith.constant 0 : i32
        %dma_start3A_143 = tpu.memref_slice %arg14[%dma_start3A_141, %dma_start3A_142] : memref<32x128xf32, #tpu.memory_space<vmem>> -> memref<8x128xf32, #tpu.memory_space<vmem>>
        tpu.enqueue_dma source(%dma_start3A_143 : memref<8x128xf32, #tpu.memory_space<vmem>>) target(%dma_start3A_140 : memref<8x128xf32, #tpu.memory_space<vmem_shared>>) target_semaphore(%run_scoped3A : memref<!tpu.dma_semaphore, #tpu.memory_space<semaphore_mem>>)
        %dma_wait3A_144 = arith.constant 0 : i32
        %dma_wait3A_145 = arith.constant 0 : i32
        %dma_wait3A_146 = tpu.memref_slice %arg14[%dma_wait3A_144, %dma_wait3A_145] : memref<32x128xf32, #tpu.memory_space<vmem>> -> memref<8x128xf32, #tpu.memory_space<vmem>>
        %dma_wait3A_147 = arith.constant 0 : i32
        %dma_wait3A_148 = tpu.memref_slice %arg18[%add3A_133, %dma_wait3A_147] : memref<10000x128xf32, #tpu.memory_space<vmem_shared>> -> memref<8x128xf32, #tpu.memory_space<vmem_shared>>
        %dma_wait3A_149 = arith.constant 0 : i32
        %dma_wait3A_150 = tpu.memref_slice %arg18[%add3A_133, %dma_wait3A_149] : memref<10000x128xf32, #tpu.memory_space<vmem_shared>> -> memref<8x128xf32, #tpu.memory_space<vmem_shared>>
        %dma_wait3A_151 = arith.constant 0 : i32
        %dma_wait3A_152 = arith.constant 0 : i32
        %dma_wait3A_153 = tpu.memref_slice %arg14[%dma_wait3A_151, %dma_wait3A_152] : memref<32x128xf32, #tpu.memory_space<vmem>> -> memref<8x128xf32, #tpu.memory_space<vmem>>
        tpu.wait_dma2 semaphore(%run_scoped3A : memref<!tpu.dma_semaphore, #tpu.memory_space<semaphore_mem>>) src(%dma_wait3A_153 : memref<8x128xf32, #tpu.memory_space<vmem>>) dst(%dma_wait3A_150 : memref<8x128xf32, #tpu.memory_space<vmem_shared>>)
        tpu.yield
      }) : () -> ()
    }
    %while3A_36 = arith.constant 1 : i32
    scf.for %while3A_130 = %while3A_34 to %while3A_30 step %while3A_36  : i32 {
      %mul3A_131 = arith.constant 8 : i32
      %mul3A_132 = arith.muli %while3A_130, %mul3A_131 : i32
      %add3A_133 = arith.addi %mul3A_4, %mul3A_132 : i32
      "tpu.region"() ({
        %run_scoped3A = tpu.sem_alloc : memref<!tpu.dma_semaphore, #tpu.memory_space<semaphore_mem>>
        %dma_start3A_134 = arith.constant 0 : i32
        %dma_start3A_135 = arith.constant 0 : i32
        %dma_start3A_136 = tpu.memref_slice %arg14[%dma_start3A_134, %dma_start3A_135] : memref<32x128xf32, #tpu.memory_space<vmem>> -> memref<8x128xf32, #tpu.memory_space<vmem>>
        %dma_start3A_137 = arith.constant 0 : i32
        %dma_start3A_138 = tpu.memref_slice %arg18[%add3A_133, %dma_start3A_137] : memref<10000x128xf32, #tpu.memory_space<vmem_shared>> -> memref<8x128xf32, #tpu.memory_space<vmem_shared>>
        %dma_start3A_139 = arith.constant 0 : i32
        %dma_start3A_140 = tpu.memref_slice %arg18[%add3A_133, %dma_start3A_139] : memref<10000x128xf32, #tpu.memory_space<vmem_shared>> -> memref<8x128xf32, #tpu.memory_space<vmem_shared>>
        %dma_start3A_141 = arith.constant 0 : i32
        %dma_start3A_142 = arith.constant 0 : i32
        %dma_start3A_143 = tpu.memref_slice %arg14[%dma_start3A_141, %dma_start3A_142] : memref<32x128xf32, #tpu.memory_space<vmem>> -> memref<8x128xf32, #tpu.memory_space<vmem>>
        tpu.enqueue_dma source(%dma_start3A_143 : memref<8x128xf32, #tpu.memory_space<vmem>>) target(%dma_start3A_140 : memref<8x128xf32, #tpu.memory_space<vmem_shared>>) target_semaphore(%run_scoped3A : memref<!tpu.dma_semaphore, #tpu.memory_space<semaphore_mem>>)
        %dma_wait3A_144 = arith.constant 0 : i32
        %dma_wait3A_145 = arith.constant 0 : i32
        %dma_wait3A_146 = tpu.memref_slice %arg14[%dma_wait3A_144, %dma_wait3A_145] : memref<32x128xf32, #tpu.memory_space<vmem>> -> memref<8x128xf32, #tpu.memory_space<vmem>>
        %dma_wait3A_147 = arith.constant 0 : i32
        %dma_wait3A_148 = tpu.memref_slice %arg18[%add3A_133, %dma_wait3A_147] : memref<10000x128xf32, #tpu.memory_space<vmem_shared>> -> memref<8x128xf32, #tpu.memory_space<vmem_shared>>
        %dma_wait3A_149 = arith.constant 0 : i32
        %dma_wait3A_150 = tpu.memref_slice %arg18[%add3A_133, %dma_wait3A_149] : memref<10000x128xf32, #tpu.memory_space<vmem_shared>> -> memref<8x128xf32, #tpu.memory_space<vmem_shared>>
        %dma_wait3A_151 = arith.constant 0 : i32
        %dma_wait3A_152 = arith.constant 0 : i32
        %dma_wait3A_153 = tpu.memref_slice %arg14[%dma_wait3A_151, %dma_wait3A_152] : memref<32x128xf32, #tpu.memory_space<vmem>> -> memref<8x128xf32, #tpu.memory_space<vmem>>
        tpu.wait_dma2 semaphore(%run_scoped3A : memref<!tpu.dma_semaphore, #tpu.memory_space<semaphore_mem>>) src(%dma_wait3A_153 : memref<8x128xf32, #tpu.memory_space<vmem>>) dst(%dma_wait3A_150 : memref<8x128xf32, #tpu.memory_space<vmem_shared>>)
        tpu.yield
      }) : () -> ()
    }
    %barrier3A = arith.constant 0 : index
    tpu.barrier barrier_id(%barrier3A)
    %mul3A_37 = arith.constant 32 : i32
    %mul3A_38 = arith.muli %add3A, %mul3A_37 : i32
    %dma_start3A = tpu.memref_slice %arg4[%mul3A_38] : memref<160000xi32, #tpu.memory_space<hbm>> -> memref<32xi32, #tpu.memory_space<hbm>>
    %dma_start3A_39 = tpu.memref_slice %arg4[%mul3A_38] : memref<160000xi32, #tpu.memory_space<hbm>> -> memref<32xi32, #tpu.memory_space<hbm>>
    tpu.enqueue_dma source(%dma_start3A_39 : memref<32xi32, #tpu.memory_space<hbm>>) target(%arg8 : memref<32xi32, #tpu.memory_space<vmem>>) target_semaphore(%arg19 : memref<!tpu.dma_semaphore, #tpu.memory_space<semaphore_mem>>)
    %dma_start3A_40 = tpu.memref_slice %arg5[%mul3A_38] : memref<160000xi32, #tpu.memory_space<hbm>> -> memref<32xi32, #tpu.memory_space<hbm>>
    %dma_start3A_41 = tpu.memref_slice %arg5[%mul3A_38] : memref<160000xi32, #tpu.memory_space<hbm>> -> memref<32xi32, #tpu.memory_space<hbm>>
    tpu.enqueue_dma source(%dma_start3A_41 : memref<32xi32, #tpu.memory_space<hbm>>) target(%arg10 : memref<32xi32, #tpu.memory_space<vmem>>) target_semaphore(%arg19 : memref<!tpu.dma_semaphore, #tpu.memory_space<semaphore_mem>>)
    %dma_start3A_42 = arith.constant 0 : i32
    %dma_start3A_43 = tpu.memref_slice %arg12[%dma_start3A_42] : memref<48xf32, #tpu.memory_space<vmem>> -> memref<32xf32, #tpu.memory_space<vmem>>
    %dma_start3A_44 = tpu.memref_slice %arg6[%mul3A_38] : memref<160000xf32, #tpu.memory_space<hbm>> -> memref<32xf32, #tpu.memory_space<hbm>>
    %dma_start3A_45 = arith.constant 0 : i32
    %dma_start3A_46 = tpu.memref_slice %arg12[%dma_start3A_45] : memref<48xf32, #tpu.memory_space<vmem>> -> memref<32xf32, #tpu.memory_space<vmem>>
    %dma_start3A_47 = tpu.memref_slice %arg6[%mul3A_38] : memref<160000xf32, #tpu.memory_space<hbm>> -> memref<32xf32, #tpu.memory_space<hbm>>
    tpu.enqueue_dma source(%dma_start3A_47 : memref<32xf32, #tpu.memory_space<hbm>>) target(%dma_start3A_46 : memref<32xf32, #tpu.memory_space<vmem>>) target_semaphore(%arg19 : memref<!tpu.dma_semaphore, #tpu.memory_space<semaphore_mem>>)
    %add3A_48 = arith.constant 32 : i32
    %add3A_49 = arith.addi %add3A, %add3A_48 : i32
    %mul3A_50 = arith.constant 32 : i32
    %mul3A_51 = arith.muli %add3A_49, %mul3A_50 : i32
    %dma_start3A_52 = tpu.memref_slice %arg4[%mul3A_51] : memref<160000xi32, #tpu.memory_space<hbm>> -> memref<32xi32, #tpu.memory_space<hbm>>
    %dma_start3A_53 = tpu.memref_slice %arg4[%mul3A_51] : memref<160000xi32, #tpu.memory_space<hbm>> -> memref<32xi32, #tpu.memory_space<hbm>>
    tpu.enqueue_dma source(%dma_start3A_53 : memref<32xi32, #tpu.memory_space<hbm>>) target(%arg9 : memref<32xi32, #tpu.memory_space<vmem>>) target_semaphore(%arg20 : memref<!tpu.dma_semaphore, #tpu.memory_space<semaphore_mem>>)
    %dma_start3A_54 = tpu.memref_slice %arg5[%mul3A_51] : memref<160000xi32, #tpu.memory_space<hbm>> -> memref<32xi32, #tpu.memory_space<hbm>>
    %dma_start3A_55 = tpu.memref_slice %arg5[%mul3A_51] : memref<160000xi32, #tpu.memory_space<hbm>> -> memref<32xi32, #tpu.memory_space<hbm>>
    tpu.enqueue_dma source(%dma_start3A_55 : memref<32xi32, #tpu.memory_space<hbm>>) target(%arg11 : memref<32xi32, #tpu.memory_space<vmem>>) target_semaphore(%arg20 : memref<!tpu.dma_semaphore, #tpu.memory_space<semaphore_mem>>)
    %dma_start3A_56 = arith.constant 0 : i32
    %dma_start3A_57 = tpu.memref_slice %arg13[%dma_start3A_56] : memref<48xf32, #tpu.memory_space<vmem>> -> memref<32xf32, #tpu.memory_space<vmem>>
    %dma_start3A_58 = tpu.memref_slice %arg6[%mul3A_51] : memref<160000xf32, #tpu.memory_space<hbm>> -> memref<32xf32, #tpu.memory_space<hbm>>
    %dma_start3A_59 = arith.constant 0 : i32
    %dma_start3A_60 = tpu.memref_slice %arg13[%dma_start3A_59] : memref<48xf32, #tpu.memory_space<vmem>> -> memref<32xf32, #tpu.memory_space<vmem>>
    %dma_start3A_61 = tpu.memref_slice %arg6[%mul3A_51] : memref<160000xf32, #tpu.memory_space<hbm>> -> memref<32xf32, #tpu.memory_space<hbm>>
    tpu.enqueue_dma source(%dma_start3A_61 : memref<32xf32, #tpu.memory_space<hbm>>) target(%dma_start3A_60 : memref<32xf32, #tpu.memory_space<vmem>>) target_semaphore(%arg20 : memref<!tpu.dma_semaphore, #tpu.memory_space<semaphore_mem>>)
    %dma_wait3A = arith.constant 0 : i32
    %dma_wait3A_62 = tpu.memref_slice %arg4[%dma_wait3A] : memref<160000xi32, #tpu.memory_space<hbm>> -> memref<32xi32, #tpu.memory_space<hbm>>
    %dma_wait3A_63 = arith.constant 0 : i32
    %dma_wait3A_64 = tpu.memref_slice %arg4[%dma_wait3A_63] : memref<160000xi32, #tpu.memory_space<hbm>> -> memref<32xi32, #tpu.memory_space<hbm>>
    tpu.wait_dma2 semaphore(%arg19 : memref<!tpu.dma_semaphore, #tpu.memory_space<semaphore_mem>>) src(%dma_wait3A_64 : memref<32xi32, #tpu.memory_space<hbm>>) dst(%arg8 : memref<32xi32, #tpu.memory_space<vmem>>)
    %dma_wait3A_65 = arith.constant 0 : i32
    %dma_wait3A_66 = tpu.memref_slice %arg5[%dma_wait3A_65] : memref<160000xi32, #tpu.memory_space<hbm>> -> memref<32xi32, #tpu.memory_space<hbm>>
    %dma_wait3A_67 = arith.constant 0 : i32
    %dma_wait3A_68 = tpu.memref_slice %arg5[%dma_wait3A_67] : memref<160000xi32, #tpu.memory_space<hbm>> -> memref<32xi32, #tpu.memory_space<hbm>>
    tpu.wait_dma2 semaphore(%arg19 : memref<!tpu.dma_semaphore, #tpu.memory_space<semaphore_mem>>) src(%dma_wait3A_68 : memref<32xi32, #tpu.memory_space<hbm>>) dst(%arg10 : memref<32xi32, #tpu.memory_space<vmem>>)
    %dma_wait3A_69 = arith.constant 0 : i32
    %dma_wait3A_70 = tpu.memref_slice %arg12[%dma_wait3A_69] : memref<48xf32, #tpu.memory_space<vmem>> -> memref<32xf32, #tpu.memory_space<vmem>>
    %dma_wait3A_71 = arith.constant 0 : i32
    %dma_wait3A_72 = tpu.memref_slice %arg6[%dma_wait3A_71] : memref<160000xf32, #tpu.memory_space<hbm>> -> memref<32xf32, #tpu.memory_space<hbm>>
    %dma_wait3A_73 = arith.constant 0 : i32
    %dma_wait3A_74 = tpu.memref_slice %arg12[%dma_wait3A_73] : memref<48xf32, #tpu.memory_space<vmem>> -> memref<32xf32, #tpu.memory_space<vmem>>
    %dma_wait3A_75 = arith.constant 0 : i32
    %dma_wait3A_76 = tpu.memref_slice %arg6[%dma_wait3A_75] : memref<160000xf32, #tpu.memory_space<hbm>> -> memref<32xf32, #tpu.memory_space<hbm>>
    tpu.wait_dma2 semaphore(%arg19 : memref<!tpu.dma_semaphore, #tpu.memory_space<semaphore_mem>>) src(%dma_wait3A_76 : memref<32xf32, #tpu.memory_space<hbm>>) dst(%dma_wait3A_74 : memref<32xf32, #tpu.memory_space<vmem>>)
    %dma_start3A_77 = arith.constant 0 : i32
    %dma_start3A_78 = arith.constant 0 : i32
    %dma_start3A_79 = tpu.memref_slice %arg2[%dma_start3A_77, %dma_start3A_78] : memref<10240x640xi32, #tpu.memory_space<hbm>> -> memref<10240x640xi32, #tpu.memory_space<hbm>>
    tpu.enqueue_indirect_dma source(%dma_start3A_79 : memref<10240x640xi32, #tpu.memory_space<hbm>>) target(%arg16 : memref<32x640xi32, #tpu.memory_space<vmem>>) offsets(%arg8 : memref<32xi32, #tpu.memory_space<vmem>>) semaphore(%arg21 : memref<!tpu.dma_semaphore, #tpu.memory_space<semaphore_mem>>)
    %dma_start3A_80 = arith.constant 0 : i32
    %dma_start3A_81 = arith.constant 0 : i32
    %dma_start3A_82 = tpu.memref_slice %arg3[%dma_start3A_80, %dma_start3A_81] : memref<10000x128xf32, #tpu.memory_space<hbm>> -> memref<10000x128xf32, #tpu.memory_space<hbm>>
    tpu.enqueue_indirect_dma source(%dma_start3A_82 : memref<10000x128xf32, #tpu.memory_space<hbm>>) target(%arg14 : memref<32x128xf32, #tpu.memory_space<vmem>>) offsets(%arg10 : memref<32xi32, #tpu.memory_space<vmem>>) semaphore(%arg23 : memref<!tpu.dma_semaphore, #tpu.memory_space<semaphore_mem>>)
    %scan3A_83 = arith.constant 0 : i32
    %scan3A_84 = arith.constant 0 : i32
    %scan3A_85 = arith.constant 79 : i32
    %scan3A_86 = arith.addi %scan3A_84, %scan3A_85 : i32
    %scan3A_87 = arith.constant 1 : i32
    scf.for %scan3A_130 = %scan3A_84 to %scan3A_86 step %scan3A_87  : i32 {
      %mul3A_131 = arith.constant 2 : i32
      %mul3A_132 = arith.muli %mul3A_131, %scan3A_130 : i32
      %add3A_133 = arith.constant 0 : i32
      %add3A_134 = arith.addi %mul3A_132, %add3A_133 : i32
      %mul3A_135 = arith.constant 32 : i32
      %mul3A_136 = arith.muli %add3A_134, %mul3A_135 : i32
      %add3A_137 = arith.addi %add3A, %mul3A_136 : i32
      %lt3A = arith.constant 5000 : i32
      %lt3A_138 = arith.cmpi slt, %add3A_137, %lt3A : i32
      %convert_element_type3A = arith.extui %lt3A_138 : i1 to i32
      %cond3A = arith.constant 0 : i32
      %cond3A_139 = arith.cmpi ne, %convert_element_type3A, %cond3A : i32
      scf.if %cond3A_139 {
        %dma_wait3A_152 = arith.constant 0 : i32
        %dma_wait3A_153 = arith.constant 0 : i32
        %dma_wait3A_154 = tpu.memref_slice %arg2[%dma_wait3A_152, %dma_wait3A_153] : memref<10240x640xi32, #tpu.memory_space<hbm>> -> memref<10240x640xi32, #tpu.memory_space<hbm>>
        tpu.wait_indirect_dma semaphore(%arg21 : memref<!tpu.dma_semaphore, #tpu.memory_space<semaphore_mem>>) src(%dma_wait3A_154 : memref<10240x640xi32, #tpu.memory_space<hbm>>) dst(%arg16 : memref<32x640xi32, #tpu.memory_space<vmem>>)
        %dma_wait3A_155 = arith.constant 0 : i32
        %dma_wait3A_156 = arith.constant 0 : i32
        %dma_wait3A_157 = tpu.memref_slice %arg3[%dma_wait3A_155, %dma_wait3A_156] : memref<10000x128xf32, #tpu.memory_space<hbm>> -> memref<10000x128xf32, #tpu.memory_space<hbm>>
        tpu.wait_indirect_dma semaphore(%arg23 : memref<!tpu.dma_semaphore, #tpu.memory_space<semaphore_mem>>) src(%dma_wait3A_157 : memref<10000x128xf32, #tpu.memory_space<hbm>>) dst(%arg14 : memref<32x128xf32, #tpu.memory_space<vmem>>)
        %add3A_158 = arith.constant 32 : i32
        %add3A_159 = arith.addi %add3A_137, %add3A_158 : i32
        %lt3A_160 = arith.constant 5000 : i32
        %lt3A_161 = arith.cmpi slt, %add3A_159, %lt3A_160 : i32
        %convert_element_type3A_162 = arith.extui %lt3A_161 : i1 to i32
        %cond3A_163 = arith.constant 0 : i32
        %cond3A_164 = arith.cmpi ne, %convert_element_type3A_162, %cond3A_163 : i32
        scf.if %cond3A_164 {
          %ge3A = arith.constant 1 : i32
          %ge3A_181 = arith.cmpi sge, %add3A_134, %ge3A : i32
          %convert_element_type3A_182 = arith.extui %ge3A_181 : i1 to i32
          %cond3A_183 = arith.constant 0 : i32
          %cond3A_184 = arith.cmpi ne, %convert_element_type3A_182, %cond3A_183 : i32
          scf.if %cond3A_184 {
            %dma_wait3A_207 = arith.constant 0 : i32
            %dma_wait3A_208 = arith.constant 0 : i32
            %dma_wait3A_209 = tpu.memref_slice %arg18[%dma_wait3A_207, %dma_wait3A_208] : memref<10000x128xf32, #tpu.memory_space<vmem_shared>> -> memref<10000x128xf32, #tpu.memory_space<vmem_shared>>
            tpu.wait_indirect_dma semaphore(%arg26 : memref<!tpu.dma_semaphore, #tpu.memory_space<semaphore_mem>>) src(%arg15 : memref<32x128xf32, #tpu.memory_space<vmem>>) dst(%dma_wait3A_209 : memref<10000x128xf32, #tpu.memory_space<vmem_shared>>)
          } else {
          }
          %dma_wait3A_185 = arith.constant 0 : i32
          %dma_wait3A_186 = tpu.memref_slice %arg4[%dma_wait3A_185] : memref<160000xi32, #tpu.memory_space<hbm>> -> memref<32xi32, #tpu.memory_space<hbm>>
          %dma_wait3A_187 = arith.constant 0 : i32
          %dma_wait3A_188 = tpu.memref_slice %arg4[%dma_wait3A_187] : memref<160000xi32, #tpu.memory_space<hbm>> -> memref<32xi32, #tpu.memory_space<hbm>>
          tpu.wait_dma2 semaphore(%arg20 : memref<!tpu.dma_semaphore, #tpu.memory_space<semaphore_mem>>) src(%dma_wait3A_188 : memref<32xi32, #tpu.memory_space<hbm>>) dst(%arg9 : memref<32xi32, #tpu.memory_space<vmem>>)
          %dma_wait3A_189 = arith.constant 0 : i32
          %dma_wait3A_190 = tpu.memref_slice %arg5[%dma_wait3A_189] : memref<160000xi32, #tpu.memory_space<hbm>> -> memref<32xi32, #tpu.memory_space<hbm>>
          %dma_wait3A_191 = arith.constant 0 : i32
          %dma_wait3A_192 = tpu.memref_slice %arg5[%dma_wait3A_191] : memref<160000xi32, #tpu.memory_space<hbm>> -> memref<32xi32, #tpu.memory_space<hbm>>
          tpu.wait_dma2 semaphore(%arg20 : memref<!tpu.dma_semaphore, #tpu.memory_space<semaphore_mem>>) src(%dma_wait3A_192 : memref<32xi32, #tpu.memory_space<hbm>>) dst(%arg11 : memref<32xi32, #tpu.memory_space<vmem>>)
          %dma_wait3A_193 = arith.constant 0 : i32
          %dma_wait3A_194 = tpu.memref_slice %arg13[%dma_wait3A_193] : memref<48xf32, #tpu.memory_space<vmem>> -> memref<32xf32, #tpu.memory_space<vmem>>
          %dma_wait3A_195 = arith.constant 0 : i32
          %dma_wait3A_196 = tpu.memref_slice %arg6[%dma_wait3A_195] : memref<160000xf32, #tpu.memory_space<hbm>> -> memref<32xf32, #tpu.memory_space<hbm>>
          %dma_wait3A_197 = arith.constant 0 : i32
          %dma_wait3A_198 = tpu.memref_slice %arg13[%dma_wait3A_197] : memref<48xf32, #tpu.memory_space<vmem>> -> memref<32xf32, #tpu.memory_space<vmem>>
          %dma_wait3A_199 = arith.constant 0 : i32
          %dma_wait3A_200 = tpu.memref_slice %arg6[%dma_wait3A_199] : memref<160000xf32, #tpu.memory_space<hbm>> -> memref<32xf32, #tpu.memory_space<hbm>>
          tpu.wait_dma2 semaphore(%arg20 : memref<!tpu.dma_semaphore, #tpu.memory_space<semaphore_mem>>) src(%dma_wait3A_200 : memref<32xf32, #tpu.memory_space<hbm>>) dst(%dma_wait3A_198 : memref<32xf32, #tpu.memory_space<vmem>>)
          %dma_start3A_201 = arith.constant 0 : i32
          %dma_start3A_202 = arith.constant 0 : i32
          %dma_start3A_203 = tpu.memref_slice %arg2[%dma_start3A_201, %dma_start3A_202] : memref<10240x640xi32, #tpu.memory_space<hbm>> -> memref<10240x640xi32, #tpu.memory_space<hbm>>
          tpu.enqueue_indirect_dma source(%dma_start3A_203 : memref<10240x640xi32, #tpu.memory_space<hbm>>) target(%arg17 : memref<32x640xi32, #tpu.memory_space<vmem>>) offsets(%arg9 : memref<32xi32, #tpu.memory_space<vmem>>) semaphore(%arg22 : memref<!tpu.dma_semaphore, #tpu.memory_space<semaphore_mem>>)
          %dma_start3A_204 = arith.constant 0 : i32
          %dma_start3A_205 = arith.constant 0 : i32
          %dma_start3A_206 = tpu.memref_slice %arg3[%dma_start3A_204, %dma_start3A_205] : memref<10000x128xf32, #tpu.memory_space<hbm>> -> memref<10000x128xf32, #tpu.memory_space<hbm>>
          tpu.enqueue_indirect_dma source(%dma_start3A_206 : memref<10000x128xf32, #tpu.memory_space<hbm>>) target(%arg15 : memref<32x128xf32, #tpu.memory_space<vmem>>) offsets(%arg11 : memref<32xi32, #tpu.memory_space<vmem>>) semaphore(%arg24 : memref<!tpu.dma_semaphore, #tpu.memory_space<semaphore_mem>>)
        } else {
        }
        %scan3A_165 = arith.constant 0 : i32
        %scan3A_166 = arith.constant 0 : i32
        %scan3A_167 = arith.constant 32 : i32
        %scan3A_168 = arith.addi %scan3A_166, %scan3A_167 : i32
        %scan3A_169 = arith.constant 1 : i32
        scf.for %scan3A_181 = %scan3A_166 to %scan3A_168 step %scan3A_169  : i32 {
          %jit3A_182 = arith.constant 16 : i32
          %div3A_183 = arith.divsi %scan3A_181, %jit3A_182 : i32
          %sign3A_184 = arith.constant 0 : i32
          %sign3A_185 = arith.cmpi sgt, %scan3A_181, %sign3A_184 : i32
          %sign3A_186 = arith.extui %sign3A_185 : i1 to i32
          %sign3A_187 = arith.constant 0 : i32
          %sign3A_188 = arith.cmpi slt, %scan3A_181, %sign3A_187 : i32
          %sign3A_189 = arith.extui %sign3A_188 : i1 to i32
          %sign3A_190 = arith.subi %sign3A_186, %sign3A_189 : i32
          %sign3A_191 = arith.constant 0 : i32
          %sign3A_192 = arith.cmpi sgt, %jit3A_182, %sign3A_191 : i32
          %sign3A_193 = arith.extui %sign3A_192 : i1 to i32
          %sign3A_194 = arith.constant 0 : i32
          %sign3A_195 = arith.cmpi slt, %jit3A_182, %sign3A_194 : i32
          %sign3A_196 = arith.extui %sign3A_195 : i1 to i32
          %sign3A_197 = arith.subi %sign3A_193, %sign3A_196 : i32
          %ne3A_198 = arith.cmpi ne, %sign3A_190, %sign3A_197 : i32
          %rem3A_199 = arith.remsi %scan3A_181, %jit3A_182 : i32
          %ne3A_200 = arith.constant 0 : i32
          %ne3A_201 = arith.cmpi ne, %rem3A_199, %ne3A_200 : i32
          %and3A_202 = arith.andi %ne3A_198, %ne3A_201 : i1
          %sub3A_203 = arith.constant 1 : i32
          %sub3A_204 = arith.subi %div3A_183, %sub3A_203 : i32
          %select_n3A_205 = arith.select %and3A_202, %sub3A_204, %div3A_183 : i32
          %mul3A_206 = arith.constant 16 : i32
          %mul3A_207 = arith.muli %select_n3A_205, %mul3A_206 : i32
          %get3A = arith.index_cast %mul3A_207 : i32 to index
          %get3A_208 = tpu.vector_load %arg12[%get3A] {strides = array<i32>} : memref<48xf32, #tpu.memory_space<vmem>>, vector<16xf32>,
          %get3A_209 = vector.shape_cast %get3A_208 : vector<16xf32> to vector<16xf32>
          %sub3A_210 = arith.subi %scan3A_181, %mul3A_207 : i32
          %broadcast_in_dim3A = arith.constant 0 : i32
          %broadcast_in_dim3A_211 = vector.broadcast %broadcast_in_dim3A : i32 to vector<16xi32>
          %add3A_212 = vector.broadcast %sub3A_210 : i32 to vector<16xi32>
          %add3A_213 = arith.addi %broadcast_in_dim3A_211, %add3A_212 : vector<16xi32>
          %broadcast_in_dim3A_214 = vector.shape_cast %add3A_213 : vector<16xi32> to vector<16x1xi32>
          %gather3A = vector.shape_cast %broadcast_in_dim3A_214 : vector<16x1xi32> to vector<16xi32>
          %gather3A_215 = tpu.dynamic_gather %get3A_209[%gather3A] in [0] : vector<16xf32>, vector<16xi32> -> vector<16xf32>
          %get3A_216 = arith.index_cast %scan3A_181 : i32 to index
          %get3A_217 = arith.constant 0 : index
          %get3A_218 = tpu.vector_load %arg14[%get3A_216, %get3A_217] {strides = array<i32>} : memref<32x128xf32, #tpu.memory_space<vmem>>, vector<1x16xf32>,
          %get3A_219 = vector.shape_cast %get3A_218 : vector<1x16xf32> to vector<16xf32>
          %mul3A_220 = arith.mulf %get3A_219, %gather3A_215 : vector<16xf32>
          %broadcast_in_dim3A_221 = arith.constant 0 : i32
          %broadcast_in_dim3A_222 = vector.broadcast %broadcast_in_dim3A_221 : i32 to vector<16xi32>
          %add3A_223 = arith.constant 0 : i32
          %add3A_224 = vector.broadcast %add3A_223 : i32 to vector<16xi32>
          %add3A_225 = arith.addi %broadcast_in_dim3A_222, %add3A_224 : vector<16xi32>
          %broadcast_in_dim3A_226 = vector.shape_cast %add3A_225 : vector<16xi32> to vector<16x1xi32>
          %gather3A_227 = vector.shape_cast %broadcast_in_dim3A_226 : vector<16x1xi32> to vector<16xi32>
          %gather3A_228 = tpu.dynamic_gather %mul3A_220[%gather3A_227] in [0] : vector<16xf32>, vector<16xi32> -> vector<16xf32>
          %broadcast_in_dim3A_229 = arith.constant 0 : i32
          %broadcast_in_dim3A_230 = vector.broadcast %broadcast_in_dim3A_229 : i32 to vector<16xi32>
          %add3A_231 = arith.constant 1 : i32
          %add3A_232 = vector.broadcast %add3A_231 : i32 to vector<16xi32>
          %add3A_233 = arith.addi %broadcast_in_dim3A_230, %add3A_232 : vector<16xi32>
          %broadcast_in_dim3A_234 = vector.shape_cast %add3A_233 : vector<16xi32> to vector<16x1xi32>
          %gather3A_235 = vector.shape_cast %broadcast_in_dim3A_234 : vector<16x1xi32> to vector<16xi32>
          %gather3A_236 = tpu.dynamic_gather %mul3A_220[%gather3A_235] in [0] : vector<16xf32>, vector<16xi32> -> vector<16xf32>
          %broadcast_in_dim3A_237 = arith.constant 0 : i32
          %broadcast_in_dim3A_238 = vector.broadcast %broadcast_in_dim3A_237 : i32 to vector<16xi32>
          %add3A_239 = arith.constant 2 : i32
          %add3A_240 = vector.broadcast %add3A_239 : i32 to vector<16xi32>
          %add3A_241 = arith.addi %broadcast_in_dim3A_238, %add3A_240 : vector<16xi32>
          %broadcast_in_dim3A_242 = vector.shape_cast %add3A_241 : vector<16xi32> to vector<16x1xi32>
          %gather3A_243 = vector.shape_cast %broadcast_in_dim3A_242 : vector<16x1xi32> to vector<16xi32>
          %gather3A_244 = tpu.dynamic_gather %mul3A_220[%gather3A_243] in [0] : vector<16xf32>, vector<16xi32> -> vector<16xf32>
          %broadcast_in_dim3A_245 = arith.constant 0 : i32
          %broadcast_in_dim3A_246 = vector.broadcast %broadcast_in_dim3A_245 : i32 to vector<16xi32>
          %add3A_247 = arith.constant 3 : i32
          %add3A_248 = vector.broadcast %add3A_247 : i32 to vector<16xi32>
          %add3A_249 = arith.addi %broadcast_in_dim3A_246, %add3A_248 : vector<16xi32>
          %broadcast_in_dim3A_250 = vector.shape_cast %add3A_249 : vector<16xi32> to vector<16x1xi32>
          %gather3A_251 = vector.shape_cast %broadcast_in_dim3A_250 : vector<16x1xi32> to vector<16xi32>
          %gather3A_252 = tpu.dynamic_gather %mul3A_220[%gather3A_251] in [0] : vector<16xf32>, vector<16xi32> -> vector<16xf32>
          %broadcast_in_dim3A_253 = arith.constant 0 : i32
          %broadcast_in_dim3A_254 = vector.broadcast %broadcast_in_dim3A_253 : i32 to vector<16xi32>
          %add3A_255 = arith.constant 4 : i32
          %add3A_256 = vector.broadcast %add3A_255 : i32 to vector<16xi32>
          %add3A_257 = arith.addi %broadcast_in_dim3A_254, %add3A_256 : vector<16xi32>
          %broadcast_in_dim3A_258 = vector.shape_cast %add3A_257 : vector<16xi32> to vector<16x1xi32>
          %gather3A_259 = vector.shape_cast %broadcast_in_dim3A_258 : vector<16x1xi32> to vector<16xi32>
          %gather3A_260 = tpu.dynamic_gather %mul3A_220[%gather3A_259] in [0] : vector<16xf32>, vector<16xi32> -> vector<16xf32>
          %broadcast_in_dim3A_261 = arith.constant 0 : i32
          %broadcast_in_dim3A_262 = vector.broadcast %broadcast_in_dim3A_261 : i32 to vector<16xi32>
          %add3A_263 = arith.constant 5 : i32
          %add3A_264 = vector.broadcast %add3A_263 : i32 to vector<16xi32>
          %add3A_265 = arith.addi %broadcast_in_dim3A_262, %add3A_264 : vector<16xi32>
          %broadcast_in_dim3A_266 = vector.shape_cast %add3A_265 : vector<16xi32> to vector<16x1xi32>
          %gather3A_267 = vector.shape_cast %broadcast_in_dim3A_266 : vector<16x1xi32> to vector<16xi32>
          %gather3A_268 = tpu.dynamic_gather %mul3A_220[%gather3A_267] in [0] : vector<16xf32>, vector<16xi32> -> vector<16xf32>
          %broadcast_in_dim3A_269 = arith.constant 0 : i32
          %broadcast_in_dim3A_270 = vector.broadcast %broadcast_in_dim3A_269 : i32 to vector<16xi32>
          %add3A_271 = arith.constant 6 : i32
          %add3A_272 = vector.broadcast %add3A_271 : i32 to vector<16xi32>
          %add3A_273 = arith.addi %broadcast_in_dim3A_270, %add3A_272 : vector<16xi32>
          %broadcast_in_dim3A_274 = vector.shape_cast %add3A_273 : vector<16xi32> to vector<16x1xi32>
          %gather3A_275 = vector.shape_cast %broadcast_in_dim3A_274 : vector<16x1xi32> to vector<16xi32>
          %gather3A_276 = tpu.dynamic_gather %mul3A_220[%gather3A_275] in [0] : vector<16xf32>, vector<16xi32> -> vector<16xf32>
          %broadcast_in_dim3A_277 = arith.constant 0 : i32
          %broadcast_in_dim3A_278 = vector.broadcast %broadcast_in_dim3A_277 : i32 to vector<16xi32>
          %add3A_279 = arith.constant 7 : i32
          %add3A_280 = vector.broadcast %add3A_279 : i32 to vector<16xi32>
          %add3A_281 = arith.addi %broadcast_in_dim3A_278, %add3A_280 : vector<16xi32>
          %broadcast_in_dim3A_282 = vector.shape_cast %add3A_281 : vector<16xi32> to vector<16x1xi32>
          %gather3A_283 = vector.shape_cast %broadcast_in_dim3A_282 : vector<16x1xi32> to vector<16xi32>
          %gather3A_284 = tpu.dynamic_gather %mul3A_220[%gather3A_283] in [0] : vector<16xf32>, vector<16xi32> -> vector<16xf32>
          %get3A_285 = arith.index_cast %scan3A_181 : i32 to index
          %get3A_286 = arith.constant 0 : index
          %get3A_287 = tpu.vector_load %arg16[%get3A_285, %get3A_286] {strides = array<i32>} : memref<32x640xi32, #tpu.memory_space<vmem>>, vector<1x16xi32>,
          %get3A_288 = vector.shape_cast %get3A_287 : vector<1x16xi32> to vector<16xi32>
          %shift_left3A = arith.constant 16 : i32
          %shift_left3A_289 = vector.broadcast %shift_left3A : i32 to vector<16xi32>
          %shift_left3A_290 = arith.shli %get3A_288, %shift_left3A_289 : vector<16xi32>
          %bitcast_convert_type3A = tpu.bitcast %shift_left3A_290 : vector<16xi32> -> vector<16xf32>
          %and3A_291 = arith.constant -65536 : i32
          %and3A_292 = vector.broadcast %and3A_291 : i32 to vector<16xi32>
          %and3A_293 = arith.andi %get3A_288, %and3A_292 : vector<16xi32>
          %bitcast_convert_type3A_294 = tpu.bitcast %and3A_293 : vector<16xi32> -> vector<16xf32>
          %mul3A_295 = arith.mulf %gather3A_215, %bitcast_convert_type3A : vector<16xf32>
          %mul3A_296 = arith.mulf %gather3A_215, %bitcast_convert_type3A_294 : vector<16xf32>
          %get3A_297 = arith.index_cast %scan3A_181 : i32 to index
          %get3A_298 = arith.constant 64 : index
          %get3A_299 = tpu.vector_load %arg16[%get3A_297, %get3A_298] {strides = array<i32>} : memref<32x640xi32, #tpu.memory_space<vmem>>, vector<1x16xi32>,
          %get3A_300 = vector.shape_cast %get3A_299 : vector<1x16xi32> to vector<16xi32>
          %shift_left3A_301 = arith.constant 16 : i32
          %shift_left3A_302 = vector.broadcast %shift_left3A_301 : i32 to vector<16xi32>
          %shift_left3A_303 = arith.shli %get3A_300, %shift_left3A_302 : vector<16xi32>
          %bitcast_convert_type3A_304 = tpu.bitcast %shift_left3A_303 : vector<16xi32> -> vector<16xf32>
          %and3A_305 = arith.constant -65536 : i32
          %and3A_306 = vector.broadcast %and3A_305 : i32 to vector<16xi32>
          %and3A_307 = arith.andi %get3A_300, %and3A_306 : vector<16xi32>
          %bitcast_convert_type3A_308 = tpu.bitcast %and3A_307 : vector<16xi32> -> vector<16xf32>
          %mul3A_309 = arith.mulf %gather3A_228, %bitcast_convert_type3A_304 : vector<16xf32>
          %add3A_310 = arith.addf %mul3A_295, %mul3A_309 : vector<16xf32>
          %mul3A_311 = arith.mulf %gather3A_228, %bitcast_convert_type3A_308 : vector<16xf32>
          %add3A_312 = arith.addf %mul3A_296, %mul3A_311 : vector<16xf32>
          %get3A_313 = arith.index_cast %scan3A_181 : i32 to index
          %get3A_314 = arith.constant 320 : index
          %get3A_315 = tpu.vector_load %arg16[%get3A_313, %get3A_314] {strides = array<i32>} : memref<32x640xi32, #tpu.memory_space<vmem>>, vector<1x16xi32>,
          %get3A_316 = vector.shape_cast %get3A_315 : vector<1x16xi32> to vector<16xi32>
          %shift_left3A_317 = arith.constant 16 : i32
          %shift_left3A_318 = vector.broadcast %shift_left3A_317 : i32 to vector<16xi32>
          %shift_left3A_319 = arith.shli %get3A_316, %shift_left3A_318 : vector<16xi32>
          %bitcast_convert_type3A_320 = tpu.bitcast %shift_left3A_319 : vector<16xi32> -> vector<16xf32>
          %and3A_321 = arith.constant -65536 : i32
          %and3A_322 = vector.broadcast %and3A_321 : i32 to vector<16xi32>
          %and3A_323 = arith.andi %get3A_316, %and3A_322 : vector<16xi32>
          %bitcast_convert_type3A_324 = tpu.bitcast %and3A_323 : vector<16xi32> -> vector<16xf32>
          %mul3A_325 = arith.mulf %gather3A_260, %bitcast_convert_type3A_320 : vector<16xf32>
          %add3A_326 = arith.addf %add3A_310, %mul3A_325 : vector<16xf32>
          %mul3A_327 = arith.mulf %gather3A_260, %bitcast_convert_type3A_324 : vector<16xf32>
          %add3A_328 = arith.addf %add3A_312, %mul3A_327 : vector<16xf32>
          %get3A_329 = arith.index_cast %scan3A_181 : i32 to index
          %get3A_330 = arith.constant 128 : index
          %get3A_331 = tpu.vector_load %arg16[%get3A_329, %get3A_330] {strides = array<i32>} : memref<32x640xi32, #tpu.memory_space<vmem>>, vector<1x16xi32>,
          %get3A_332 = vector.shape_cast %get3A_331 : vector<1x16xi32> to vector<16xi32>
          %shift_left3A_333 = arith.constant 16 : i32
          %shift_left3A_334 = vector.broadcast %shift_left3A_333 : i32 to vector<16xi32>
          %shift_left3A_335 = arith.shli %get3A_332, %shift_left3A_334 : vector<16xi32>
          %bitcast_convert_type3A_336 = tpu.bitcast %shift_left3A_335 : vector<16xi32> -> vector<16xf32>
          %and3A_337 = arith.constant -65536 : i32
          %and3A_338 = vector.broadcast %and3A_337 : i32 to vector<16xi32>
          %and3A_339 = arith.andi %get3A_332, %and3A_338 : vector<16xi32>
          %bitcast_convert_type3A_340 = tpu.bitcast %and3A_339 : vector<16xi32> -> vector<16xf32>
          %mul3A_341 = arith.mulf %gather3A_236, %bitcast_convert_type3A_336 : vector<16xf32>
          %add3A_342 = arith.addf %add3A_326, %mul3A_341 : vector<16xf32>
          %mul3A_343 = arith.mulf %gather3A_236, %bitcast_convert_type3A_340 : vector<16xf32>
          %add3A_344 = arith.addf %add3A_328, %mul3A_343 : vector<16xf32>
          %get3A_345 = arith.index_cast %scan3A_181 : i32 to index
          %get3A_346 = arith.constant 384 : index
          %get3A_347 = tpu.vector_load %arg16[%get3A_345, %get3A_346] {strides = array<i32>} : memref<32x640xi32, #tpu.memory_space<vmem>>, vector<1x16xi32>,
          %get3A_348 = vector.shape_cast %get3A_347 : vector<1x16xi32> to vector<16xi32>
          %shift_left3A_349 = arith.constant 16 : i32
          %shift_left3A_350 = vector.broadcast %shift_left3A_349 : i32 to vector<16xi32>
          %shift_left3A_351 = arith.shli %get3A_348, %shift_left3A_350 : vector<16xi32>
          %bitcast_convert_type3A_352 = tpu.bitcast %shift_left3A_351 : vector<16xi32> -> vector<16xf32>
          %and3A_353 = arith.constant -65536 : i32
          %and3A_354 = vector.broadcast %and3A_353 : i32 to vector<16xi32>
          %and3A_355 = arith.andi %get3A_348, %and3A_354 : vector<16xi32>
          %bitcast_convert_type3A_356 = tpu.bitcast %and3A_355 : vector<16xi32> -> vector<16xf32>
          %mul3A_357 = arith.mulf %gather3A_268, %bitcast_convert_type3A_352 : vector<16xf32>
          %add3A_358 = arith.addf %add3A_342, %mul3A_357 : vector<16xf32>
          %mul3A_359 = arith.mulf %gather3A_268, %bitcast_convert_type3A_356 : vector<16xf32>
          %add3A_360 = arith.addf %add3A_344, %mul3A_359 : vector<16xf32>
          %get3A_361 = arith.index_cast %scan3A_181 : i32 to index
          %get3A_362 = arith.constant 192 : index
          %get3A_363 = tpu.vector_load %arg16[%get3A_361, %get3A_362] {strides = array<i32>} : memref<32x640xi32, #tpu.memory_space<vmem>>, vector<1x16xi32>,
          %get3A_364 = vector.shape_cast %get3A_363 : vector<1x16xi32> to vector<16xi32>
          %shift_left3A_365 = arith.constant 16 : i32
          %shift_left3A_366 = vector.broadcast %shift_left3A_365 : i32 to vector<16xi32>
          %shift_left3A_367 = arith.shli %get3A_364, %shift_left3A_366 : vector<16xi32>
          %bitcast_convert_type3A_368 = tpu.bitcast %shift_left3A_367 : vector<16xi32> -> vector<16xf32>
          %and3A_369 = arith.constant -65536 : i32
          %and3A_370 = vector.broadcast %and3A_369 : i32 to vector<16xi32>
          %and3A_371 = arith.andi %get3A_364, %and3A_370 : vector<16xi32>
          %bitcast_convert_type3A_372 = tpu.bitcast %and3A_371 : vector<16xi32> -> vector<16xf32>
          %mul3A_373 = arith.mulf %gather3A_244, %bitcast_convert_type3A_368 : vector<16xf32>
          %add3A_374 = arith.addf %add3A_358, %mul3A_373 : vector<16xf32>
          %mul3A_375 = arith.mulf %gather3A_244, %bitcast_convert_type3A_372 : vector<16xf32>
          %add3A_376 = arith.addf %add3A_360, %mul3A_375 : vector<16xf32>
          %get3A_377 = arith.index_cast %scan3A_181 : i32 to index
          %get3A_378 = arith.constant 448 : index
          %get3A_379 = tpu.vector_load %arg16[%get3A_377, %get3A_378] {strides = array<i32>} : memref<32x640xi32, #tpu.memory_space<vmem>>, vector<1x16xi32>,
          %get3A_380 = vector.shape_cast %get3A_379 : vector<1x16xi32> to vector<16xi32>
          %shift_left3A_381 = arith.constant 16 : i32
          %shift_left3A_382 = vector.broadcast %shift_left3A_381 : i32 to vector<16xi32>
          %shift_left3A_383 = arith.shli %get3A_380, %shift_left3A_382 : vector<16xi32>
          %bitcast_convert_type3A_384 = tpu.bitcast %shift_left3A_383 : vector<16xi32> -> vector<16xf32>
          %and3A_385 = arith.constant -65536 : i32
          %and3A_386 = vector.broadcast %and3A_385 : i32 to vector<16xi32>
          %and3A_387 = arith.andi %get3A_380, %and3A_386 : vector<16xi32>
          %bitcast_convert_type3A_388 = tpu.bitcast %and3A_387 : vector<16xi32> -> vector<16xf32>
          %mul3A_389 = arith.mulf %gather3A_276, %bitcast_convert_type3A_384 : vector<16xf32>
          %add3A_390 = arith.addf %add3A_374, %mul3A_389 : vector<16xf32>
          %mul3A_391 = arith.mulf %gather3A_276, %bitcast_convert_type3A_388 : vector<16xf32>
          %add3A_392 = arith.addf %add3A_376, %mul3A_391 : vector<16xf32>
          %get3A_393 = arith.index_cast %scan3A_181 : i32 to index
          %get3A_394 = arith.constant 256 : index
          %get3A_395 = tpu.vector_load %arg16[%get3A_393, %get3A_394] {strides = array<i32>} : memref<32x640xi32, #tpu.memory_space<vmem>>, vector<1x16xi32>,
          %get3A_396 = vector.shape_cast %get3A_395 : vector<1x16xi32> to vector<16xi32>
          %shift_left3A_397 = arith.constant 16 : i32
          %shift_left3A_398 = vector.broadcast %shift_left3A_397 : i32 to vector<16xi32>
          %shift_left3A_399 = arith.shli %get3A_396, %shift_left3A_398 : vector<16xi32>
          %bitcast_convert_type3A_400 = tpu.bitcast %shift_left3A_399 : vector<16xi32> -> vector<16xf32>
          %and3A_401 = arith.constant -65536 : i32
          %and3A_402 = vector.broadcast %and3A_401 : i32 to vector<16xi32>
          %and3A_403 = arith.andi %get3A_396, %and3A_402 : vector<16xi32>
          %bitcast_convert_type3A_404 = tpu.bitcast %and3A_403 : vector<16xi32> -> vector<16xf32>
          %mul3A_405 = arith.mulf %gather3A_252, %bitcast_convert_type3A_400 : vector<16xf32>
          %add3A_406 = arith.addf %add3A_390, %mul3A_405 : vector<16xf32>
          %mul3A_407 = arith.mulf %gather3A_252, %bitcast_convert_type3A_404 : vector<16xf32>
          %add3A_408 = arith.addf %add3A_392, %mul3A_407 : vector<16xf32>
          %get3A_409 = arith.index_cast %scan3A_181 : i32 to index
          %get3A_410 = arith.constant 512 : index
          %get3A_411 = tpu.vector_load %arg16[%get3A_409, %get3A_410] {strides = array<i32>} : memref<32x640xi32, #tpu.memory_space<vmem>>, vector<1x16xi32>,
          %get3A_412 = vector.shape_cast %get3A_411 : vector<1x16xi32> to vector<16xi32>
          %shift_left3A_413 = arith.constant 16 : i32
          %shift_left3A_414 = vector.broadcast %shift_left3A_413 : i32 to vector<16xi32>
          %shift_left3A_415 = arith.shli %get3A_412, %shift_left3A_414 : vector<16xi32>
          %bitcast_convert_type3A_416 = tpu.bitcast %shift_left3A_415 : vector<16xi32> -> vector<16xf32>
          %and3A_417 = arith.constant -65536 : i32
          %and3A_418 = vector.broadcast %and3A_417 : i32 to vector<16xi32>
          %and3A_419 = arith.andi %get3A_412, %and3A_418 : vector<16xi32>
          %bitcast_convert_type3A_420 = tpu.bitcast %and3A_419 : vector<16xi32> -> vector<16xf32>
          %mul3A_421 = arith.mulf %gather3A_284, %bitcast_convert_type3A_416 : vector<16xf32>
          %add3A_422 = arith.addf %add3A_406, %mul3A_421 : vector<16xf32>
          %mul3A_423 = arith.mulf %gather3A_284, %bitcast_convert_type3A_420 : vector<16xf32>
          %add3A_424 = arith.addf %add3A_408, %mul3A_423 : vector<16xf32>
          %swap3A = arith.index_cast %scan3A_181 : i32 to index
          %swap3A_425 = arith.constant 0 : index
          %swap3A_426 = tpu.vector_load %arg14[%swap3A, %swap3A_425] {strides = array<i32>} : memref<32x128xf32, #tpu.memory_space<vmem>>, vector<1x16xf32>,
          %swap3A_427 = vector.shape_cast %swap3A_426 : vector<1x16xf32> to vector<16xf32>
          %swap3A_428 = vector.shape_cast %add3A_422 : vector<16xf32> to vector<1x16xf32>
          tpu.vector_store %arg14[%swap3A, %swap3A_425], %swap3A_428 {strides = array<i32>} : memref<32x128xf32, #tpu.memory_space<vmem>>, vector<1x16xf32>,
          %swap3A_429 = arith.index_cast %scan3A_181 : i32 to index
          %swap3A_430 = arith.constant 16 : index
          %swap3A_431 = tpu.vector_load %arg14[%swap3A_429, %swap3A_430] {strides = array<i32>} : memref<32x128xf32, #tpu.memory_space<vmem>>, vector<1x16xf32>,
          %swap3A_432 = vector.shape_cast %swap3A_431 : vector<1x16xf32> to vector<16xf32>
          %swap3A_433 = vector.shape_cast %add3A_424 : vector<16xf32> to vector<1x16xf32>
          tpu.vector_store %arg14[%swap3A_429, %swap3A_430], %swap3A_433 {strides = array<i32>} : memref<32x128xf32, #tpu.memory_space<vmem>>, vector<1x16xf32>,
          %get3A_434 = arith.index_cast %scan3A_181 : i32 to index
          %get3A_435 = arith.constant 16 : index
          %get3A_436 = tpu.vector_load %arg16[%get3A_434, %get3A_435] {strides = array<i32>} : memref<32x640xi32, #tpu.memory_space<vmem>>, vector<1x16xi32>,
          %get3A_437 = vector.shape_cast %get3A_436 : vector<1x16xi32> to vector<16xi32>
          %shift_left3A_438 = arith.constant 16 : i32
          %shift_left3A_439 = vector.broadcast %shift_left3A_438 : i32 to vector<16xi32>
          %shift_left3A_440 = arith.shli %get3A_437, %shift_left3A_439 : vector<16xi32>
          %bitcast_convert_type3A_441 = tpu.bitcast %shift_left3A_440 : vector<16xi32> -> vector<16xf32>
          %and3A_442 = arith.constant -65536 : i32
          %and3A_443 = vector.broadcast %and3A_442 : i32 to vector<16xi32>
          %and3A_444 = arith.andi %get3A_437, %and3A_443 : vector<16xi32>
          %bitcast_convert_type3A_445 = tpu.bitcast %and3A_444 : vector<16xi32> -> vector<16xf32>
          %mul3A_446 = arith.mulf %gather3A_215, %bitcast_convert_type3A_441 : vector<16xf32>
          %mul3A_447 = arith.mulf %gather3A_215, %bitcast_convert_type3A_445 : vector<16xf32>
          %get3A_448 = arith.index_cast %scan3A_181 : i32 to index
          %get3A_449 = arith.constant 80 : index
          %get3A_450 = tpu.vector_load %arg16[%get3A_448, %get3A_449] {strides = array<i32>} : memref<32x640xi32, #tpu.memory_space<vmem>>, vector<1x16xi32>,
          %get3A_451 = vector.shape_cast %get3A_450 : vector<1x16xi32> to vector<16xi32>
          %shift_left3A_452 = arith.constant 16 : i32
          %shift_left3A_453 = vector.broadcast %shift_left3A_452 : i32 to vector<16xi32>
          %shift_left3A_454 = arith.shli %get3A_451, %shift_left3A_453 : vector<16xi32>
          %bitcast_convert_type3A_455 = tpu.bitcast %shift_left3A_454 : vector<16xi32> -> vector<16xf32>
          %and3A_456 = arith.constant -65536 : i32
          %and3A_457 = vector.broadcast %and3A_456 : i32 to vector<16xi32>
          %and3A_458 = arith.andi %get3A_451, %and3A_457 : vector<16xi32>
          %bitcast_convert_type3A_459 = tpu.bitcast %and3A_458 : vector<16xi32> -> vector<16xf32>
          %mul3A_460 = arith.mulf %gather3A_228, %bitcast_convert_type3A_455 : vector<16xf32>
          %add3A_461 = arith.addf %mul3A_446, %mul3A_460 : vector<16xf32>
          %mul3A_462 = arith.mulf %gather3A_228, %bitcast_convert_type3A_459 : vector<16xf32>
          %add3A_463 = arith.addf %mul3A_447, %mul3A_462 : vector<16xf32>
          %get3A_464 = arith.index_cast %scan3A_181 : i32 to index
          %get3A_465 = arith.constant 336 : index
          %get3A_466 = tpu.vector_load %arg16[%get3A_464, %get3A_465] {strides = array<i32>} : memref<32x640xi32, #tpu.memory_space<vmem>>, vector<1x16xi32>,
          %get3A_467 = vector.shape_cast %get3A_466 : vector<1x16xi32> to vector<16xi32>
          %shift_left3A_468 = arith.constant 16 : i32
          %shift_left3A_469 = vector.broadcast %shift_left3A_468 : i32 to vector<16xi32>
          %shift_left3A_470 = arith.shli %get3A_467, %shift_left3A_469 : vector<16xi32>
          %bitcast_convert_type3A_471 = tpu.bitcast %shift_left3A_470 : vector<16xi32> -> vector<16xf32>
          %and3A_472 = arith.constant -65536 : i32
          %and3A_473 = vector.broadcast %and3A_472 : i32 to vector<16xi32>
          %and3A_474 = arith.andi %get3A_467, %and3A_473 : vector<16xi32>
          %bitcast_convert_type3A_475 = tpu.bitcast %and3A_474 : vector<16xi32> -> vector<16xf32>
          %mul3A_476 = arith.mulf %gather3A_260, %bitcast_convert_type3A_471 : vector<16xf32>
          %add3A_477 = arith.addf %add3A_461, %mul3A_476 : vector<16xf32>
          %mul3A_478 = arith.mulf %gather3A_260, %bitcast_convert_type3A_475 : vector<16xf32>
          %add3A_479 = arith.addf %add3A_463, %mul3A_478 : vector<16xf32>
          %get3A_480 = arith.index_cast %scan3A_181 : i32 to index
          %get3A_481 = arith.constant 144 : index
          %get3A_482 = tpu.vector_load %arg16[%get3A_480, %get3A_481] {strides = array<i32>} : memref<32x640xi32, #tpu.memory_space<vmem>>, vector<1x16xi32>,
          %get3A_483 = vector.shape_cast %get3A_482 : vector<1x16xi32> to vector<16xi32>
          %shift_left3A_484 = arith.constant 16 : i32
          %shift_left3A_485 = vector.broadcast %shift_left3A_484 : i32 to vector<16xi32>
          %shift_left3A_486 = arith.shli %get3A_483, %shift_left3A_485 : vector<16xi32>
          %bitcast_convert_type3A_487 = tpu.bitcast %shift_left3A_486 : vector<16xi32> -> vector<16xf32>
          %and3A_488 = arith.constant -65536 : i32
          %and3A_489 = vector.broadcast %and3A_488 : i32 to vector<16xi32>
          %and3A_490 = arith.andi %get3A_483, %and3A_489 : vector<16xi32>
          %bitcast_convert_type3A_491 = tpu.bitcast %and3A_490 : vector<16xi32> -> vector<16xf32>
          %mul3A_492 = arith.mulf %gather3A_236, %bitcast_convert_type3A_487 : vector<16xf32>
          %add3A_493 = arith.addf %add3A_477, %mul3A_492 : vector<16xf32>
          %mul3A_494 = arith.mulf %gather3A_236, %bitcast_convert_type3A_491 : vector<16xf32>
          %add3A_495 = arith.addf %add3A_479, %mul3A_494 : vector<16xf32>
          %get3A_496 = arith.index_cast %scan3A_181 : i32 to index
          %get3A_497 = arith.constant 400 : index
          %get3A_498 = tpu.vector_load %arg16[%get3A_496, %get3A_497] {strides = array<i32>} : memref<32x640xi32, #tpu.memory_space<vmem>>, vector<1x16xi32>,
          %get3A_499 = vector.shape_cast %get3A_498 : vector<1x16xi32> to vector<16xi32>
          %shift_left3A_500 = arith.constant 16 : i32
          %shift_left3A_501 = vector.broadcast %shift_left3A_500 : i32 to vector<16xi32>
          %shift_left3A_502 = arith.shli %get3A_499, %shift_left3A_501 : vector<16xi32>
          %bitcast_convert_type3A_503 = tpu.bitcast %shift_left3A_502 : vector<16xi32> -> vector<16xf32>
          %and3A_504 = arith.constant -65536 : i32
          %and3A_505 = vector.broadcast %and3A_504 : i32 to vector<16xi32>
          %and3A_506 = arith.andi %get3A_499, %and3A_505 : vector<16xi32>
          %bitcast_convert_type3A_507 = tpu.bitcast %and3A_506 : vector<16xi32> -> vector<16xf32>
          %mul3A_508 = arith.mulf %gather3A_268, %bitcast_convert_type3A_503 : vector<16xf32>
          %add3A_509 = arith.addf %add3A_493, %mul3A_508 : vector<16xf32>
          %mul3A_510 = arith.mulf %gather3A_268, %bitcast_convert_type3A_507 : vector<16xf32>
          %add3A_511 = arith.addf %add3A_495, %mul3A_510 : vector<16xf32>
          %get3A_512 = arith.index_cast %scan3A_181 : i32 to index
          %get3A_513 = arith.constant 208 : index
          %get3A_514 = tpu.vector_load %arg16[%get3A_512, %get3A_513] {strides = array<i32>} : memref<32x640xi32, #tpu.memory_space<vmem>>, vector<1x16xi32>,
          %get3A_515 = vector.shape_cast %get3A_514 : vector<1x16xi32> to vector<16xi32>
          %shift_left3A_516 = arith.constant 16 : i32
          %shift_left3A_517 = vector.broadcast %shift_left3A_516 : i32 to vector<16xi32>
          %shift_left3A_518 = arith.shli %get3A_515, %shift_left3A_517 : vector<16xi32>
          %bitcast_convert_type3A_519 = tpu.bitcast %shift_left3A_518 : vector<16xi32> -> vector<16xf32>
          %and3A_520 = arith.constant -65536 : i32
          %and3A_521 = vector.broadcast %and3A_520 : i32 to vector<16xi32>
          %and3A_522 = arith.andi %get3A_515, %and3A_521 : vector<16xi32>
          %bitcast_convert_type3A_523 = tpu.bitcast %and3A_522 : vector<16xi32> -> vector<16xf32>
          %mul3A_524 = arith.mulf %gather3A_244, %bitcast_convert_type3A_519 : vector<16xf32>
          %add3A_525 = arith.addf %add3A_509, %mul3A_524 : vector<16xf32>
          %mul3A_526 = arith.mulf %gather3A_244, %bitcast_convert_type3A_523 : vector<16xf32>
          %add3A_527 = arith.addf %add3A_511, %mul3A_526 : vector<16xf32>
          %get3A_528 = arith.index_cast %scan3A_181 : i32 to index
          %get3A_529 = arith.constant 464 : index
          %get3A_530 = tpu.vector_load %arg16[%get3A_528, %get3A_529] {strides = array<i32>} : memref<32x640xi32, #tpu.memory_space<vmem>>, vector<1x16xi32>,
          %get3A_531 = vector.shape_cast %get3A_530 : vector<1x16xi32> to vector<16xi32>
          %shift_left3A_532 = arith.constant 16 : i32
          %shift_left3A_533 = vector.broadcast %shift_left3A_532 : i32 to vector<16xi32>
          %shift_left3A_534 = arith.shli %get3A_531, %shift_left3A_533 : vector<16xi32>
          %bitcast_convert_type3A_535 = tpu.bitcast %shift_left3A_534 : vector<16xi32> -> vector<16xf32>
          %and3A_536 = arith.constant -65536 : i32
          %and3A_537 = vector.broadcast %and3A_536 : i32 to vector<16xi32>
          %and3A_538 = arith.andi %get3A_531, %and3A_537 : vector<16xi32>
          %bitcast_convert_type3A_539 = tpu.bitcast %and3A_538 : vector<16xi32> -> vector<16xf32>
          %mul3A_540 = arith.mulf %gather3A_276, %bitcast_convert_type3A_535 : vector<16xf32>
          %add3A_541 = arith.addf %add3A_525, %mul3A_540 : vector<16xf32>
          %mul3A_542 = arith.mulf %gather3A_276, %bitcast_convert_type3A_539 : vector<16xf32>
          %add3A_543 = arith.addf %add3A_527, %mul3A_542 : vector<16xf32>
          %get3A_544 = arith.index_cast %scan3A_181 : i32 to index
          %get3A_545 = arith.constant 272 : index
          %get3A_546 = tpu.vector_load %arg16[%get3A_544, %get3A_545] {strides = array<i32>} : memref<32x640xi32, #tpu.memory_space<vmem>>, vector<1x16xi32>,
          %get3A_547 = vector.shape_cast %get3A_546 : vector<1x16xi32> to vector<16xi32>
          %shift_left3A_548 = arith.constant 16 : i32
          %shift_left3A_549 = vector.broadcast %shift_left3A_548 : i32 to vector<16xi32>
          %shift_left3A_550 = arith.shli %get3A_547, %shift_left3A_549 : vector<16xi32>
          %bitcast_convert_type3A_551 = tpu.bitcast %shift_left3A_550 : vector<16xi32> -> vector<16xf32>
          %and3A_552 = arith.constant -65536 : i32
          %and3A_553 = vector.broadcast %and3A_552 : i32 to vector<16xi32>
          %and3A_554 = arith.andi %get3A_547, %and3A_553 : vector<16xi32>
          %bitcast_convert_type3A_555 = tpu.bitcast %and3A_554 : vector<16xi32> -> vector<16xf32>
          %mul3A_556 = arith.mulf %gather3A_252, %bitcast_convert_type3A_551 : vector<16xf32>
          %add3A_557 = arith.addf %add3A_541, %mul3A_556 : vector<16xf32>
          %mul3A_558 = arith.mulf %gather3A_252, %bitcast_convert_type3A_555 : vector<16xf32>
          %add3A_559 = arith.addf %add3A_543, %mul3A_558 : vector<16xf32>
          %get3A_560 = arith.index_cast %scan3A_181 : i32 to index
          %get3A_561 = arith.constant 528 : index
          %get3A_562 = tpu.vector_load %arg16[%get3A_560, %get3A_561] {strides = array<i32>} : memref<32x640xi32, #tpu.memory_space<vmem>>, vector<1x16xi32>,
          %get3A_563 = vector.shape_cast %get3A_562 : vector<1x16xi32> to vector<16xi32>
          %shift_left3A_564 = arith.constant 16 : i32
          %shift_left3A_565 = vector.broadcast %shift_left3A_564 : i32 to vector<16xi32>
          %shift_left3A_566 = arith.shli %get3A_563, %shift_left3A_565 : vector<16xi32>
          %bitcast_convert_type3A_567 = tpu.bitcast %shift_left3A_566 : vector<16xi32> -> vector<16xf32>
          %and3A_568 = arith.constant -65536 : i32
          %and3A_569 = vector.broadcast %and3A_568 : i32 to vector<16xi32>
          %and3A_570 = arith.andi %get3A_563, %and3A_569 : vector<16xi32>
          %bitcast_convert_type3A_571 = tpu.bitcast %and3A_570 : vector<16xi32> -> vector<16xf32>
          %mul3A_572 = arith.mulf %gather3A_284, %bitcast_convert_type3A_567 : vector<16xf32>
          %add3A_573 = arith.addf %add3A_557, %mul3A_572 : vector<16xf32>
          %mul3A_574 = arith.mulf %gather3A_284, %bitcast_convert_type3A_571 : vector<16xf32>
          %add3A_575 = arith.addf %add3A_559, %mul3A_574 : vector<16xf32>
          %swap3A_576 = arith.index_cast %scan3A_181 : i32 to index
          %swap3A_577 = arith.constant 32 : index
          %swap3A_578 = tpu.vector_load %arg14[%swap3A_576, %swap3A_577] {strides = array<i32>} : memref<32x128xf32, #tpu.memory_space<vmem>>, vector<1x16xf32>,
          %swap3A_579 = vector.shape_cast %swap3A_578 : vector<1x16xf32> to vector<16xf32>
          %swap3A_580 = vector.shape_cast %add3A_573 : vector<16xf32> to vector<1x16xf32>
          tpu.vector_store %arg14[%swap3A_576, %swap3A_577], %swap3A_580 {strides = array<i32>} : memref<32x128xf32, #tpu.memory_space<vmem>>, vector<1x16xf32>,
          %swap3A_581 = arith.index_cast %scan3A_181 : i32 to index
          %swap3A_582 = arith.constant 48 : index
          %swap3A_583 = tpu.vector_load %arg14[%swap3A_581, %swap3A_582] {strides = array<i32>} : memref<32x128xf32, #tpu.memory_space<vmem>>, vector<1x16xf32>,
          %swap3A_584 = vector.shape_cast %swap3A_583 : vector<1x16xf32> to vector<16xf32>
          %swap3A_585 = vector.shape_cast %add3A_575 : vector<16xf32> to vector<1x16xf32>
          tpu.vector_store %arg14[%swap3A_581, %swap3A_582], %swap3A_585 {strides = array<i32>} : memref<32x128xf32, #tpu.memory_space<vmem>>, vector<1x16xf32>,
          %get3A_586 = arith.index_cast %scan3A_181 : i32 to index
          %get3A_587 = arith.constant 32 : index
          %get3A_588 = tpu.vector_load %arg16[%get3A_586, %get3A_587] {strides = array<i32>} : memref<32x640xi32, #tpu.memory_space<vmem>>, vector<1x16xi32>,
          %get3A_589 = vector.shape_cast %get3A_588 : vector<1x16xi32> to vector<16xi32>
          %shift_left3A_590 = arith.constant 16 : i32
          %shift_left3A_591 = vector.broadcast %shift_left3A_590 : i32 to vector<16xi32>
          %shift_left3A_592 = arith.shli %get3A_589, %shift_left3A_591 : vector<16xi32>
          %bitcast_convert_type3A_593 = tpu.bitcast %shift_left3A_592 : vector<16xi32> -> vector<16xf32>
          %and3A_594 = arith.constant -65536 : i32
          %and3A_595 = vector.broadcast %and3A_594 : i32 to vector<16xi32>
          %and3A_596 = arith.andi %get3A_589, %and3A_595 : vector<16xi32>
          %bitcast_convert_type3A_597 = tpu.bitcast %and3A_596 : vector<16xi32> -> vector<16xf32>
          %mul3A_598 = arith.mulf %gather3A_215, %bitcast_convert_type3A_593 : vector<16xf32>
          %mul3A_599 = arith.mulf %gather3A_215, %bitcast_convert_type3A_597 : vector<16xf32>
          %get3A_600 = arith.index_cast %scan3A_181 : i32 to index
          %get3A_601 = arith.constant 96 : index
          %get3A_602 = tpu.vector_load %arg16[%get3A_600, %get3A_601] {strides = array<i32>} : memref<32x640xi32, #tpu.memory_space<vmem>>, vector<1x16xi32>,
          %get3A_603 = vector.shape_cast %get3A_602 : vector<1x16xi32> to vector<16xi32>
          %shift_left3A_604 = arith.constant 16 : i32
          %shift_left3A_605 = vector.broadcast %shift_left3A_604 : i32 to vector<16xi32>
          %shift_left3A_606 = arith.shli %get3A_603, %shift_left3A_605 : vector<16xi32>
          %bitcast_convert_type3A_607 = tpu.bitcast %shift_left3A_606 : vector<16xi32> -> vector<16xf32>
          %and3A_608 = arith.constant -65536 : i32
          %and3A_609 = vector.broadcast %and3A_608 : i32 to vector<16xi32>
          %and3A_610 = arith.andi %get3A_603, %and3A_609 : vector<16xi32>
          %bitcast_convert_type3A_611 = tpu.bitcast %and3A_610 : vector<16xi32> -> vector<16xf32>
          %mul3A_612 = arith.mulf %gather3A_228, %bitcast_convert_type3A_607 : vector<16xf32>
          %add3A_613 = arith.addf %mul3A_598, %mul3A_612 : vector<16xf32>
          %mul3A_614 = arith.mulf %gather3A_228, %bitcast_convert_type3A_611 : vector<16xf32>
          %add3A_615 = arith.addf %mul3A_599, %mul3A_614 : vector<16xf32>
          %get3A_616 = arith.index_cast %scan3A_181 : i32 to index
          %get3A_617 = arith.constant 352 : index
          %get3A_618 = tpu.vector_load %arg16[%get3A_616, %get3A_617] {strides = array<i32>} : memref<32x640xi32, #tpu.memory_space<vmem>>, vector<1x16xi32>,
          %get3A_619 = vector.shape_cast %get3A_618 : vector<1x16xi32> to vector<16xi32>
          %shift_left3A_620 = arith.constant 16 : i32
          %shift_left3A_621 = vector.broadcast %shift_left3A_620 : i32 to vector<16xi32>
          %shift_left3A_622 = arith.shli %get3A_619, %shift_left3A_621 : vector<16xi32>
          %bitcast_convert_type3A_623 = tpu.bitcast %shift_left3A_622 : vector<16xi32> -> vector<16xf32>
          %and3A_624 = arith.constant -65536 : i32
          %and3A_625 = vector.broadcast %and3A_624 : i32 to vector<16xi32>
          %and3A_626 = arith.andi %get3A_619, %and3A_625 : vector<16xi32>
          %bitcast_convert_type3A_627 = tpu.bitcast %and3A_626 : vector<16xi32> -> vector<16xf32>
          %mul3A_628 = arith.mulf %gather3A_260, %bitcast_convert_type3A_623 : vector<16xf32>
          %add3A_629 = arith.addf %add3A_613, %mul3A_628 : vector<16xf32>
          %mul3A_630 = arith.mulf %gather3A_260, %bitcast_convert_type3A_627 : vector<16xf32>
          %add3A_631 = arith.addf %add3A_615, %mul3A_630 : vector<16xf32>
          %get3A_632 = arith.index_cast %scan3A_181 : i32 to index
          %get3A_633 = arith.constant 160 : index
          %get3A_634 = tpu.vector_load %arg16[%get3A_632, %get3A_633] {strides = array<i32>} : memref<32x640xi32, #tpu.memory_space<vmem>>, vector<1x16xi32>,
          %get3A_635 = vector.shape_cast %get3A_634 : vector<1x16xi32> to vector<16xi32>
          %shift_left3A_636 = arith.constant 16 : i32
          %shift_left3A_637 = vector.broadcast %shift_left3A_636 : i32 to vector<16xi32>
          %shift_left3A_638 = arith.shli %get3A_635, %shift_left3A_637 : vector<16xi32>
          %bitcast_convert_type3A_639 = tpu.bitcast %shift_left3A_638 : vector<16xi32> -> vector<16xf32>
          %and3A_640 = arith.constant -65536 : i32
          %and3A_641 = vector.broadcast %and3A_640 : i32 to vector<16xi32>
          %and3A_642 = arith.andi %get3A_635, %and3A_641 : vector<16xi32>
          %bitcast_convert_type3A_643 = tpu.bitcast %and3A_642 : vector<16xi32> -> vector<16xf32>
          %mul3A_644 = arith.mulf %gather3A_236, %bitcast_convert_type3A_639 : vector<16xf32>
          %add3A_645 = arith.addf %add3A_629, %mul3A_644 : vector<16xf32>
          %mul3A_646 = arith.mulf %gather3A_236, %bitcast_convert_type3A_643 : vector<16xf32>
          %add3A_647 = arith.addf %add3A_631, %mul3A_646 : vector<16xf32>
          %get3A_648 = arith.index_cast %scan3A_181 : i32 to index
          %get3A_649 = arith.constant 416 : index
          %get3A_650 = tpu.vector_load %arg16[%get3A_648, %get3A_649] {strides = array<i32>} : memref<32x640xi32, #tpu.memory_space<vmem>>, vector<1x16xi32>,
          %get3A_651 = vector.shape_cast %get3A_650 : vector<1x16xi32> to vector<16xi32>
          %shift_left3A_652 = arith.constant 16 : i32
          %shift_left3A_653 = vector.broadcast %shift_left3A_652 : i32 to vector<16xi32>
          %shift_left3A_654 = arith.shli %get3A_651, %shift_left3A_653 : vector<16xi32>
          %bitcast_convert_type3A_655 = tpu.bitcast %shift_left3A_654 : vector<16xi32> -> vector<16xf32>
          %and3A_656 = arith.constant -65536 : i32
          %and3A_657 = vector.broadcast %and3A_656 : i32 to vector<16xi32>
          %and3A_658 = arith.andi %get3A_651, %and3A_657 : vector<16xi32>
          %bitcast_convert_type3A_659 = tpu.bitcast %and3A_658 : vector<16xi32> -> vector<16xf32>
          %mul3A_660 = arith.mulf %gather3A_268, %bitcast_convert_type3A_655 : vector<16xf32>
          %add3A_661 = arith.addf %add3A_645, %mul3A_660 : vector<16xf32>
          %mul3A_662 = arith.mulf %gather3A_268, %bitcast_convert_type3A_659 : vector<16xf32>
          %add3A_663 = arith.addf %add3A_647, %mul3A_662 : vector<16xf32>
          %get3A_664 = arith.index_cast %scan3A_181 : i32 to index
          %get3A_665 = arith.constant 224 : index
          %get3A_666 = tpu.vector_load %arg16[%get3A_664, %get3A_665] {strides = array<i32>} : memref<32x640xi32, #tpu.memory_space<vmem>>, vector<1x16xi32>,
          %get3A_667 = vector.shape_cast %get3A_666 : vector<1x16xi32> to vector<16xi32>
          %shift_left3A_668 = arith.constant 16 : i32
          %shift_left3A_669 = vector.broadcast %shift_left3A_668 : i32 to vector<16xi32>
          %shift_left3A_670 = arith.shli %get3A_667, %shift_left3A_669 : vector<16xi32>
          %bitcast_convert_type3A_671 = tpu.bitcast %shift_left3A_670 : vector<16xi32> -> vector<16xf32>
          %and3A_672 = arith.constant -65536 : i32
          %and3A_673 = vector.broadcast %and3A_672 : i32 to vector<16xi32>
          %and3A_674 = arith.andi %get3A_667, %and3A_673 : vector<16xi32>
          %bitcast_convert_type3A_675 = tpu.bitcast %and3A_674 : vector<16xi32> -> vector<16xf32>
          %mul3A_676 = arith.mulf %gather3A_244, %bitcast_convert_type3A_671 : vector<16xf32>
          %add3A_677 = arith.addf %add3A_661, %mul3A_676 : vector<16xf32>
          %mul3A_678 = arith.mulf %gather3A_244, %bitcast_convert_type3A_675 : vector<16xf32>
          %add3A_679 = arith.addf %add3A_663, %mul3A_678 : vector<16xf32>
          %get3A_680 = arith.index_cast %scan3A_181 : i32 to index
          %get3A_681 = arith.constant 480 : index
          %get3A_682 = tpu.vector_load %arg16[%get3A_680, %get3A_681] {strides = array<i32>} : memref<32x640xi32, #tpu.memory_space<vmem>>, vector<1x16xi32>,
          %get3A_683 = vector.shape_cast %get3A_682 : vector<1x16xi32> to vector<16xi32>
          %shift_left3A_684 = arith.constant 16 : i32
          %shift_left3A_685 = vector.broadcast %shift_left3A_684 : i32 to vector<16xi32>
          %shift_left3A_686 = arith.shli %get3A_683, %shift_left3A_685 : vector<16xi32>
          %bitcast_convert_type3A_687 = tpu.bitcast %shift_left3A_686 : vector<16xi32> -> vector<16xf32>
          %and3A_688 = arith.constant -65536 : i32
          %and3A_689 = vector.broadcast %and3A_688 : i32 to vector<16xi32>
          %and3A_690 = arith.andi %get3A_683, %and3A_689 : vector<16xi32>
          %bitcast_convert_type3A_691 = tpu.bitcast %and3A_690 : vector<16xi32> -> vector<16xf32>
          %mul3A_692 = arith.mulf %gather3A_276, %bitcast_convert_type3A_687 : vector<16xf32>
          %add3A_693 = arith.addf %add3A_677, %mul3A_692 : vector<16xf32>
          %mul3A_694 = arith.mulf %gather3A_276, %bitcast_convert_type3A_691 : vector<16xf32>
          %add3A_695 = arith.addf %add3A_679, %mul3A_694 : vector<16xf32>
          %get3A_696 = arith.index_cast %scan3A_181 : i32 to index
          %get3A_697 = arith.constant 288 : index
          %get3A_698 = tpu.vector_load %arg16[%get3A_696, %get3A_697] {strides = array<i32>} : memref<32x640xi32, #tpu.memory_space<vmem>>, vector<1x16xi32>,
          %get3A_699 = vector.shape_cast %get3A_698 : vector<1x16xi32> to vector<16xi32>
          %shift_left3A_700 = arith.constant 16 : i32
          %shift_left3A_701 = vector.broadcast %shift_left3A_700 : i32 to vector<16xi32>
          %shift_left3A_702 = arith.shli %get3A_699, %shift_left3A_701 : vector<16xi32>
          %bitcast_convert_type3A_703 = tpu.bitcast %shift_left3A_702 : vector<16xi32> -> vector<16xf32>
          %and3A_704 = arith.constant -65536 : i32
          %and3A_705 = vector.broadcast %and3A_704 : i32 to vector<16xi32>
          %and3A_706 = arith.andi %get3A_699, %and3A_705 : vector<16xi32>
          %bitcast_convert_type3A_707 = tpu.bitcast %and3A_706 : vector<16xi32> -> vector<16xf32>
          %mul3A_708 = arith.mulf %gather3A_252, %bitcast_convert_type3A_703 : vector<16xf32>
          %add3A_709 = arith.addf %add3A_693, %mul3A_708 : vector<16xf32>
          %mul3A_710 = arith.mulf %gather3A_252, %bitcast_convert_type3A_707 : vector<16xf32>
          %add3A_711 = arith.addf %add3A_695, %mul3A_710 : vector<16xf32>
          %get3A_712 = arith.index_cast %scan3A_181 : i32 to index
          %get3A_713 = arith.constant 544 : index
          %get3A_714 = tpu.vector_load %arg16[%get3A_712, %get3A_713] {strides = array<i32>} : memref<32x640xi32, #tpu.memory_space<vmem>>, vector<1x16xi32>,
          %get3A_715 = vector.shape_cast %get3A_714 : vector<1x16xi32> to vector<16xi32>
          %shift_left3A_716 = arith.constant 16 : i32
          %shift_left3A_717 = vector.broadcast %shift_left3A_716 : i32 to vector<16xi32>
          %shift_left3A_718 = arith.shli %get3A_715, %shift_left3A_717 : vector<16xi32>
          %bitcast_convert_type3A_719 = tpu.bitcast %shift_left3A_718 : vector<16xi32> -> vector<16xf32>
          %and3A_720 = arith.constant -65536 : i32
          %and3A_721 = vector.broadcast %and3A_720 : i32 to vector<16xi32>
          %and3A_722 = arith.andi %get3A_715, %and3A_721 : vector<16xi32>
          %bitcast_convert_type3A_723 = tpu.bitcast %and3A_722 : vector<16xi32> -> vector<16xf32>
          %mul3A_724 = arith.mulf %gather3A_284, %bitcast_convert_type3A_719 : vector<16xf32>
          %add3A_725 = arith.addf %add3A_709, %mul3A_724 : vector<16xf32>
          %mul3A_726 = arith.mulf %gather3A_284, %bitcast_convert_type3A_723 : vector<16xf32>
          %add3A_727 = arith.addf %add3A_711, %mul3A_726 : vector<16xf32>
          %swap3A_728 = arith.index_cast %scan3A_181 : i32 to index
          %swap3A_729 = arith.constant 64 : index
          %swap3A_730 = tpu.vector_load %arg14[%swap3A_728, %swap3A_729] {strides = array<i32>} : memref<32x128xf32, #tpu.memory_space<vmem>>, vector<1x16xf32>,
          %swap3A_731 = vector.shape_cast %swap3A_730 : vector<1x16xf32> to vector<16xf32>
          %swap3A_732 = vector.shape_cast %add3A_725 : vector<16xf32> to vector<1x16xf32>
          tpu.vector_store %arg14[%swap3A_728, %swap3A_729], %swap3A_732 {strides = array<i32>} : memref<32x128xf32, #tpu.memory_space<vmem>>, vector<1x16xf32>,
          %swap3A_733 = arith.index_cast %scan3A_181 : i32 to index
          %swap3A_734 = arith.constant 80 : index
          %swap3A_735 = tpu.vector_load %arg14[%swap3A_733, %swap3A_734] {strides = array<i32>} : memref<32x128xf32, #tpu.memory_space<vmem>>, vector<1x16xf32>,
          %swap3A_736 = vector.shape_cast %swap3A_735 : vector<1x16xf32> to vector<16xf32>
          %swap3A_737 = vector.shape_cast %add3A_727 : vector<16xf32> to vector<1x16xf32>
          tpu.vector_store %arg14[%swap3A_733, %swap3A_734], %swap3A_737 {strides = array<i32>} : memref<32x128xf32, #tpu.memory_space<vmem>>, vector<1x16xf32>,
          %get3A_738 = arith.index_cast %scan3A_181 : i32 to index
          %get3A_739 = arith.constant 48 : index
          %get3A_740 = tpu.vector_load %arg16[%get3A_738, %get3A_739] {strides = array<i32>} : memref<32x640xi32, #tpu.memory_space<vmem>>, vector<1x16xi32>,
          %get3A_741 = vector.shape_cast %get3A_740 : vector<1x16xi32> to vector<16xi32>
          %shift_left3A_742 = arith.constant 16 : i32
          %shift_left3A_743 = vector.broadcast %shift_left3A_742 : i32 to vector<16xi32>
          %shift_left3A_744 = arith.shli %get3A_741, %shift_left3A_743 : vector<16xi32>
          %bitcast_convert_type3A_745 = tpu.bitcast %shift_left3A_744 : vector<16xi32> -> vector<16xf32>
          %and3A_746 = arith.constant -65536 : i32
          %and3A_747 = vector.broadcast %and3A_746 : i32 to vector<16xi32>
          %and3A_748 = arith.andi %get3A_741, %and3A_747 : vector<16xi32>
          %bitcast_convert_type3A_749 = tpu.bitcast %and3A_748 : vector<16xi32> -> vector<16xf32>
          %mul3A_750 = arith.mulf %gather3A_215, %bitcast_convert_type3A_745 : vector<16xf32>
          %mul3A_751 = arith.mulf %gather3A_215, %bitcast_convert_type3A_749 : vector<16xf32>
          %get3A_752 = arith.index_cast %scan3A_181 : i32 to index
          %get3A_753 = arith.constant 112 : index
          %get3A_754 = tpu.vector_load %arg16[%get3A_752, %get3A_753] {strides = array<i32>} : memref<32x640xi32, #tpu.memory_space<vmem>>, vector<1x16xi32>,
          %get3A_755 = vector.shape_cast %get3A_754 : vector<1x16xi32> to vector<16xi32>
          %shift_left3A_756 = arith.constant 16 : i32
          %shift_left3A_757 = vector.broadcast %shift_left3A_756 : i32 to vector<16xi32>
          %shift_left3A_758 = arith.shli %get3A_755, %shift_left3A_757 : vector<16xi32>
          %bitcast_convert_type3A_759 = tpu.bitcast %shift_left3A_758 : vector<16xi32> -> vector<16xf32>
          %and3A_760 = arith.constant -65536 : i32
          %and3A_761 = vector.broadcast %and3A_760 : i32 to vector<16xi32>
          %and3A_762 = arith.andi %get3A_755, %and3A_761 : vector<16xi32>
          %bitcast_convert_type3A_763 = tpu.bitcast %and3A_762 : vector<16xi32> -> vector<16xf32>
          %mul3A_764 = arith.mulf %gather3A_228, %bitcast_convert_type3A_759 : vector<16xf32>
          %add3A_765 = arith.addf %mul3A_750, %mul3A_764 : vector<16xf32>
          %mul3A_766 = arith.mulf %gather3A_228, %bitcast_convert_type3A_763 : vector<16xf32>
          %add3A_767 = arith.addf %mul3A_751, %mul3A_766 : vector<16xf32>
          %get3A_768 = arith.index_cast %scan3A_181 : i32 to index
          %get3A_769 = arith.constant 368 : index
          %get3A_770 = tpu.vector_load %arg16[%get3A_768, %get3A_769] {strides = array<i32>} : memref<32x640xi32, #tpu.memory_space<vmem>>, vector<1x16xi32>,
          %get3A_771 = vector.shape_cast %get3A_770 : vector<1x16xi32> to vector<16xi32>
          %shift_left3A_772 = arith.constant 16 : i32
          %shift_left3A_773 = vector.broadcast %shift_left3A_772 : i32 to vector<16xi32>
          %shift_left3A_774 = arith.shli %get3A_771, %shift_left3A_773 : vector<16xi32>
          %bitcast_convert_type3A_775 = tpu.bitcast %shift_left3A_774 : vector<16xi32> -> vector<16xf32>
          %and3A_776 = arith.constant -65536 : i32
          %and3A_777 = vector.broadcast %and3A_776 : i32 to vector<16xi32>
          %and3A_778 = arith.andi %get3A_771, %and3A_777 : vector<16xi32>
          %bitcast_convert_type3A_779 = tpu.bitcast %and3A_778 : vector<16xi32> -> vector<16xf32>
          %mul3A_780 = arith.mulf %gather3A_260, %bitcast_convert_type3A_775 : vector<16xf32>
          %add3A_781 = arith.addf %add3A_765, %mul3A_780 : vector<16xf32>
          %mul3A_782 = arith.mulf %gather3A_260, %bitcast_convert_type3A_779 : vector<16xf32>
          %add3A_783 = arith.addf %add3A_767, %mul3A_782 : vector<16xf32>
          %get3A_784 = arith.index_cast %scan3A_181 : i32 to index
          %get3A_785 = arith.constant 176 : index
          %get3A_786 = tpu.vector_load %arg16[%get3A_784, %get3A_785] {strides = array<i32>} : memref<32x640xi32, #tpu.memory_space<vmem>>, vector<1x16xi32>,
          %get3A_787 = vector.shape_cast %get3A_786 : vector<1x16xi32> to vector<16xi32>
          %shift_left3A_788 = arith.constant 16 : i32
          %shift_left3A_789 = vector.broadcast %shift_left3A_788 : i32 to vector<16xi32>
          %shift_left3A_790 = arith.shli %get3A_787, %shift_left3A_789 : vector<16xi32>
          %bitcast_convert_type3A_791 = tpu.bitcast %shift_left3A_790 : vector<16xi32> -> vector<16xf32>
          %and3A_792 = arith.constant -65536 : i32
          %and3A_793 = vector.broadcast %and3A_792 : i32 to vector<16xi32>
          %and3A_794 = arith.andi %get3A_787, %and3A_793 : vector<16xi32>
          %bitcast_convert_type3A_795 = tpu.bitcast %and3A_794 : vector<16xi32> -> vector<16xf32>
          %mul3A_796 = arith.mulf %gather3A_236, %bitcast_convert_type3A_791 : vector<16xf32>
          %add3A_797 = arith.addf %add3A_781, %mul3A_796 : vector<16xf32>
          %mul3A_798 = arith.mulf %gather3A_236, %bitcast_convert_type3A_795 : vector<16xf32>
          %add3A_799 = arith.addf %add3A_783, %mul3A_798 : vector<16xf32>
          %get3A_800 = arith.index_cast %scan3A_181 : i32 to index
          %get3A_801 = arith.constant 432 : index
          %get3A_802 = tpu.vector_load %arg16[%get3A_800, %get3A_801] {strides = array<i32>} : memref<32x640xi32, #tpu.memory_space<vmem>>, vector<1x16xi32>,
          %get3A_803 = vector.shape_cast %get3A_802 : vector<1x16xi32> to vector<16xi32>
          %shift_left3A_804 = arith.constant 16 : i32
          %shift_left3A_805 = vector.broadcast %shift_left3A_804 : i32 to vector<16xi32>
          %shift_left3A_806 = arith.shli %get3A_803, %shift_left3A_805 : vector<16xi32>
          %bitcast_convert_type3A_807 = tpu.bitcast %shift_left3A_806 : vector<16xi32> -> vector<16xf32>
          %and3A_808 = arith.constant -65536 : i32
          %and3A_809 = vector.broadcast %and3A_808 : i32 to vector<16xi32>
          %and3A_810 = arith.andi %get3A_803, %and3A_809 : vector<16xi32>
          %bitcast_convert_type3A_811 = tpu.bitcast %and3A_810 : vector<16xi32> -> vector<16xf32>
          %mul3A_812 = arith.mulf %gather3A_268, %bitcast_convert_type3A_807 : vector<16xf32>
          %add3A_813 = arith.addf %add3A_797, %mul3A_812 : vector<16xf32>
          %mul3A_814 = arith.mulf %gather3A_268, %bitcast_convert_type3A_811 : vector<16xf32>
          %add3A_815 = arith.addf %add3A_799, %mul3A_814 : vector<16xf32>
          %get3A_816 = arith.index_cast %scan3A_181 : i32 to index
          %get3A_817 = arith.constant 240 : index
          %get3A_818 = tpu.vector_load %arg16[%get3A_816, %get3A_817] {strides = array<i32>} : memref<32x640xi32, #tpu.memory_space<vmem>>, vector<1x16xi32>,
          %get3A_819 = vector.shape_cast %get3A_818 : vector<1x16xi32> to vector<16xi32>
          %shift_left3A_820 = arith.constant 16 : i32
          %shift_left3A_821 = vector.broadcast %shift_left3A_820 : i32 to vector<16xi32>
          %shift_left3A_822 = arith.shli %get3A_819, %shift_left3A_821 : vector<16xi32>
          %bitcast_convert_type3A_823 = tpu.bitcast %shift_left3A_822 : vector<16xi32> -> vector<16xf32>
          %and3A_824 = arith.constant -65536 : i32
          %and3A_825 = vector.broadcast %and3A_824 : i32 to vector<16xi32>
          %and3A_826 = arith.andi %get3A_819, %and3A_825 : vector<16xi32>
          %bitcast_convert_type3A_827 = tpu.bitcast %and3A_826 : vector<16xi32> -> vector<16xf32>
          %mul3A_828 = arith.mulf %gather3A_244, %bitcast_convert_type3A_823 : vector<16xf32>
          %add3A_829 = arith.addf %add3A_813, %mul3A_828 : vector<16xf32>
          %mul3A_830 = arith.mulf %gather3A_244, %bitcast_convert_type3A_827 : vector<16xf32>
          %add3A_831 = arith.addf %add3A_815, %mul3A_830 : vector<16xf32>
          %get3A_832 = arith.index_cast %scan3A_181 : i32 to index
          %get3A_833 = arith.constant 496 : index
          %get3A_834 = tpu.vector_load %arg16[%get3A_832, %get3A_833] {strides = array<i32>} : memref<32x640xi32, #tpu.memory_space<vmem>>, vector<1x16xi32>,
          %get3A_835 = vector.shape_cast %get3A_834 : vector<1x16xi32> to vector<16xi32>
          %shift_left3A_836 = arith.constant 16 : i32
          %shift_left3A_837 = vector.broadcast %shift_left3A_836 : i32 to vector<16xi32>
          %shift_left3A_838 = arith.shli %get3A_835, %shift_left3A_837 : vector<16xi32>
          %bitcast_convert_type3A_839 = tpu.bitcast %shift_left3A_838 : vector<16xi32> -> vector<16xf32>
          %and3A_840 = arith.constant -65536 : i32
          %and3A_841 = vector.broadcast %and3A_840 : i32 to vector<16xi32>
          %and3A_842 = arith.andi %get3A_835, %and3A_841 : vector<16xi32>
          %bitcast_convert_type3A_843 = tpu.bitcast %and3A_842 : vector<16xi32> -> vector<16xf32>
          %mul3A_844 = arith.mulf %gather3A_276, %bitcast_convert_type3A_839 : vector<16xf32>
          %add3A_845 = arith.addf %add3A_829, %mul3A_844 : vector<16xf32>
          %mul3A_846 = arith.mulf %gather3A_276, %bitcast_convert_type3A_843 : vector<16xf32>
          %add3A_847 = arith.addf %add3A_831, %mul3A_846 : vector<16xf32>
          %get3A_848 = arith.index_cast %scan3A_181 : i32 to index
          %get3A_849 = arith.constant 304 : index
          %get3A_850 = tpu.vector_load %arg16[%get3A_848, %get3A_849] {strides = array<i32>} : memref<32x640xi32, #tpu.memory_space<vmem>>, vector<1x16xi32>,
          %get3A_851 = vector.shape_cast %get3A_850 : vector<1x16xi32> to vector<16xi32>
          %shift_left3A_852 = arith.constant 16 : i32
          %shift_left3A_853 = vector.broadcast %shift_left3A_852 : i32 to vector<16xi32>
          %shift_left3A_854 = arith.shli %get3A_851, %shift_left3A_853 : vector<16xi32>
          %bitcast_convert_type3A_855 = tpu.bitcast %shift_left3A_854 : vector<16xi32> -> vector<16xf32>
          %and3A_856 = arith.constant -65536 : i32
          %and3A_857 = vector.broadcast %and3A_856 : i32 to vector<16xi32>
          %and3A_858 = arith.andi %get3A_851, %and3A_857 : vector<16xi32>
          %bitcast_convert_type3A_859 = tpu.bitcast %and3A_858 : vector<16xi32> -> vector<16xf32>
          %mul3A_860 = arith.mulf %gather3A_252, %bitcast_convert_type3A_855 : vector<16xf32>
          %add3A_861 = arith.addf %add3A_845, %mul3A_860 : vector<16xf32>
          %mul3A_862 = arith.mulf %gather3A_252, %bitcast_convert_type3A_859 : vector<16xf32>
          %add3A_863 = arith.addf %add3A_847, %mul3A_862 : vector<16xf32>
          %get3A_864 = arith.index_cast %scan3A_181 : i32 to index
          %get3A_865 = arith.constant 560 : index
          %get3A_866 = tpu.vector_load %arg16[%get3A_864, %get3A_865] {strides = array<i32>} : memref<32x640xi32, #tpu.memory_space<vmem>>, vector<1x16xi32>,
          %get3A_867 = vector.shape_cast %get3A_866 : vector<1x16xi32> to vector<16xi32>
          %shift_left3A_868 = arith.constant 16 : i32
          %shift_left3A_869 = vector.broadcast %shift_left3A_868 : i32 to vector<16xi32>
          %shift_left3A_870 = arith.shli %get3A_867, %shift_left3A_869 : vector<16xi32>
          %bitcast_convert_type3A_871 = tpu.bitcast %shift_left3A_870 : vector<16xi32> -> vector<16xf32>
          %and3A_872 = arith.constant -65536 : i32
          %and3A_873 = vector.broadcast %and3A_872 : i32 to vector<16xi32>
          %and3A_874 = arith.andi %get3A_867, %and3A_873 : vector<16xi32>
          %bitcast_convert_type3A_875 = tpu.bitcast %and3A_874 : vector<16xi32> -> vector<16xf32>
          %mul3A_876 = arith.mulf %gather3A_284, %bitcast_convert_type3A_871 : vector<16xf32>
          %add3A_877 = arith.addf %add3A_861, %mul3A_876 : vector<16xf32>
          %mul3A_878 = arith.mulf %gather3A_284, %bitcast_convert_type3A_875 : vector<16xf32>
          %add3A_879 = arith.addf %add3A_863, %mul3A_878 : vector<16xf32>
          %swap3A_880 = arith.index_cast %scan3A_181 : i32 to index
          %swap3A_881 = arith.constant 96 : index
          %swap3A_882 = tpu.vector_load %arg14[%swap3A_880, %swap3A_881] {strides = array<i32>} : memref<32x128xf32, #tpu.memory_space<vmem>>, vector<1x16xf32>,
          %swap3A_883 = vector.shape_cast %swap3A_882 : vector<1x16xf32> to vector<16xf32>
          %swap3A_884 = vector.shape_cast %add3A_877 : vector<16xf32> to vector<1x16xf32>
          tpu.vector_store %arg14[%swap3A_880, %swap3A_881], %swap3A_884 {strides = array<i32>} : memref<32x128xf32, #tpu.memory_space<vmem>>, vector<1x16xf32>,
          %swap3A_885 = arith.index_cast %scan3A_181 : i32 to index
          %swap3A_886 = arith.constant 112 : index
          %swap3A_887 = tpu.vector_load %arg14[%swap3A_885, %swap3A_886] {strides = array<i32>} : memref<32x128xf32, #tpu.memory_space<vmem>>, vector<1x16xf32>,
          %swap3A_888 = vector.shape_cast %swap3A_887 : vector<1x16xf32> to vector<16xf32>
          %swap3A_889 = vector.shape_cast %add3A_879 : vector<16xf32> to vector<1x16xf32>
          tpu.vector_store %arg14[%swap3A_885, %swap3A_886], %swap3A_889 {strides = array<i32>} : memref<32x128xf32, #tpu.memory_space<vmem>>, vector<1x16xf32>,
        }
        %scan3A_170 = arith.constant 32 : i32
        %dma_start3A_171 = arith.constant 0 : i32
        %dma_start3A_172 = arith.constant 0 : i32
        %dma_start3A_173 = tpu.memref_slice %arg18[%dma_start3A_171, %dma_start3A_172] : memref<10000x128xf32, #tpu.memory_space<vmem_shared>> -> memref<10000x128xf32, #tpu.memory_space<vmem_shared>>
        tpu.enqueue_indirect_dma source(%arg14 : memref<32x128xf32, #tpu.memory_space<vmem>>) target(%dma_start3A_173 : memref<10000x128xf32, #tpu.memory_space<vmem_shared>>) offsets(%arg10 : memref<32xi32, #tpu.memory_space<vmem>>) semaphore(%arg25 : memref<!tpu.dma_semaphore, #tpu.memory_space<semaphore_mem>>) {add = true}
        %add3A_174 = arith.constant 64 : i32
        %add3A_175 = arith.addi %add3A_137, %add3A_174 : i32
        %lt3A_176 = arith.constant 5000 : i32
        %lt3A_177 = arith.cmpi slt, %add3A_175, %lt3A_176 : i32
        %convert_element_type3A_178 = arith.extui %lt3A_177 : i1 to i32
        %cond3A_179 = arith.constant 0 : i32
        %cond3A_180 = arith.cmpi ne, %convert_element_type3A_178, %cond3A_179 : i32
        scf.if %cond3A_180 {
          %add3A_181 = arith.constant 64 : i32
          %add3A_182 = arith.addi %add3A_137, %add3A_181 : i32
          %mul3A_183 = arith.constant 32 : i32
          %mul3A_184 = arith.muli %add3A_182, %mul3A_183 : i32
          %dma_start3A_185 = tpu.memref_slice %arg4[%mul3A_184] : memref<160000xi32, #tpu.memory_space<hbm>> -> memref<32xi32, #tpu.memory_space<hbm>>
          %dma_start3A_186 = tpu.memref_slice %arg4[%mul3A_184] : memref<160000xi32, #tpu.memory_space<hbm>> -> memref<32xi32, #tpu.memory_space<hbm>>
          tpu.enqueue_dma source(%dma_start3A_186 : memref<32xi32, #tpu.memory_space<hbm>>) target(%arg8 : memref<32xi32, #tpu.memory_space<vmem>>) target_semaphore(%arg19 : memref<!tpu.dma_semaphore, #tpu.memory_space<semaphore_mem>>)
          %dma_start3A_187 = tpu.memref_slice %arg5[%mul3A_184] : memref<160000xi32, #tpu.memory_space<hbm>> -> memref<32xi32, #tpu.memory_space<hbm>>
          %dma_start3A_188 = tpu.memref_slice %arg5[%mul3A_184] : memref<160000xi32, #tpu.memory_space<hbm>> -> memref<32xi32, #tpu.memory_space<hbm>>
          tpu.enqueue_dma source(%dma_start3A_188 : memref<32xi32, #tpu.memory_space<hbm>>) target(%arg10 : memref<32xi32, #tpu.memory_space<vmem>>) target_semaphore(%arg19 : memref<!tpu.dma_semaphore, #tpu.memory_space<semaphore_mem>>)
          %dma_start3A_189 = arith.constant 0 : i32
          %dma_start3A_190 = tpu.memref_slice %arg12[%dma_start3A_189] : memref<48xf32, #tpu.memory_space<vmem>> -> memref<32xf32, #tpu.memory_space<vmem>>
          %dma_start3A_191 = tpu.memref_slice %arg6[%mul3A_184] : memref<160000xf32, #tpu.memory_space<hbm>> -> memref<32xf32, #tpu.memory_space<hbm>>
          %dma_start3A_192 = arith.constant 0 : i32
          %dma_start3A_193 = tpu.memref_slice %arg12[%dma_start3A_192] : memref<48xf32, #tpu.memory_space<vmem>> -> memref<32xf32, #tpu.memory_space<vmem>>
          %dma_start3A_194 = tpu.memref_slice %arg6[%mul3A_184] : memref<160000xf32, #tpu.memory_space<hbm>> -> memref<32xf32, #tpu.memory_space<hbm>>
          tpu.enqueue_dma source(%dma_start3A_194 : memref<32xf32, #tpu.memory_space<hbm>>) target(%dma_start3A_193 : memref<32xf32, #tpu.memory_space<vmem>>) target_semaphore(%arg19 : memref<!tpu.dma_semaphore, #tpu.memory_space<semaphore_mem>>)
        } else {
        }
      } else {
      }
      %mul3A_140 = arith.constant 2 : i32
      %mul3A_141 = arith.muli %mul3A_140, %scan3A_130 : i32
      %add3A_142 = arith.constant 1 : i32
      %add3A_143 = arith.addi %mul3A_141, %add3A_142 : i32
      %mul3A_144 = arith.constant 32 : i32
      %mul3A_145 = arith.muli %add3A_143, %mul3A_144 : i32
      %add3A_146 = arith.addi %add3A, %mul3A_145 : i32
      %lt3A_147 = arith.constant 5000 : i32
      %lt3A_148 = arith.cmpi slt, %add3A_146, %lt3A_147 : i32
      %convert_element_type3A_149 = arith.extui %lt3A_148 : i1 to i32
      %cond3A_150 = arith.constant 0 : i32
      %cond3A_151 = arith.cmpi ne, %convert_element_type3A_149, %cond3A_150 : i32
      scf.if %cond3A_151 {
        %dma_wait3A_152 = arith.constant 0 : i32
        %dma_wait3A_153 = arith.constant 0 : i32
        %dma_wait3A_154 = tpu.memref_slice %arg2[%dma_wait3A_152, %dma_wait3A_153] : memref<10240x640xi32, #tpu.memory_space<hbm>> -> memref<10240x640xi32, #tpu.memory_space<hbm>>
        tpu.wait_indirect_dma semaphore(%arg22 : memref<!tpu.dma_semaphore, #tpu.memory_space<semaphore_mem>>) src(%dma_wait3A_154 : memref<10240x640xi32, #tpu.memory_space<hbm>>) dst(%arg17 : memref<32x640xi32, #tpu.memory_space<vmem>>)
        %dma_wait3A_155 = arith.constant 0 : i32
        %dma_wait3A_156 = arith.constant 0 : i32
        %dma_wait3A_157 = tpu.memref_slice %arg3[%dma_wait3A_155, %dma_wait3A_156] : memref<10000x128xf32, #tpu.memory_space<hbm>> -> memref<10000x128xf32, #tpu.memory_space<hbm>>
        tpu.wait_indirect_dma semaphore(%arg24 : memref<!tpu.dma_semaphore, #tpu.memory_space<semaphore_mem>>) src(%dma_wait3A_157 : memref<10000x128xf32, #tpu.memory_space<hbm>>) dst(%arg15 : memref<32x128xf32, #tpu.memory_space<vmem>>)
        %add3A_158 = arith.constant 32 : i32
        %add3A_159 = arith.addi %add3A_146, %add3A_158 : i32
        %lt3A_160 = arith.constant 5000 : i32
        %lt3A_161 = arith.cmpi slt, %add3A_159, %lt3A_160 : i32
        %convert_element_type3A_162 = arith.extui %lt3A_161 : i1 to i32
        %cond3A_163 = arith.constant 0 : i32
        %cond3A_164 = arith.cmpi ne, %convert_element_type3A_162, %cond3A_163 : i32
        scf.if %cond3A_164 {
          %dma_wait3A_181 = arith.constant 0 : i32
          %dma_wait3A_182 = arith.constant 0 : i32
          %dma_wait3A_183 = tpu.memref_slice %arg18[%dma_wait3A_181, %dma_wait3A_182] : memref<10000x128xf32, #tpu.memory_space<vmem_shared>> -> memref<10000x128xf32, #tpu.memory_space<vmem_shared>>
          tpu.wait_indirect_dma semaphore(%arg25 : memref<!tpu.dma_semaphore, #tpu.memory_space<semaphore_mem>>) src(%arg14 : memref<32x128xf32, #tpu.memory_space<vmem>>) dst(%dma_wait3A_183 : memref<10000x128xf32, #tpu.memory_space<vmem_shared>>)
          %dma_wait3A_184 = arith.constant 0 : i32
          %dma_wait3A_185 = tpu.memref_slice %arg4[%dma_wait3A_184] : memref<160000xi32, #tpu.memory_space<hbm>> -> memref<32xi32, #tpu.memory_space<hbm>>
          %dma_wait3A_186 = arith.constant 0 : i32
          %dma_wait3A_187 = tpu.memref_slice %arg4[%dma_wait3A_186] : memref<160000xi32, #tpu.memory_space<hbm>> -> memref<32xi32, #tpu.memory_space<hbm>>
          tpu.wait_dma2 semaphore(%arg19 : memref<!tpu.dma_semaphore, #tpu.memory_space<semaphore_mem>>) src(%dma_wait3A_187 : memref<32xi32, #tpu.memory_space<hbm>>) dst(%arg8 : memref<32xi32, #tpu.memory_space<vmem>>)
          %dma_wait3A_188 = arith.constant 0 : i32
          %dma_wait3A_189 = tpu.memref_slice %arg5[%dma_wait3A_188] : memref<160000xi32, #tpu.memory_space<hbm>> -> memref<32xi32, #tpu.memory_space<hbm>>
          %dma_wait3A_190 = arith.constant 0 : i32
          %dma_wait3A_191 = tpu.memref_slice %arg5[%dma_wait3A_190] : memref<160000xi32, #tpu.memory_space<hbm>> -> memref<32xi32, #tpu.memory_space<hbm>>
          tpu.wait_dma2 semaphore(%arg19 : memref<!tpu.dma_semaphore, #tpu.memory_space<semaphore_mem>>) src(%dma_wait3A_191 : memref<32xi32, #tpu.memory_space<hbm>>) dst(%arg10 : memref<32xi32, #tpu.memory_space<vmem>>)
          %dma_wait3A_192 = arith.constant 0 : i32
          %dma_wait3A_193 = tpu.memref_slice %arg12[%dma_wait3A_192] : memref<48xf32, #tpu.memory_space<vmem>> -> memref<32xf32, #tpu.memory_space<vmem>>
          %dma_wait3A_194 = arith.constant 0 : i32
          %dma_wait3A_195 = tpu.memref_slice %arg6[%dma_wait3A_194] : memref<160000xf32, #tpu.memory_space<hbm>> -> memref<32xf32, #tpu.memory_space<hbm>>
          %dma_wait3A_196 = arith.constant 0 : i32
          %dma_wait3A_197 = tpu.memref_slice %arg12[%dma_wait3A_196] : memref<48xf32, #tpu.memory_space<vmem>> -> memref<32xf32, #tpu.memory_space<vmem>>
          %dma_wait3A_198 = arith.constant 0 : i32
          %dma_wait3A_199 = tpu.memref_slice %arg6[%dma_wait3A_198] : memref<160000xf32, #tpu.memory_space<hbm>> -> memref<32xf32, #tpu.memory_space<hbm>>
          tpu.wait_dma2 semaphore(%arg19 : memref<!tpu.dma_semaphore, #tpu.memory_space<semaphore_mem>>) src(%dma_wait3A_199 : memref<32xf32, #tpu.memory_space<hbm>>) dst(%dma_wait3A_197 : memref<32xf32, #tpu.memory_space<vmem>>)
          %dma_start3A_200 = arith.constant 0 : i32
          %dma_start3A_201 = arith.constant 0 : i32
          %dma_start3A_202 = tpu.memref_slice %arg2[%dma_start3A_200, %dma_start3A_201] : memref<10240x640xi32, #tpu.memory_space<hbm>> -> memref<10240x640xi32, #tpu.memory_space<hbm>>
          tpu.enqueue_indirect_dma source(%dma_start3A_202 : memref<10240x640xi32, #tpu.memory_space<hbm>>) target(%arg16 : memref<32x640xi32, #tpu.memory_space<vmem>>) offsets(%arg8 : memref<32xi32, #tpu.memory_space<vmem>>) semaphore(%arg21 : memref<!tpu.dma_semaphore, #tpu.memory_space<semaphore_mem>>)
          %dma_start3A_203 = arith.constant 0 : i32
          %dma_start3A_204 = arith.constant 0 : i32
          %dma_start3A_205 = tpu.memref_slice %arg3[%dma_start3A_203, %dma_start3A_204] : memref<10000x128xf32, #tpu.memory_space<hbm>> -> memref<10000x128xf32, #tpu.memory_space<hbm>>
          tpu.enqueue_indirect_dma source(%dma_start3A_205 : memref<10000x128xf32, #tpu.memory_space<hbm>>) target(%arg14 : memref<32x128xf32, #tpu.memory_space<vmem>>) offsets(%arg10 : memref<32xi32, #tpu.memory_space<vmem>>) semaphore(%arg23 : memref<!tpu.dma_semaphore, #tpu.memory_space<semaphore_mem>>)
        } else {
        }
        %scan3A_165 = arith.constant 0 : i32
        %scan3A_166 = arith.constant 0 : i32
        %scan3A_167 = arith.constant 32 : i32
        %scan3A_168 = arith.addi %scan3A_166, %scan3A_167 : i32
        %scan3A_169 = arith.constant 1 : i32
        scf.for %scan3A_181 = %scan3A_166 to %scan3A_168 step %scan3A_169  : i32 {
          %jit3A_182 = arith.constant 16 : i32
          %div3A_183 = arith.divsi %scan3A_181, %jit3A_182 : i32
          %sign3A_184 = arith.constant 0 : i32
          %sign3A_185 = arith.cmpi sgt, %scan3A_181, %sign3A_184 : i32
          %sign3A_186 = arith.extui %sign3A_185 : i1 to i32
          %sign3A_187 = arith.constant 0 : i32
          %sign3A_188 = arith.cmpi slt, %scan3A_181, %sign3A_187 : i32
          %sign3A_189 = arith.extui %sign3A_188 : i1 to i32
          %sign3A_190 = arith.subi %sign3A_186, %sign3A_189 : i32
          %sign3A_191 = arith.constant 0 : i32
          %sign3A_192 = arith.cmpi sgt, %jit3A_182, %sign3A_191 : i32
          %sign3A_193 = arith.extui %sign3A_192 : i1 to i32
          %sign3A_194 = arith.constant 0 : i32
          %sign3A_195 = arith.cmpi slt, %jit3A_182, %sign3A_194 : i32
          %sign3A_196 = arith.extui %sign3A_195 : i1 to i32
          %sign3A_197 = arith.subi %sign3A_193, %sign3A_196 : i32
          %ne3A_198 = arith.cmpi ne, %sign3A_190, %sign3A_197 : i32
          %rem3A_199 = arith.remsi %scan3A_181, %jit3A_182 : i32
          %ne3A_200 = arith.constant 0 : i32
          %ne3A_201 = arith.cmpi ne, %rem3A_199, %ne3A_200 : i32
          %and3A_202 = arith.andi %ne3A_198, %ne3A_201 : i1
          %sub3A_203 = arith.constant 1 : i32
          %sub3A_204 = arith.subi %div3A_183, %sub3A_203 : i32
          %select_n3A_205 = arith.select %and3A_202, %sub3A_204, %div3A_183 : i32
          %mul3A_206 = arith.constant 16 : i32
          %mul3A_207 = arith.muli %select_n3A_205, %mul3A_206 : i32
          %get3A = arith.index_cast %mul3A_207 : i32 to index
          %get3A_208 = tpu.vector_load %arg13[%get3A] {strides = array<i32>} : memref<48xf32, #tpu.memory_space<vmem>>, vector<16xf32>,
          %get3A_209 = vector.shape_cast %get3A_208 : vector<16xf32> to vector<16xf32>
          %sub3A_210 = arith.subi %scan3A_181, %mul3A_207 : i32
          %broadcast_in_dim3A = arith.constant 0 : i32
          %broadcast_in_dim3A_211 = vector.broadcast %broadcast_in_dim3A : i32 to vector<16xi32>
          %add3A_212 = vector.broadcast %sub3A_210 : i32 to vector<16xi32>
          %add3A_213 = arith.addi %broadcast_in_dim3A_211, %add3A_212 : vector<16xi32>
          %broadcast_in_dim3A_214 = vector.shape_cast %add3A_213 : vector<16xi32> to vector<16x1xi32>
          %gather3A = vector.shape_cast %broadcast_in_dim3A_214 : vector<16x1xi32> to vector<16xi32>
          %gather3A_215 = tpu.dynamic_gather %get3A_209[%gather3A] in [0] : vector<16xf32>, vector<16xi32> -> vector<16xf32>
          %get3A_216 = arith.index_cast %scan3A_181 : i32 to index
          %get3A_217 = arith.constant 0 : index
          %get3A_218 = tpu.vector_load %arg15[%get3A_216, %get3A_217] {strides = array<i32>} : memref<32x128xf32, #tpu.memory_space<vmem>>, vector<1x16xf32>,
          %get3A_219 = vector.shape_cast %get3A_218 : vector<1x16xf32> to vector<16xf32>
          %mul3A_220 = arith.mulf %get3A_219, %gather3A_215 : vector<16xf32>
          %broadcast_in_dim3A_221 = arith.constant 0 : i32
          %broadcast_in_dim3A_222 = vector.broadcast %broadcast_in_dim3A_221 : i32 to vector<16xi32>
          %add3A_223 = arith.constant 0 : i32
          %add3A_224 = vector.broadcast %add3A_223 : i32 to vector<16xi32>
          %add3A_225 = arith.addi %broadcast_in_dim3A_222, %add3A_224 : vector<16xi32>
          %broadcast_in_dim3A_226 = vector.shape_cast %add3A_225 : vector<16xi32> to vector<16x1xi32>
          %gather3A_227 = vector.shape_cast %broadcast_in_dim3A_226 : vector<16x1xi32> to vector<16xi32>
          %gather3A_228 = tpu.dynamic_gather %mul3A_220[%gather3A_227] in [0] : vector<16xf32>, vector<16xi32> -> vector<16xf32>
          %broadcast_in_dim3A_229 = arith.constant 0 : i32
          %broadcast_in_dim3A_230 = vector.broadcast %broadcast_in_dim3A_229 : i32 to vector<16xi32>
          %add3A_231 = arith.constant 1 : i32
          %add3A_232 = vector.broadcast %add3A_231 : i32 to vector<16xi32>
          %add3A_233 = arith.addi %broadcast_in_dim3A_230, %add3A_232 : vector<16xi32>
          %broadcast_in_dim3A_234 = vector.shape_cast %add3A_233 : vector<16xi32> to vector<16x1xi32>
          %gather3A_235 = vector.shape_cast %broadcast_in_dim3A_234 : vector<16x1xi32> to vector<16xi32>
          %gather3A_236 = tpu.dynamic_gather %mul3A_220[%gather3A_235] in [0] : vector<16xf32>, vector<16xi32> -> vector<16xf32>
          %broadcast_in_dim3A_237 = arith.constant 0 : i32
          %broadcast_in_dim3A_238 = vector.broadcast %broadcast_in_dim3A_237 : i32 to vector<16xi32>
          %add3A_239 = arith.constant 2 : i32
          %add3A_240 = vector.broadcast %add3A_239 : i32 to vector<16xi32>
          %add3A_241 = arith.addi %broadcast_in_dim3A_238, %add3A_240 : vector<16xi32>
          %broadcast_in_dim3A_242 = vector.shape_cast %add3A_241 : vector<16xi32> to vector<16x1xi32>
          %gather3A_243 = vector.shape_cast %broadcast_in_dim3A_242 : vector<16x1xi32> to vector<16xi32>
          %gather3A_244 = tpu.dynamic_gather %mul3A_220[%gather3A_243] in [0] : vector<16xf32>, vector<16xi32> -> vector<16xf32>
          %broadcast_in_dim3A_245 = arith.constant 0 : i32
          %broadcast_in_dim3A_246 = vector.broadcast %broadcast_in_dim3A_245 : i32 to vector<16xi32>
          %add3A_247 = arith.constant 3 : i32
          %add3A_248 = vector.broadcast %add3A_247 : i32 to vector<16xi32>
          %add3A_249 = arith.addi %broadcast_in_dim3A_246, %add3A_248 : vector<16xi32>
          %broadcast_in_dim3A_250 = vector.shape_cast %add3A_249 : vector<16xi32> to vector<16x1xi32>
          %gather3A_251 = vector.shape_cast %broadcast_in_dim3A_250 : vector<16x1xi32> to vector<16xi32>
          %gather3A_252 = tpu.dynamic_gather %mul3A_220[%gather3A_251] in [0] : vector<16xf32>, vector<16xi32> -> vector<16xf32>
          %broadcast_in_dim3A_253 = arith.constant 0 : i32
          %broadcast_in_dim3A_254 = vector.broadcast %broadcast_in_dim3A_253 : i32 to vector<16xi32>
          %add3A_255 = arith.constant 4 : i32
          %add3A_256 = vector.broadcast %add3A_255 : i32 to vector<16xi32>
          %add3A_257 = arith.addi %broadcast_in_dim3A_254, %add3A_256 : vector<16xi32>
          %broadcast_in_dim3A_258 = vector.shape_cast %add3A_257 : vector<16xi32> to vector<16x1xi32>
          %gather3A_259 = vector.shape_cast %broadcast_in_dim3A_258 : vector<16x1xi32> to vector<16xi32>
          %gather3A_260 = tpu.dynamic_gather %mul3A_220[%gather3A_259] in [0] : vector<16xf32>, vector<16xi32> -> vector<16xf32>
          %broadcast_in_dim3A_261 = arith.constant 0 : i32
          %broadcast_in_dim3A_262 = vector.broadcast %broadcast_in_dim3A_261 : i32 to vector<16xi32>
          %add3A_263 = arith.constant 5 : i32
          %add3A_264 = vector.broadcast %add3A_263 : i32 to vector<16xi32>
          %add3A_265 = arith.addi %broadcast_in_dim3A_262, %add3A_264 : vector<16xi32>
          %broadcast_in_dim3A_266 = vector.shape_cast %add3A_265 : vector<16xi32> to vector<16x1xi32>
          %gather3A_267 = vector.shape_cast %broadcast_in_dim3A_266 : vector<16x1xi32> to vector<16xi32>
          %gather3A_268 = tpu.dynamic_gather %mul3A_220[%gather3A_267] in [0] : vector<16xf32>, vector<16xi32> -> vector<16xf32>
          %broadcast_in_dim3A_269 = arith.constant 0 : i32
          %broadcast_in_dim3A_270 = vector.broadcast %broadcast_in_dim3A_269 : i32 to vector<16xi32>
          %add3A_271 = arith.constant 6 : i32
          %add3A_272 = vector.broadcast %add3A_271 : i32 to vector<16xi32>
          %add3A_273 = arith.addi %broadcast_in_dim3A_270, %add3A_272 : vector<16xi32>
          %broadcast_in_dim3A_274 = vector.shape_cast %add3A_273 : vector<16xi32> to vector<16x1xi32>
          %gather3A_275 = vector.shape_cast %broadcast_in_dim3A_274 : vector<16x1xi32> to vector<16xi32>
          %gather3A_276 = tpu.dynamic_gather %mul3A_220[%gather3A_275] in [0] : vector<16xf32>, vector<16xi32> -> vector<16xf32>
          %broadcast_in_dim3A_277 = arith.constant 0 : i32
          %broadcast_in_dim3A_278 = vector.broadcast %broadcast_in_dim3A_277 : i32 to vector<16xi32>
          %add3A_279 = arith.constant 7 : i32
          %add3A_280 = vector.broadcast %add3A_279 : i32 to vector<16xi32>
          %add3A_281 = arith.addi %broadcast_in_dim3A_278, %add3A_280 : vector<16xi32>
          %broadcast_in_dim3A_282 = vector.shape_cast %add3A_281 : vector<16xi32> to vector<16x1xi32>
          %gather3A_283 = vector.shape_cast %broadcast_in_dim3A_282 : vector<16x1xi32> to vector<16xi32>
          %gather3A_284 = tpu.dynamic_gather %mul3A_220[%gather3A_283] in [0] : vector<16xf32>, vector<16xi32> -> vector<16xf32>
          %get3A_285 = arith.index_cast %scan3A_181 : i32 to index
          %get3A_286 = arith.constant 0 : index
          %get3A_287 = tpu.vector_load %arg17[%get3A_285, %get3A_286] {strides = array<i32>} : memref<32x640xi32, #tpu.memory_space<vmem>>, vector<1x16xi32>,
          %get3A_288 = vector.shape_cast %get3A_287 : vector<1x16xi32> to vector<16xi32>
          %shift_left3A = arith.constant 16 : i32
          %shift_left3A_289 = vector.broadcast %shift_left3A : i32 to vector<16xi32>
          %shift_left3A_290 = arith.shli %get3A_288, %shift_left3A_289 : vector<16xi32>
          %bitcast_convert_type3A = tpu.bitcast %shift_left3A_290 : vector<16xi32> -> vector<16xf32>
          %and3A_291 = arith.constant -65536 : i32
          %and3A_292 = vector.broadcast %and3A_291 : i32 to vector<16xi32>
          %and3A_293 = arith.andi %get3A_288, %and3A_292 : vector<16xi32>
          %bitcast_convert_type3A_294 = tpu.bitcast %and3A_293 : vector<16xi32> -> vector<16xf32>
          %mul3A_295 = arith.mulf %gather3A_215, %bitcast_convert_type3A : vector<16xf32>
          %mul3A_296 = arith.mulf %gather3A_215, %bitcast_convert_type3A_294 : vector<16xf32>
          %get3A_297 = arith.index_cast %scan3A_181 : i32 to index
          %get3A_298 = arith.constant 64 : index
          %get3A_299 = tpu.vector_load %arg17[%get3A_297, %get3A_298] {strides = array<i32>} : memref<32x640xi32, #tpu.memory_space<vmem>>, vector<1x16xi32>,
          %get3A_300 = vector.shape_cast %get3A_299 : vector<1x16xi32> to vector<16xi32>
          %shift_left3A_301 = arith.constant 16 : i32
          %shift_left3A_302 = vector.broadcast %shift_left3A_301 : i32 to vector<16xi32>
          %shift_left3A_303 = arith.shli %get3A_300, %shift_left3A_302 : vector<16xi32>
          %bitcast_convert_type3A_304 = tpu.bitcast %shift_left3A_303 : vector<16xi32> -> vector<16xf32>
          %and3A_305 = arith.constant -65536 : i32
          %and3A_306 = vector.broadcast %and3A_305 : i32 to vector<16xi32>
          %and3A_307 = arith.andi %get3A_300, %and3A_306 : vector<16xi32>
          %bitcast_convert_type3A_308 = tpu.bitcast %and3A_307 : vector<16xi32> -> vector<16xf32>
          %mul3A_309 = arith.mulf %gather3A_228, %bitcast_convert_type3A_304 : vector<16xf32>
          %add3A_310 = arith.addf %mul3A_295, %mul3A_309 : vector<16xf32>
          %mul3A_311 = arith.mulf %gather3A_228, %bitcast_convert_type3A_308 : vector<16xf32>
          %add3A_312 = arith.addf %mul3A_296, %mul3A_311 : vector<16xf32>
          %get3A_313 = arith.index_cast %scan3A_181 : i32 to index
          %get3A_314 = arith.constant 320 : index
          %get3A_315 = tpu.vector_load %arg17[%get3A_313, %get3A_314] {strides = array<i32>} : memref<32x640xi32, #tpu.memory_space<vmem>>, vector<1x16xi32>,
          %get3A_316 = vector.shape_cast %get3A_315 : vector<1x16xi32> to vector<16xi32>
          %shift_left3A_317 = arith.constant 16 : i32
          %shift_left3A_318 = vector.broadcast %shift_left3A_317 : i32 to vector<16xi32>
          %shift_left3A_319 = arith.shli %get3A_316, %shift_left3A_318 : vector<16xi32>
          %bitcast_convert_type3A_320 = tpu.bitcast %shift_left3A_319 : vector<16xi32> -> vector<16xf32>
          %and3A_321 = arith.constant -65536 : i32
          %and3A_322 = vector.broadcast %and3A_321 : i32 to vector<16xi32>
          %and3A_323 = arith.andi %get3A_316, %and3A_322 : vector<16xi32>
          %bitcast_convert_type3A_324 = tpu.bitcast %and3A_323 : vector<16xi32> -> vector<16xf32>
          %mul3A_325 = arith.mulf %gather3A_260, %bitcast_convert_type3A_320 : vector<16xf32>
          %add3A_326 = arith.addf %add3A_310, %mul3A_325 : vector<16xf32>
          %mul3A_327 = arith.mulf %gather3A_260, %bitcast_convert_type3A_324 : vector<16xf32>
          %add3A_328 = arith.addf %add3A_312, %mul3A_327 : vector<16xf32>
          %get3A_329 = arith.index_cast %scan3A_181 : i32 to index
          %get3A_330 = arith.constant 128 : index
          %get3A_331 = tpu.vector_load %arg17[%get3A_329, %get3A_330] {strides = array<i32>} : memref<32x640xi32, #tpu.memory_space<vmem>>, vector<1x16xi32>,
          %get3A_332 = vector.shape_cast %get3A_331 : vector<1x16xi32> to vector<16xi32>
          %shift_left3A_333 = arith.constant 16 : i32
          %shift_left3A_334 = vector.broadcast %shift_left3A_333 : i32 to vector<16xi32>
          %shift_left3A_335 = arith.shli %get3A_332, %shift_left3A_334 : vector<16xi32>
          %bitcast_convert_type3A_336 = tpu.bitcast %shift_left3A_335 : vector<16xi32> -> vector<16xf32>
          %and3A_337 = arith.constant -65536 : i32
          %and3A_338 = vector.broadcast %and3A_337 : i32 to vector<16xi32>
          %and3A_339 = arith.andi %get3A_332, %and3A_338 : vector<16xi32>
          %bitcast_convert_type3A_340 = tpu.bitcast %and3A_339 : vector<16xi32> -> vector<16xf32>
          %mul3A_341 = arith.mulf %gather3A_236, %bitcast_convert_type3A_336 : vector<16xf32>
          %add3A_342 = arith.addf %add3A_326, %mul3A_341 : vector<16xf32>
          %mul3A_343 = arith.mulf %gather3A_236, %bitcast_convert_type3A_340 : vector<16xf32>
          %add3A_344 = arith.addf %add3A_328, %mul3A_343 : vector<16xf32>
          %get3A_345 = arith.index_cast %scan3A_181 : i32 to index
          %get3A_346 = arith.constant 384 : index
          %get3A_347 = tpu.vector_load %arg17[%get3A_345, %get3A_346] {strides = array<i32>} : memref<32x640xi32, #tpu.memory_space<vmem>>, vector<1x16xi32>,
          %get3A_348 = vector.shape_cast %get3A_347 : vector<1x16xi32> to vector<16xi32>
          %shift_left3A_349 = arith.constant 16 : i32
          %shift_left3A_350 = vector.broadcast %shift_left3A_349 : i32 to vector<16xi32>
          %shift_left3A_351 = arith.shli %get3A_348, %shift_left3A_350 : vector<16xi32>
          %bitcast_convert_type3A_352 = tpu.bitcast %shift_left3A_351 : vector<16xi32> -> vector<16xf32>
          %and3A_353 = arith.constant -65536 : i32
          %and3A_354 = vector.broadcast %and3A_353 : i32 to vector<16xi32>
          %and3A_355 = arith.andi %get3A_348, %and3A_354 : vector<16xi32>
          %bitcast_convert_type3A_356 = tpu.bitcast %and3A_355 : vector<16xi32> -> vector<16xf32>
          %mul3A_357 = arith.mulf %gather3A_268, %bitcast_convert_type3A_352 : vector<16xf32>
          %add3A_358 = arith.addf %add3A_342, %mul3A_357 : vector<16xf32>
          %mul3A_359 = arith.mulf %gather3A_268, %bitcast_convert_type3A_356 : vector<16xf32>
          %add3A_360 = arith.addf %add3A_344, %mul3A_359 : vector<16xf32>
          %get3A_361 = arith.index_cast %scan3A_181 : i32 to index
          %get3A_362 = arith.constant 192 : index
          %get3A_363 = tpu.vector_load %arg17[%get3A_361, %get3A_362] {strides = array<i32>} : memref<32x640xi32, #tpu.memory_space<vmem>>, vector<1x16xi32>,
          %get3A_364 = vector.shape_cast %get3A_363 : vector<1x16xi32> to vector<16xi32>
          %shift_left3A_365 = arith.constant 16 : i32
          %shift_left3A_366 = vector.broadcast %shift_left3A_365 : i32 to vector<16xi32>
          %shift_left3A_367 = arith.shli %get3A_364, %shift_left3A_366 : vector<16xi32>
          %bitcast_convert_type3A_368 = tpu.bitcast %shift_left3A_367 : vector<16xi32> -> vector<16xf32>
          %and3A_369 = arith.constant -65536 : i32
          %and3A_370 = vector.broadcast %and3A_369 : i32 to vector<16xi32>
          %and3A_371 = arith.andi %get3A_364, %and3A_370 : vector<16xi32>
          %bitcast_convert_type3A_372 = tpu.bitcast %and3A_371 : vector<16xi32> -> vector<16xf32>
          %mul3A_373 = arith.mulf %gather3A_244, %bitcast_convert_type3A_368 : vector<16xf32>
          %add3A_374 = arith.addf %add3A_358, %mul3A_373 : vector<16xf32>
          %mul3A_375 = arith.mulf %gather3A_244, %bitcast_convert_type3A_372 : vector<16xf32>
          %add3A_376 = arith.addf %add3A_360, %mul3A_375 : vector<16xf32>
          %get3A_377 = arith.index_cast %scan3A_181 : i32 to index
          %get3A_378 = arith.constant 448 : index
          %get3A_379 = tpu.vector_load %arg17[%get3A_377, %get3A_378] {strides = array<i32>} : memref<32x640xi32, #tpu.memory_space<vmem>>, vector<1x16xi32>,
          %get3A_380 = vector.shape_cast %get3A_379 : vector<1x16xi32> to vector<16xi32>
          %shift_left3A_381 = arith.constant 16 : i32
          %shift_left3A_382 = vector.broadcast %shift_left3A_381 : i32 to vector<16xi32>
          %shift_left3A_383 = arith.shli %get3A_380, %shift_left3A_382 : vector<16xi32>
          %bitcast_convert_type3A_384 = tpu.bitcast %shift_left3A_383 : vector<16xi32> -> vector<16xf32>
          %and3A_385 = arith.constant -65536 : i32
          %and3A_386 = vector.broadcast %and3A_385 : i32 to vector<16xi32>
          %and3A_387 = arith.andi %get3A_380, %and3A_386 : vector<16xi32>
          %bitcast_convert_type3A_388 = tpu.bitcast %and3A_387 : vector<16xi32> -> vector<16xf32>
          %mul3A_389 = arith.mulf %gather3A_276, %bitcast_convert_type3A_384 : vector<16xf32>
          %add3A_390 = arith.addf %add3A_374, %mul3A_389 : vector<16xf32>
          %mul3A_391 = arith.mulf %gather3A_276, %bitcast_convert_type3A_388 : vector<16xf32>
          %add3A_392 = arith.addf %add3A_376, %mul3A_391 : vector<16xf32>
          %get3A_393 = arith.index_cast %scan3A_181 : i32 to index
          %get3A_394 = arith.constant 256 : index
          %get3A_395 = tpu.vector_load %arg17[%get3A_393, %get3A_394] {strides = array<i32>} : memref<32x640xi32, #tpu.memory_space<vmem>>, vector<1x16xi32>,
          %get3A_396 = vector.shape_cast %get3A_395 : vector<1x16xi32> to vector<16xi32>
          %shift_left3A_397 = arith.constant 16 : i32
          %shift_left3A_398 = vector.broadcast %shift_left3A_397 : i32 to vector<16xi32>
          %shift_left3A_399 = arith.shli %get3A_396, %shift_left3A_398 : vector<16xi32>
          %bitcast_convert_type3A_400 = tpu.bitcast %shift_left3A_399 : vector<16xi32> -> vector<16xf32>
          %and3A_401 = arith.constant -65536 : i32
          %and3A_402 = vector.broadcast %and3A_401 : i32 to vector<16xi32>
          %and3A_403 = arith.andi %get3A_396, %and3A_402 : vector<16xi32>
          %bitcast_convert_type3A_404 = tpu.bitcast %and3A_403 : vector<16xi32> -> vector<16xf32>
          %mul3A_405 = arith.mulf %gather3A_252, %bitcast_convert_type3A_400 : vector<16xf32>
          %add3A_406 = arith.addf %add3A_390, %mul3A_405 : vector<16xf32>
          %mul3A_407 = arith.mulf %gather3A_252, %bitcast_convert_type3A_404 : vector<16xf32>
          %add3A_408 = arith.addf %add3A_392, %mul3A_407 : vector<16xf32>
          %get3A_409 = arith.index_cast %scan3A_181 : i32 to index
          %get3A_410 = arith.constant 512 : index
          %get3A_411 = tpu.vector_load %arg17[%get3A_409, %get3A_410] {strides = array<i32>} : memref<32x640xi32, #tpu.memory_space<vmem>>, vector<1x16xi32>,
          %get3A_412 = vector.shape_cast %get3A_411 : vector<1x16xi32> to vector<16xi32>
          %shift_left3A_413 = arith.constant 16 : i32
          %shift_left3A_414 = vector.broadcast %shift_left3A_413 : i32 to vector<16xi32>
          %shift_left3A_415 = arith.shli %get3A_412, %shift_left3A_414 : vector<16xi32>
          %bitcast_convert_type3A_416 = tpu.bitcast %shift_left3A_415 : vector<16xi32> -> vector<16xf32>
          %and3A_417 = arith.constant -65536 : i32
          %and3A_418 = vector.broadcast %and3A_417 : i32 to vector<16xi32>
          %and3A_419 = arith.andi %get3A_412, %and3A_418 : vector<16xi32>
          %bitcast_convert_type3A_420 = tpu.bitcast %and3A_419 : vector<16xi32> -> vector<16xf32>
          %mul3A_421 = arith.mulf %gather3A_284, %bitcast_convert_type3A_416 : vector<16xf32>
          %add3A_422 = arith.addf %add3A_406, %mul3A_421 : vector<16xf32>
          %mul3A_423 = arith.mulf %gather3A_284, %bitcast_convert_type3A_420 : vector<16xf32>
          %add3A_424 = arith.addf %add3A_408, %mul3A_423 : vector<16xf32>
          %swap3A = arith.index_cast %scan3A_181 : i32 to index
          %swap3A_425 = arith.constant 0 : index
          %swap3A_426 = tpu.vector_load %arg15[%swap3A, %swap3A_425] {strides = array<i32>} : memref<32x128xf32, #tpu.memory_space<vmem>>, vector<1x16xf32>,
          %swap3A_427 = vector.shape_cast %swap3A_426 : vector<1x16xf32> to vector<16xf32>
          %swap3A_428 = vector.shape_cast %add3A_422 : vector<16xf32> to vector<1x16xf32>
          tpu.vector_store %arg15[%swap3A, %swap3A_425], %swap3A_428 {strides = array<i32>} : memref<32x128xf32, #tpu.memory_space<vmem>>, vector<1x16xf32>,
          %swap3A_429 = arith.index_cast %scan3A_181 : i32 to index
          %swap3A_430 = arith.constant 16 : index
          %swap3A_431 = tpu.vector_load %arg15[%swap3A_429, %swap3A_430] {strides = array<i32>} : memref<32x128xf32, #tpu.memory_space<vmem>>, vector<1x16xf32>,
          %swap3A_432 = vector.shape_cast %swap3A_431 : vector<1x16xf32> to vector<16xf32>
          %swap3A_433 = vector.shape_cast %add3A_424 : vector<16xf32> to vector<1x16xf32>
          tpu.vector_store %arg15[%swap3A_429, %swap3A_430], %swap3A_433 {strides = array<i32>} : memref<32x128xf32, #tpu.memory_space<vmem>>, vector<1x16xf32>,
          %get3A_434 = arith.index_cast %scan3A_181 : i32 to index
          %get3A_435 = arith.constant 16 : index
          %get3A_436 = tpu.vector_load %arg17[%get3A_434, %get3A_435] {strides = array<i32>} : memref<32x640xi32, #tpu.memory_space<vmem>>, vector<1x16xi32>,
          %get3A_437 = vector.shape_cast %get3A_436 : vector<1x16xi32> to vector<16xi32>
          %shift_left3A_438 = arith.constant 16 : i32
          %shift_left3A_439 = vector.broadcast %shift_left3A_438 : i32 to vector<16xi32>
          %shift_left3A_440 = arith.shli %get3A_437, %shift_left3A_439 : vector<16xi32>
          %bitcast_convert_type3A_441 = tpu.bitcast %shift_left3A_440 : vector<16xi32> -> vector<16xf32>
          %and3A_442 = arith.constant -65536 : i32
          %and3A_443 = vector.broadcast %and3A_442 : i32 to vector<16xi32>
          %and3A_444 = arith.andi %get3A_437, %and3A_443 : vector<16xi32>
          %bitcast_convert_type3A_445 = tpu.bitcast %and3A_444 : vector<16xi32> -> vector<16xf32>
          %mul3A_446 = arith.mulf %gather3A_215, %bitcast_convert_type3A_441 : vector<16xf32>
          %mul3A_447 = arith.mulf %gather3A_215, %bitcast_convert_type3A_445 : vector<16xf32>
          %get3A_448 = arith.index_cast %scan3A_181 : i32 to index
          %get3A_449 = arith.constant 80 : index
          %get3A_450 = tpu.vector_load %arg17[%get3A_448, %get3A_449] {strides = array<i32>} : memref<32x640xi32, #tpu.memory_space<vmem>>, vector<1x16xi32>,
          %get3A_451 = vector.shape_cast %get3A_450 : vector<1x16xi32> to vector<16xi32>
          %shift_left3A_452 = arith.constant 16 : i32
          %shift_left3A_453 = vector.broadcast %shift_left3A_452 : i32 to vector<16xi32>
          %shift_left3A_454 = arith.shli %get3A_451, %shift_left3A_453 : vector<16xi32>
          %bitcast_convert_type3A_455 = tpu.bitcast %shift_left3A_454 : vector<16xi32> -> vector<16xf32>
          %and3A_456 = arith.constant -65536 : i32
          %and3A_457 = vector.broadcast %and3A_456 : i32 to vector<16xi32>
          %and3A_458 = arith.andi %get3A_451, %and3A_457 : vector<16xi32>
          %bitcast_convert_type3A_459 = tpu.bitcast %and3A_458 : vector<16xi32> -> vector<16xf32>
          %mul3A_460 = arith.mulf %gather3A_228, %bitcast_convert_type3A_455 : vector<16xf32>
          %add3A_461 = arith.addf %mul3A_446, %mul3A_460 : vector<16xf32>
          %mul3A_462 = arith.mulf %gather3A_228, %bitcast_convert_type3A_459 : vector<16xf32>
          %add3A_463 = arith.addf %mul3A_447, %mul3A_462 : vector<16xf32>
          %get3A_464 = arith.index_cast %scan3A_181 : i32 to index
          %get3A_465 = arith.constant 336 : index
          %get3A_466 = tpu.vector_load %arg17[%get3A_464, %get3A_465] {strides = array<i32>} : memref<32x640xi32, #tpu.memory_space<vmem>>, vector<1x16xi32>,
          %get3A_467 = vector.shape_cast %get3A_466 : vector<1x16xi32> to vector<16xi32>
          %shift_left3A_468 = arith.constant 16 : i32
          %shift_left3A_469 = vector.broadcast %shift_left3A_468 : i32 to vector<16xi32>
          %shift_left3A_470 = arith.shli %get3A_467, %shift_left3A_469 : vector<16xi32>
          %bitcast_convert_type3A_471 = tpu.bitcast %shift_left3A_470 : vector<16xi32> -> vector<16xf32>
          %and3A_472 = arith.constant -65536 : i32
          %and3A_473 = vector.broadcast %and3A_472 : i32 to vector<16xi32>
          %and3A_474 = arith.andi %get3A_467, %and3A_473 : vector<16xi32>
          %bitcast_convert_type3A_475 = tpu.bitcast %and3A_474 : vector<16xi32> -> vector<16xf32>
          %mul3A_476 = arith.mulf %gather3A_260, %bitcast_convert_type3A_471 : vector<16xf32>
          %add3A_477 = arith.addf %add3A_461, %mul3A_476 : vector<16xf32>
          %mul3A_478 = arith.mulf %gather3A_260, %bitcast_convert_type3A_475 : vector<16xf32>
          %add3A_479 = arith.addf %add3A_463, %mul3A_478 : vector<16xf32>
          %get3A_480 = arith.index_cast %scan3A_181 : i32 to index
          %get3A_481 = arith.constant 144 : index
          %get3A_482 = tpu.vector_load %arg17[%get3A_480, %get3A_481] {strides = array<i32>} : memref<32x640xi32, #tpu.memory_space<vmem>>, vector<1x16xi32>,
          %get3A_483 = vector.shape_cast %get3A_482 : vector<1x16xi32> to vector<16xi32>
          %shift_left3A_484 = arith.constant 16 : i32
          %shift_left3A_485 = vector.broadcast %shift_left3A_484 : i32 to vector<16xi32>
          %shift_left3A_486 = arith.shli %get3A_483, %shift_left3A_485 : vector<16xi32>
          %bitcast_convert_type3A_487 = tpu.bitcast %shift_left3A_486 : vector<16xi32> -> vector<16xf32>
          %and3A_488 = arith.constant -65536 : i32
          %and3A_489 = vector.broadcast %and3A_488 : i32 to vector<16xi32>
          %and3A_490 = arith.andi %get3A_483, %and3A_489 : vector<16xi32>
          %bitcast_convert_type3A_491 = tpu.bitcast %and3A_490 : vector<16xi32> -> vector<16xf32>
          %mul3A_492 = arith.mulf %gather3A_236, %bitcast_convert_type3A_487 : vector<16xf32>
          %add3A_493 = arith.addf %add3A_477, %mul3A_492 : vector<16xf32>
          %mul3A_494 = arith.mulf %gather3A_236, %bitcast_convert_type3A_491 : vector<16xf32>
          %add3A_495 = arith.addf %add3A_479, %mul3A_494 : vector<16xf32>
          %get3A_496 = arith.index_cast %scan3A_181 : i32 to index
          %get3A_497 = arith.constant 400 : index
          %get3A_498 = tpu.vector_load %arg17[%get3A_496, %get3A_497] {strides = array<i32>} : memref<32x640xi32, #tpu.memory_space<vmem>>, vector<1x16xi32>,
          %get3A_499 = vector.shape_cast %get3A_498 : vector<1x16xi32> to vector<16xi32>
          %shift_left3A_500 = arith.constant 16 : i32
          %shift_left3A_501 = vector.broadcast %shift_left3A_500 : i32 to vector<16xi32>
          %shift_left3A_502 = arith.shli %get3A_499, %shift_left3A_501 : vector<16xi32>
          %bitcast_convert_type3A_503 = tpu.bitcast %shift_left3A_502 : vector<16xi32> -> vector<16xf32>
          %and3A_504 = arith.constant -65536 : i32
          %and3A_505 = vector.broadcast %and3A_504 : i32 to vector<16xi32>
          %and3A_506 = arith.andi %get3A_499, %and3A_505 : vector<16xi32>
          %bitcast_convert_type3A_507 = tpu.bitcast %and3A_506 : vector<16xi32> -> vector<16xf32>
          %mul3A_508 = arith.mulf %gather3A_268, %bitcast_convert_type3A_503 : vector<16xf32>
          %add3A_509 = arith.addf %add3A_493, %mul3A_508 : vector<16xf32>
          %mul3A_510 = arith.mulf %gather3A_268, %bitcast_convert_type3A_507 : vector<16xf32>
          %add3A_511 = arith.addf %add3A_495, %mul3A_510 : vector<16xf32>
          %get3A_512 = arith.index_cast %scan3A_181 : i32 to index
          %get3A_513 = arith.constant 208 : index
          %get3A_514 = tpu.vector_load %arg17[%get3A_512, %get3A_513] {strides = array<i32>} : memref<32x640xi32, #tpu.memory_space<vmem>>, vector<1x16xi32>,
          %get3A_515 = vector.shape_cast %get3A_514 : vector<1x16xi32> to vector<16xi32>
          %shift_left3A_516 = arith.constant 16 : i32
          %shift_left3A_517 = vector.broadcast %shift_left3A_516 : i32 to vector<16xi32>
          %shift_left3A_518 = arith.shli %get3A_515, %shift_left3A_517 : vector<16xi32>
          %bitcast_convert_type3A_519 = tpu.bitcast %shift_left3A_518 : vector<16xi32> -> vector<16xf32>
          %and3A_520 = arith.constant -65536 : i32
          %and3A_521 = vector.broadcast %and3A_520 : i32 to vector<16xi32>
          %and3A_522 = arith.andi %get3A_515, %and3A_521 : vector<16xi32>
          %bitcast_convert_type3A_523 = tpu.bitcast %and3A_522 : vector<16xi32> -> vector<16xf32>
          %mul3A_524 = arith.mulf %gather3A_244, %bitcast_convert_type3A_519 : vector<16xf32>
          %add3A_525 = arith.addf %add3A_509, %mul3A_524 : vector<16xf32>
          %mul3A_526 = arith.mulf %gather3A_244, %bitcast_convert_type3A_523 : vector<16xf32>
          %add3A_527 = arith.addf %add3A_511, %mul3A_526 : vector<16xf32>
          %get3A_528 = arith.index_cast %scan3A_181 : i32 to index
          %get3A_529 = arith.constant 464 : index
          %get3A_530 = tpu.vector_load %arg17[%get3A_528, %get3A_529] {strides = array<i32>} : memref<32x640xi32, #tpu.memory_space<vmem>>, vector<1x16xi32>,
          %get3A_531 = vector.shape_cast %get3A_530 : vector<1x16xi32> to vector<16xi32>
          %shift_left3A_532 = arith.constant 16 : i32
          %shift_left3A_533 = vector.broadcast %shift_left3A_532 : i32 to vector<16xi32>
          %shift_left3A_534 = arith.shli %get3A_531, %shift_left3A_533 : vector<16xi32>
          %bitcast_convert_type3A_535 = tpu.bitcast %shift_left3A_534 : vector<16xi32> -> vector<16xf32>
          %and3A_536 = arith.constant -65536 : i32
          %and3A_537 = vector.broadcast %and3A_536 : i32 to vector<16xi32>
          %and3A_538 = arith.andi %get3A_531, %and3A_537 : vector<16xi32>
          %bitcast_convert_type3A_539 = tpu.bitcast %and3A_538 : vector<16xi32> -> vector<16xf32>
          %mul3A_540 = arith.mulf %gather3A_276, %bitcast_convert_type3A_535 : vector<16xf32>
          %add3A_541 = arith.addf %add3A_525, %mul3A_540 : vector<16xf32>
          %mul3A_542 = arith.mulf %gather3A_276, %bitcast_convert_type3A_539 : vector<16xf32>
          %add3A_543 = arith.addf %add3A_527, %mul3A_542 : vector<16xf32>
          %get3A_544 = arith.index_cast %scan3A_181 : i32 to index
          %get3A_545 = arith.constant 272 : index
          %get3A_546 = tpu.vector_load %arg17[%get3A_544, %get3A_545] {strides = array<i32>} : memref<32x640xi32, #tpu.memory_space<vmem>>, vector<1x16xi32>,
          %get3A_547 = vector.shape_cast %get3A_546 : vector<1x16xi32> to vector<16xi32>
          %shift_left3A_548 = arith.constant 16 : i32
          %shift_left3A_549 = vector.broadcast %shift_left3A_548 : i32 to vector<16xi32>
          %shift_left3A_550 = arith.shli %get3A_547, %shift_left3A_549 : vector<16xi32>
          %bitcast_convert_type3A_551 = tpu.bitcast %shift_left3A_550 : vector<16xi32> -> vector<16xf32>
          %and3A_552 = arith.constant -65536 : i32
          %and3A_553 = vector.broadcast %and3A_552 : i32 to vector<16xi32>
          %and3A_554 = arith.andi %get3A_547, %and3A_553 : vector<16xi32>
          %bitcast_convert_type3A_555 = tpu.bitcast %and3A_554 : vector<16xi32> -> vector<16xf32>
          %mul3A_556 = arith.mulf %gather3A_252, %bitcast_convert_type3A_551 : vector<16xf32>
          %add3A_557 = arith.addf %add3A_541, %mul3A_556 : vector<16xf32>
          %mul3A_558 = arith.mulf %gather3A_252, %bitcast_convert_type3A_555 : vector<16xf32>
          %add3A_559 = arith.addf %add3A_543, %mul3A_558 : vector<16xf32>
          %get3A_560 = arith.index_cast %scan3A_181 : i32 to index
          %get3A_561 = arith.constant 528 : index
          %get3A_562 = tpu.vector_load %arg17[%get3A_560, %get3A_561] {strides = array<i32>} : memref<32x640xi32, #tpu.memory_space<vmem>>, vector<1x16xi32>,
          %get3A_563 = vector.shape_cast %get3A_562 : vector<1x16xi32> to vector<16xi32>
          %shift_left3A_564 = arith.constant 16 : i32
          %shift_left3A_565 = vector.broadcast %shift_left3A_564 : i32 to vector<16xi32>
          %shift_left3A_566 = arith.shli %get3A_563, %shift_left3A_565 : vector<16xi32>
          %bitcast_convert_type3A_567 = tpu.bitcast %shift_left3A_566 : vector<16xi32> -> vector<16xf32>
          %and3A_568 = arith.constant -65536 : i32
          %and3A_569 = vector.broadcast %and3A_568 : i32 to vector<16xi32>
          %and3A_570 = arith.andi %get3A_563, %and3A_569 : vector<16xi32>
          %bitcast_convert_type3A_571 = tpu.bitcast %and3A_570 : vector<16xi32> -> vector<16xf32>
          %mul3A_572 = arith.mulf %gather3A_284, %bitcast_convert_type3A_567 : vector<16xf32>
          %add3A_573 = arith.addf %add3A_557, %mul3A_572 : vector<16xf32>
          %mul3A_574 = arith.mulf %gather3A_284, %bitcast_convert_type3A_571 : vector<16xf32>
          %add3A_575 = arith.addf %add3A_559, %mul3A_574 : vector<16xf32>
          %swap3A_576 = arith.index_cast %scan3A_181 : i32 to index
          %swap3A_577 = arith.constant 32 : index
          %swap3A_578 = tpu.vector_load %arg15[%swap3A_576, %swap3A_577] {strides = array<i32>} : memref<32x128xf32, #tpu.memory_space<vmem>>, vector<1x16xf32>,
          %swap3A_579 = vector.shape_cast %swap3A_578 : vector<1x16xf32> to vector<16xf32>
          %swap3A_580 = vector.shape_cast %add3A_573 : vector<16xf32> to vector<1x16xf32>
          tpu.vector_store %arg15[%swap3A_576, %swap3A_577], %swap3A_580 {strides = array<i32>} : memref<32x128xf32, #tpu.memory_space<vmem>>, vector<1x16xf32>,
          %swap3A_581 = arith.index_cast %scan3A_181 : i32 to index
          %swap3A_582 = arith.constant 48 : index
          %swap3A_583 = tpu.vector_load %arg15[%swap3A_581, %swap3A_582] {strides = array<i32>} : memref<32x128xf32, #tpu.memory_space<vmem>>, vector<1x16xf32>,
          %swap3A_584 = vector.shape_cast %swap3A_583 : vector<1x16xf32> to vector<16xf32>
          %swap3A_585 = vector.shape_cast %add3A_575 : vector<16xf32> to vector<1x16xf32>
          tpu.vector_store %arg15[%swap3A_581, %swap3A_582], %swap3A_585 {strides = array<i32>} : memref<32x128xf32, #tpu.memory_space<vmem>>, vector<1x16xf32>,
          %get3A_586 = arith.index_cast %scan3A_181 : i32 to index
          %get3A_587 = arith.constant 32 : index
          %get3A_588 = tpu.vector_load %arg17[%get3A_586, %get3A_587] {strides = array<i32>} : memref<32x640xi32, #tpu.memory_space<vmem>>, vector<1x16xi32>,
          %get3A_589 = vector.shape_cast %get3A_588 : vector<1x16xi32> to vector<16xi32>
          %shift_left3A_590 = arith.constant 16 : i32
          %shift_left3A_591 = vector.broadcast %shift_left3A_590 : i32 to vector<16xi32>
          %shift_left3A_592 = arith.shli %get3A_589, %shift_left3A_591 : vector<16xi32>
          %bitcast_convert_type3A_593 = tpu.bitcast %shift_left3A_592 : vector<16xi32> -> vector<16xf32>
          %and3A_594 = arith.constant -65536 : i32
          %and3A_595 = vector.broadcast %and3A_594 : i32 to vector<16xi32>
          %and3A_596 = arith.andi %get3A_589, %and3A_595 : vector<16xi32>
          %bitcast_convert_type3A_597 = tpu.bitcast %and3A_596 : vector<16xi32> -> vector<16xf32>
          %mul3A_598 = arith.mulf %gather3A_215, %bitcast_convert_type3A_593 : vector<16xf32>
          %mul3A_599 = arith.mulf %gather3A_215, %bitcast_convert_type3A_597 : vector<16xf32>
          %get3A_600 = arith.index_cast %scan3A_181 : i32 to index
          %get3A_601 = arith.constant 96 : index
          %get3A_602 = tpu.vector_load %arg17[%get3A_600, %get3A_601] {strides = array<i32>} : memref<32x640xi32, #tpu.memory_space<vmem>>, vector<1x16xi32>,
          %get3A_603 = vector.shape_cast %get3A_602 : vector<1x16xi32> to vector<16xi32>
          %shift_left3A_604 = arith.constant 16 : i32
          %shift_left3A_605 = vector.broadcast %shift_left3A_604 : i32 to vector<16xi32>
          %shift_left3A_606 = arith.shli %get3A_603, %shift_left3A_605 : vector<16xi32>
          %bitcast_convert_type3A_607 = tpu.bitcast %shift_left3A_606 : vector<16xi32> -> vector<16xf32>
          %and3A_608 = arith.constant -65536 : i32
          %and3A_609 = vector.broadcast %and3A_608 : i32 to vector<16xi32>
          %and3A_610 = arith.andi %get3A_603, %and3A_609 : vector<16xi32>
          %bitcast_convert_type3A_611 = tpu.bitcast %and3A_610 : vector<16xi32> -> vector<16xf32>
          %mul3A_612 = arith.mulf %gather3A_228, %bitcast_convert_type3A_607 : vector<16xf32>
          %add3A_613 = arith.addf %mul3A_598, %mul3A_612 : vector<16xf32>
          %mul3A_614 = arith.mulf %gather3A_228, %bitcast_convert_type3A_611 : vector<16xf32>
          %add3A_615 = arith.addf %mul3A_599, %mul3A_614 : vector<16xf32>
          %get3A_616 = arith.index_cast %scan3A_181 : i32 to index
          %get3A_617 = arith.constant 352 : index
          %get3A_618 = tpu.vector_load %arg17[%get3A_616, %get3A_617] {strides = array<i32>} : memref<32x640xi32, #tpu.memory_space<vmem>>, vector<1x16xi32>,
          %get3A_619 = vector.shape_cast %get3A_618 : vector<1x16xi32> to vector<16xi32>
          %shift_left3A_620 = arith.constant 16 : i32
          %shift_left3A_621 = vector.broadcast %shift_left3A_620 : i32 to vector<16xi32>
          %shift_left3A_622 = arith.shli %get3A_619, %shift_left3A_621 : vector<16xi32>
          %bitcast_convert_type3A_623 = tpu.bitcast %shift_left3A_622 : vector<16xi32> -> vector<16xf32>
          %and3A_624 = arith.constant -65536 : i32
          %and3A_625 = vector.broadcast %and3A_624 : i32 to vector<16xi32>
          %and3A_626 = arith.andi %get3A_619, %and3A_625 : vector<16xi32>
          %bitcast_convert_type3A_627 = tpu.bitcast %and3A_626 : vector<16xi32> -> vector<16xf32>
          %mul3A_628 = arith.mulf %gather3A_260, %bitcast_convert_type3A_623 : vector<16xf32>
          %add3A_629 = arith.addf %add3A_613, %mul3A_628 : vector<16xf32>
          %mul3A_630 = arith.mulf %gather3A_260, %bitcast_convert_type3A_627 : vector<16xf32>
          %add3A_631 = arith.addf %add3A_615, %mul3A_630 : vector<16xf32>
          %get3A_632 = arith.index_cast %scan3A_181 : i32 to index
          %get3A_633 = arith.constant 160 : index
          %get3A_634 = tpu.vector_load %arg17[%get3A_632, %get3A_633] {strides = array<i32>} : memref<32x640xi32, #tpu.memory_space<vmem>>, vector<1x16xi32>,
          %get3A_635 = vector.shape_cast %get3A_634 : vector<1x16xi32> to vector<16xi32>
          %shift_left3A_636 = arith.constant 16 : i32
          %shift_left3A_637 = vector.broadcast %shift_left3A_636 : i32 to vector<16xi32>
          %shift_left3A_638 = arith.shli %get3A_635, %shift_left3A_637 : vector<16xi32>
          %bitcast_convert_type3A_639 = tpu.bitcast %shift_left3A_638 : vector<16xi32> -> vector<16xf32>
          %and3A_640 = arith.constant -65536 : i32
          %and3A_641 = vector.broadcast %and3A_640 : i32 to vector<16xi32>
          %and3A_642 = arith.andi %get3A_635, %and3A_641 : vector<16xi32>
          %bitcast_convert_type3A_643 = tpu.bitcast %and3A_642 : vector<16xi32> -> vector<16xf32>
          %mul3A_644 = arith.mulf %gather3A_236, %bitcast_convert_type3A_639 : vector<16xf32>
          %add3A_645 = arith.addf %add3A_629, %mul3A_644 : vector<16xf32>
          %mul3A_646 = arith.mulf %gather3A_236, %bitcast_convert_type3A_643 : vector<16xf32>
          %add3A_647 = arith.addf %add3A_631, %mul3A_646 : vector<16xf32>
          %get3A_648 = arith.index_cast %scan3A_181 : i32 to index
          %get3A_649 = arith.constant 416 : index
          %get3A_650 = tpu.vector_load %arg17[%get3A_648, %get3A_649] {strides = array<i32>} : memref<32x640xi32, #tpu.memory_space<vmem>>, vector<1x16xi32>,
          %get3A_651 = vector.shape_cast %get3A_650 : vector<1x16xi32> to vector<16xi32>
          %shift_left3A_652 = arith.constant 16 : i32
          %shift_left3A_653 = vector.broadcast %shift_left3A_652 : i32 to vector<16xi32>
          %shift_left3A_654 = arith.shli %get3A_651, %shift_left3A_653 : vector<16xi32>
          %bitcast_convert_type3A_655 = tpu.bitcast %shift_left3A_654 : vector<16xi32> -> vector<16xf32>
          %and3A_656 = arith.constant -65536 : i32
          %and3A_657 = vector.broadcast %and3A_656 : i32 to vector<16xi32>
          %and3A_658 = arith.andi %get3A_651, %and3A_657 : vector<16xi32>
          %bitcast_convert_type3A_659 = tpu.bitcast %and3A_658 : vector<16xi32> -> vector<16xf32>
          %mul3A_660 = arith.mulf %gather3A_268, %bitcast_convert_type3A_655 : vector<16xf32>
          %add3A_661 = arith.addf %add3A_645, %mul3A_660 : vector<16xf32>
          %mul3A_662 = arith.mulf %gather3A_268, %bitcast_convert_type3A_659 : vector<16xf32>
          %add3A_663 = arith.addf %add3A_647, %mul3A_662 : vector<16xf32>
          %get3A_664 = arith.index_cast %scan3A_181 : i32 to index
          %get3A_665 = arith.constant 224 : index
          %get3A_666 = tpu.vector_load %arg17[%get3A_664, %get3A_665] {strides = array<i32>} : memref<32x640xi32, #tpu.memory_space<vmem>>, vector<1x16xi32>,
          %get3A_667 = vector.shape_cast %get3A_666 : vector<1x16xi32> to vector<16xi32>
          %shift_left3A_668 = arith.constant 16 : i32
          %shift_left3A_669 = vector.broadcast %shift_left3A_668 : i32 to vector<16xi32>
          %shift_left3A_670 = arith.shli %get3A_667, %shift_left3A_669 : vector<16xi32>
          %bitcast_convert_type3A_671 = tpu.bitcast %shift_left3A_670 : vector<16xi32> -> vector<16xf32>
          %and3A_672 = arith.constant -65536 : i32
          %and3A_673 = vector.broadcast %and3A_672 : i32 to vector<16xi32>
          %and3A_674 = arith.andi %get3A_667, %and3A_673 : vector<16xi32>
          %bitcast_convert_type3A_675 = tpu.bitcast %and3A_674 : vector<16xi32> -> vector<16xf32>
          %mul3A_676 = arith.mulf %gather3A_244, %bitcast_convert_type3A_671 : vector<16xf32>
          %add3A_677 = arith.addf %add3A_661, %mul3A_676 : vector<16xf32>
          %mul3A_678 = arith.mulf %gather3A_244, %bitcast_convert_type3A_675 : vector<16xf32>
          %add3A_679 = arith.addf %add3A_663, %mul3A_678 : vector<16xf32>
          %get3A_680 = arith.index_cast %scan3A_181 : i32 to index
          %get3A_681 = arith.constant 480 : index
          %get3A_682 = tpu.vector_load %arg17[%get3A_680, %get3A_681] {strides = array<i32>} : memref<32x640xi32, #tpu.memory_space<vmem>>, vector<1x16xi32>,
          %get3A_683 = vector.shape_cast %get3A_682 : vector<1x16xi32> to vector<16xi32>
          %shift_left3A_684 = arith.constant 16 : i32
          %shift_left3A_685 = vector.broadcast %shift_left3A_684 : i32 to vector<16xi32>
          %shift_left3A_686 = arith.shli %get3A_683, %shift_left3A_685 : vector<16xi32>
          %bitcast_convert_type3A_687 = tpu.bitcast %shift_left3A_686 : vector<16xi32> -> vector<16xf32>
          %and3A_688 = arith.constant -65536 : i32
          %and3A_689 = vector.broadcast %and3A_688 : i32 to vector<16xi32>
          %and3A_690 = arith.andi %get3A_683, %and3A_689 : vector<16xi32>
          %bitcast_convert_type3A_691 = tpu.bitcast %and3A_690 : vector<16xi32> -> vector<16xf32>
          %mul3A_692 = arith.mulf %gather3A_276, %bitcast_convert_type3A_687 : vector<16xf32>
          %add3A_693 = arith.addf %add3A_677, %mul3A_692 : vector<16xf32>
          %mul3A_694 = arith.mulf %gather3A_276, %bitcast_convert_type3A_691 : vector<16xf32>
          %add3A_695 = arith.addf %add3A_679, %mul3A_694 : vector<16xf32>
          %get3A_696 = arith.index_cast %scan3A_181 : i32 to index
          %get3A_697 = arith.constant 288 : index
          %get3A_698 = tpu.vector_load %arg17[%get3A_696, %get3A_697] {strides = array<i32>} : memref<32x640xi32, #tpu.memory_space<vmem>>, vector<1x16xi32>,
          %get3A_699 = vector.shape_cast %get3A_698 : vector<1x16xi32> to vector<16xi32>
          %shift_left3A_700 = arith.constant 16 : i32
          %shift_left3A_701 = vector.broadcast %shift_left3A_700 : i32 to vector<16xi32>
          %shift_left3A_702 = arith.shli %get3A_699, %shift_left3A_701 : vector<16xi32>
          %bitcast_convert_type3A_703 = tpu.bitcast %shift_left3A_702 : vector<16xi32> -> vector<16xf32>
          %and3A_704 = arith.constant -65536 : i32
          %and3A_705 = vector.broadcast %and3A_704 : i32 to vector<16xi32>
          %and3A_706 = arith.andi %get3A_699, %and3A_705 : vector<16xi32>
          %bitcast_convert_type3A_707 = tpu.bitcast %and3A_706 : vector<16xi32> -> vector<16xf32>
          %mul3A_708 = arith.mulf %gather3A_252, %bitcast_convert_type3A_703 : vector<16xf32>
          %add3A_709 = arith.addf %add3A_693, %mul3A_708 : vector<16xf32>
          %mul3A_710 = arith.mulf %gather3A_252, %bitcast_convert_type3A_707 : vector<16xf32>
          %add3A_711 = arith.addf %add3A_695, %mul3A_710 : vector<16xf32>
          %get3A_712 = arith.index_cast %scan3A_181 : i32 to index
          %get3A_713 = arith.constant 544 : index
          %get3A_714 = tpu.vector_load %arg17[%get3A_712, %get3A_713] {strides = array<i32>} : memref<32x640xi32, #tpu.memory_space<vmem>>, vector<1x16xi32>,
          %get3A_715 = vector.shape_cast %get3A_714 : vector<1x16xi32> to vector<16xi32>
          %shift_left3A_716 = arith.constant 16 : i32
          %shift_left3A_717 = vector.broadcast %shift_left3A_716 : i32 to vector<16xi32>
          %shift_left3A_718 = arith.shli %get3A_715, %shift_left3A_717 : vector<16xi32>
          %bitcast_convert_type3A_719 = tpu.bitcast %shift_left3A_718 : vector<16xi32> -> vector<16xf32>
          %and3A_720 = arith.constant -65536 : i32
          %and3A_721 = vector.broadcast %and3A_720 : i32 to vector<16xi32>
          %and3A_722 = arith.andi %get3A_715, %and3A_721 : vector<16xi32>
          %bitcast_convert_type3A_723 = tpu.bitcast %and3A_722 : vector<16xi32> -> vector<16xf32>
          %mul3A_724 = arith.mulf %gather3A_284, %bitcast_convert_type3A_719 : vector<16xf32>
          %add3A_725 = arith.addf %add3A_709, %mul3A_724 : vector<16xf32>
          %mul3A_726 = arith.mulf %gather3A_284, %bitcast_convert_type3A_723 : vector<16xf32>
          %add3A_727 = arith.addf %add3A_711, %mul3A_726 : vector<16xf32>
          %swap3A_728 = arith.index_cast %scan3A_181 : i32 to index
          %swap3A_729 = arith.constant 64 : index
          %swap3A_730 = tpu.vector_load %arg15[%swap3A_728, %swap3A_729] {strides = array<i32>} : memref<32x128xf32, #tpu.memory_space<vmem>>, vector<1x16xf32>,
          %swap3A_731 = vector.shape_cast %swap3A_730 : vector<1x16xf32> to vector<16xf32>
          %swap3A_732 = vector.shape_cast %add3A_725 : vector<16xf32> to vector<1x16xf32>
          tpu.vector_store %arg15[%swap3A_728, %swap3A_729], %swap3A_732 {strides = array<i32>} : memref<32x128xf32, #tpu.memory_space<vmem>>, vector<1x16xf32>,
          %swap3A_733 = arith.index_cast %scan3A_181 : i32 to index
          %swap3A_734 = arith.constant 80 : index
          %swap3A_735 = tpu.vector_load %arg15[%swap3A_733, %swap3A_734] {strides = array<i32>} : memref<32x128xf32, #tpu.memory_space<vmem>>, vector<1x16xf32>,
          %swap3A_736 = vector.shape_cast %swap3A_735 : vector<1x16xf32> to vector<16xf32>
          %swap3A_737 = vector.shape_cast %add3A_727 : vector<16xf32> to vector<1x16xf32>
          tpu.vector_store %arg15[%swap3A_733, %swap3A_734], %swap3A_737 {strides = array<i32>} : memref<32x128xf32, #tpu.memory_space<vmem>>, vector<1x16xf32>,
          %get3A_738 = arith.index_cast %scan3A_181 : i32 to index
          %get3A_739 = arith.constant 48 : index
          %get3A_740 = tpu.vector_load %arg17[%get3A_738, %get3A_739] {strides = array<i32>} : memref<32x640xi32, #tpu.memory_space<vmem>>, vector<1x16xi32>,
          %get3A_741 = vector.shape_cast %get3A_740 : vector<1x16xi32> to vector<16xi32>
          %shift_left3A_742 = arith.constant 16 : i32
          %shift_left3A_743 = vector.broadcast %shift_left3A_742 : i32 to vector<16xi32>
          %shift_left3A_744 = arith.shli %get3A_741, %shift_left3A_743 : vector<16xi32>
          %bitcast_convert_type3A_745 = tpu.bitcast %shift_left3A_744 : vector<16xi32> -> vector<16xf32>
          %and3A_746 = arith.constant -65536 : i32
          %and3A_747 = vector.broadcast %and3A_746 : i32 to vector<16xi32>
          %and3A_748 = arith.andi %get3A_741, %and3A_747 : vector<16xi32>
          %bitcast_convert_type3A_749 = tpu.bitcast %and3A_748 : vector<16xi32> -> vector<16xf32>
          %mul3A_750 = arith.mulf %gather3A_215, %bitcast_convert_type3A_745 : vector<16xf32>
          %mul3A_751 = arith.mulf %gather3A_215, %bitcast_convert_type3A_749 : vector<16xf32>
          %get3A_752 = arith.index_cast %scan3A_181 : i32 to index
          %get3A_753 = arith.constant 112 : index
          %get3A_754 = tpu.vector_load %arg17[%get3A_752, %get3A_753] {strides = array<i32>} : memref<32x640xi32, #tpu.memory_space<vmem>>, vector<1x16xi32>,
          %get3A_755 = vector.shape_cast %get3A_754 : vector<1x16xi32> to vector<16xi32>
          %shift_left3A_756 = arith.constant 16 : i32
          %shift_left3A_757 = vector.broadcast %shift_left3A_756 : i32 to vector<16xi32>
          %shift_left3A_758 = arith.shli %get3A_755, %shift_left3A_757 : vector<16xi32>
          %bitcast_convert_type3A_759 = tpu.bitcast %shift_left3A_758 : vector<16xi32> -> vector<16xf32>
          %and3A_760 = arith.constant -65536 : i32
          %and3A_761 = vector.broadcast %and3A_760 : i32 to vector<16xi32>
          %and3A_762 = arith.andi %get3A_755, %and3A_761 : vector<16xi32>
          %bitcast_convert_type3A_763 = tpu.bitcast %and3A_762 : vector<16xi32> -> vector<16xf32>
          %mul3A_764 = arith.mulf %gather3A_228, %bitcast_convert_type3A_759 : vector<16xf32>
          %add3A_765 = arith.addf %mul3A_750, %mul3A_764 : vector<16xf32>
          %mul3A_766 = arith.mulf %gather3A_228, %bitcast_convert_type3A_763 : vector<16xf32>
          %add3A_767 = arith.addf %mul3A_751, %mul3A_766 : vector<16xf32>
          %get3A_768 = arith.index_cast %scan3A_181 : i32 to index
          %get3A_769 = arith.constant 368 : index
          %get3A_770 = tpu.vector_load %arg17[%get3A_768, %get3A_769] {strides = array<i32>} : memref<32x640xi32, #tpu.memory_space<vmem>>, vector<1x16xi32>,
          %get3A_771 = vector.shape_cast %get3A_770 : vector<1x16xi32> to vector<16xi32>
          %shift_left3A_772 = arith.constant 16 : i32
          %shift_left3A_773 = vector.broadcast %shift_left3A_772 : i32 to vector<16xi32>
          %shift_left3A_774 = arith.shli %get3A_771, %shift_left3A_773 : vector<16xi32>
          %bitcast_convert_type3A_775 = tpu.bitcast %shift_left3A_774 : vector<16xi32> -> vector<16xf32>
          %and3A_776 = arith.constant -65536 : i32
          %and3A_777 = vector.broadcast %and3A_776 : i32 to vector<16xi32>
          %and3A_778 = arith.andi %get3A_771, %and3A_777 : vector<16xi32>
          %bitcast_convert_type3A_779 = tpu.bitcast %and3A_778 : vector<16xi32> -> vector<16xf32>
          %mul3A_780 = arith.mulf %gather3A_260, %bitcast_convert_type3A_775 : vector<16xf32>
          %add3A_781 = arith.addf %add3A_765, %mul3A_780 : vector<16xf32>
          %mul3A_782 = arith.mulf %gather3A_260, %bitcast_convert_type3A_779 : vector<16xf32>
          %add3A_783 = arith.addf %add3A_767, %mul3A_782 : vector<16xf32>
          %get3A_784 = arith.index_cast %scan3A_181 : i32 to index
          %get3A_785 = arith.constant 176 : index
          %get3A_786 = tpu.vector_load %arg17[%get3A_784, %get3A_785] {strides = array<i32>} : memref<32x640xi32, #tpu.memory_space<vmem>>, vector<1x16xi32>,
          %get3A_787 = vector.shape_cast %get3A_786 : vector<1x16xi32> to vector<16xi32>
          %shift_left3A_788 = arith.constant 16 : i32
          %shift_left3A_789 = vector.broadcast %shift_left3A_788 : i32 to vector<16xi32>
          %shift_left3A_790 = arith.shli %get3A_787, %shift_left3A_789 : vector<16xi32>
          %bitcast_convert_type3A_791 = tpu.bitcast %shift_left3A_790 : vector<16xi32> -> vector<16xf32>
          %and3A_792 = arith.constant -65536 : i32
          %and3A_793 = vector.broadcast %and3A_792 : i32 to vector<16xi32>
          %and3A_794 = arith.andi %get3A_787, %and3A_793 : vector<16xi32>
          %bitcast_convert_type3A_795 = tpu.bitcast %and3A_794 : vector<16xi32> -> vector<16xf32>
          %mul3A_796 = arith.mulf %gather3A_236, %bitcast_convert_type3A_791 : vector<16xf32>
          %add3A_797 = arith.addf %add3A_781, %mul3A_796 : vector<16xf32>
          %mul3A_798 = arith.mulf %gather3A_236, %bitcast_convert_type3A_795 : vector<16xf32>
          %add3A_799 = arith.addf %add3A_783, %mul3A_798 : vector<16xf32>
          %get3A_800 = arith.index_cast %scan3A_181 : i32 to index
          %get3A_801 = arith.constant 432 : index
          %get3A_802 = tpu.vector_load %arg17[%get3A_800, %get3A_801] {strides = array<i32>} : memref<32x640xi32, #tpu.memory_space<vmem>>, vector<1x16xi32>,
          %get3A_803 = vector.shape_cast %get3A_802 : vector<1x16xi32> to vector<16xi32>
          %shift_left3A_804 = arith.constant 16 : i32
          %shift_left3A_805 = vector.broadcast %shift_left3A_804 : i32 to vector<16xi32>
          %shift_left3A_806 = arith.shli %get3A_803, %shift_left3A_805 : vector<16xi32>
          %bitcast_convert_type3A_807 = tpu.bitcast %shift_left3A_806 : vector<16xi32> -> vector<16xf32>
          %and3A_808 = arith.constant -65536 : i32
          %and3A_809 = vector.broadcast %and3A_808 : i32 to vector<16xi32>
          %and3A_810 = arith.andi %get3A_803, %and3A_809 : vector<16xi32>
          %bitcast_convert_type3A_811 = tpu.bitcast %and3A_810 : vector<16xi32> -> vector<16xf32>
          %mul3A_812 = arith.mulf %gather3A_268, %bitcast_convert_type3A_807 : vector<16xf32>
          %add3A_813 = arith.addf %add3A_797, %mul3A_812 : vector<16xf32>
          %mul3A_814 = arith.mulf %gather3A_268, %bitcast_convert_type3A_811 : vector<16xf32>
          %add3A_815 = arith.addf %add3A_799, %mul3A_814 : vector<16xf32>
          %get3A_816 = arith.index_cast %scan3A_181 : i32 to index
          %get3A_817 = arith.constant 240 : index
          %get3A_818 = tpu.vector_load %arg17[%get3A_816, %get3A_817] {strides = array<i32>} : memref<32x640xi32, #tpu.memory_space<vmem>>, vector<1x16xi32>,
          %get3A_819 = vector.shape_cast %get3A_818 : vector<1x16xi32> to vector<16xi32>
          %shift_left3A_820 = arith.constant 16 : i32
          %shift_left3A_821 = vector.broadcast %shift_left3A_820 : i32 to vector<16xi32>
          %shift_left3A_822 = arith.shli %get3A_819, %shift_left3A_821 : vector<16xi32>
          %bitcast_convert_type3A_823 = tpu.bitcast %shift_left3A_822 : vector<16xi32> -> vector<16xf32>
          %and3A_824 = arith.constant -65536 : i32
          %and3A_825 = vector.broadcast %and3A_824 : i32 to vector<16xi32>
          %and3A_826 = arith.andi %get3A_819, %and3A_825 : vector<16xi32>
          %bitcast_convert_type3A_827 = tpu.bitcast %and3A_826 : vector<16xi32> -> vector<16xf32>
          %mul3A_828 = arith.mulf %gather3A_244, %bitcast_convert_type3A_823 : vector<16xf32>
          %add3A_829 = arith.addf %add3A_813, %mul3A_828 : vector<16xf32>
          %mul3A_830 = arith.mulf %gather3A_244, %bitcast_convert_type3A_827 : vector<16xf32>
          %add3A_831 = arith.addf %add3A_815, %mul3A_830 : vector<16xf32>
          %get3A_832 = arith.index_cast %scan3A_181 : i32 to index
          %get3A_833 = arith.constant 496 : index
          %get3A_834 = tpu.vector_load %arg17[%get3A_832, %get3A_833] {strides = array<i32>} : memref<32x640xi32, #tpu.memory_space<vmem>>, vector<1x16xi32>,
          %get3A_835 = vector.shape_cast %get3A_834 : vector<1x16xi32> to vector<16xi32>
          %shift_left3A_836 = arith.constant 16 : i32
          %shift_left3A_837 = vector.broadcast %shift_left3A_836 : i32 to vector<16xi32>
          %shift_left3A_838 = arith.shli %get3A_835, %shift_left3A_837 : vector<16xi32>
          %bitcast_convert_type3A_839 = tpu.bitcast %shift_left3A_838 : vector<16xi32> -> vector<16xf32>
          %and3A_840 = arith.constant -65536 : i32
          %and3A_841 = vector.broadcast %and3A_840 : i32 to vector<16xi32>
          %and3A_842 = arith.andi %get3A_835, %and3A_841 : vector<16xi32>
          %bitcast_convert_type3A_843 = tpu.bitcast %and3A_842 : vector<16xi32> -> vector<16xf32>
          %mul3A_844 = arith.mulf %gather3A_276, %bitcast_convert_type3A_839 : vector<16xf32>
          %add3A_845 = arith.addf %add3A_829, %mul3A_844 : vector<16xf32>
          %mul3A_846 = arith.mulf %gather3A_276, %bitcast_convert_type3A_843 : vector<16xf32>
          %add3A_847 = arith.addf %add3A_831, %mul3A_846 : vector<16xf32>
          %get3A_848 = arith.index_cast %scan3A_181 : i32 to index
          %get3A_849 = arith.constant 304 : index
          %get3A_850 = tpu.vector_load %arg17[%get3A_848, %get3A_849] {strides = array<i32>} : memref<32x640xi32, #tpu.memory_space<vmem>>, vector<1x16xi32>,
          %get3A_851 = vector.shape_cast %get3A_850 : vector<1x16xi32> to vector<16xi32>
          %shift_left3A_852 = arith.constant 16 : i32
          %shift_left3A_853 = vector.broadcast %shift_left3A_852 : i32 to vector<16xi32>
          %shift_left3A_854 = arith.shli %get3A_851, %shift_left3A_853 : vector<16xi32>
          %bitcast_convert_type3A_855 = tpu.bitcast %shift_left3A_854 : vector<16xi32> -> vector<16xf32>
          %and3A_856 = arith.constant -65536 : i32
          %and3A_857 = vector.broadcast %and3A_856 : i32 to vector<16xi32>
          %and3A_858 = arith.andi %get3A_851, %and3A_857 : vector<16xi32>
          %bitcast_convert_type3A_859 = tpu.bitcast %and3A_858 : vector<16xi32> -> vector<16xf32>
          %mul3A_860 = arith.mulf %gather3A_252, %bitcast_convert_type3A_855 : vector<16xf32>
          %add3A_861 = arith.addf %add3A_845, %mul3A_860 : vector<16xf32>
          %mul3A_862 = arith.mulf %gather3A_252, %bitcast_convert_type3A_859 : vector<16xf32>
          %add3A_863 = arith.addf %add3A_847, %mul3A_862 : vector<16xf32>
          %get3A_864 = arith.index_cast %scan3A_181 : i32 to index
          %get3A_865 = arith.constant 560 : index
          %get3A_866 = tpu.vector_load %arg17[%get3A_864, %get3A_865] {strides = array<i32>} : memref<32x640xi32, #tpu.memory_space<vmem>>, vector<1x16xi32>,
          %get3A_867 = vector.shape_cast %get3A_866 : vector<1x16xi32> to vector<16xi32>
          %shift_left3A_868 = arith.constant 16 : i32
          %shift_left3A_869 = vector.broadcast %shift_left3A_868 : i32 to vector<16xi32>
          %shift_left3A_870 = arith.shli %get3A_867, %shift_left3A_869 : vector<16xi32>
          %bitcast_convert_type3A_871 = tpu.bitcast %shift_left3A_870 : vector<16xi32> -> vector<16xf32>
          %and3A_872 = arith.constant -65536 : i32
          %and3A_873 = vector.broadcast %and3A_872 : i32 to vector<16xi32>
          %and3A_874 = arith.andi %get3A_867, %and3A_873 : vector<16xi32>
          %bitcast_convert_type3A_875 = tpu.bitcast %and3A_874 : vector<16xi32> -> vector<16xf32>
          %mul3A_876 = arith.mulf %gather3A_284, %bitcast_convert_type3A_871 : vector<16xf32>
          %add3A_877 = arith.addf %add3A_861, %mul3A_876 : vector<16xf32>
          %mul3A_878 = arith.mulf %gather3A_284, %bitcast_convert_type3A_875 : vector<16xf32>
          %add3A_879 = arith.addf %add3A_863, %mul3A_878 : vector<16xf32>
          %swap3A_880 = arith.index_cast %scan3A_181 : i32 to index
          %swap3A_881 = arith.constant 96 : index
          %swap3A_882 = tpu.vector_load %arg15[%swap3A_880, %swap3A_881] {strides = array<i32>} : memref<32x128xf32, #tpu.memory_space<vmem>>, vector<1x16xf32>,
          %swap3A_883 = vector.shape_cast %swap3A_882 : vector<1x16xf32> to vector<16xf32>
          %swap3A_884 = vector.shape_cast %add3A_877 : vector<16xf32> to vector<1x16xf32>
          tpu.vector_store %arg15[%swap3A_880, %swap3A_881], %swap3A_884 {strides = array<i32>} : memref<32x128xf32, #tpu.memory_space<vmem>>, vector<1x16xf32>,
          %swap3A_885 = arith.index_cast %scan3A_181 : i32 to index
          %swap3A_886 = arith.constant 112 : index
          %swap3A_887 = tpu.vector_load %arg15[%swap3A_885, %swap3A_886] {strides = array<i32>} : memref<32x128xf32, #tpu.memory_space<vmem>>, vector<1x16xf32>,
          %swap3A_888 = vector.shape_cast %swap3A_887 : vector<1x16xf32> to vector<16xf32>
          %swap3A_889 = vector.shape_cast %add3A_879 : vector<16xf32> to vector<1x16xf32>
          tpu.vector_store %arg15[%swap3A_885, %swap3A_886], %swap3A_889 {strides = array<i32>} : memref<32x128xf32, #tpu.memory_space<vmem>>, vector<1x16xf32>,
        }
        %scan3A_170 = arith.constant 32 : i32
        %dma_start3A_171 = arith.constant 0 : i32
        %dma_start3A_172 = arith.constant 0 : i32
        %dma_start3A_173 = tpu.memref_slice %arg18[%dma_start3A_171, %dma_start3A_172] : memref<10000x128xf32, #tpu.memory_space<vmem_shared>> -> memref<10000x128xf32, #tpu.memory_space<vmem_shared>>
        tpu.enqueue_indirect_dma source(%arg15 : memref<32x128xf32, #tpu.memory_space<vmem>>) target(%dma_start3A_173 : memref<10000x128xf32, #tpu.memory_space<vmem_shared>>) offsets(%arg11 : memref<32xi32, #tpu.memory_space<vmem>>) semaphore(%arg26 : memref<!tpu.dma_semaphore, #tpu.memory_space<semaphore_mem>>) {add = true}
        %add3A_174 = arith.constant 64 : i32
        %add3A_175 = arith.addi %add3A_146, %add3A_174 : i32
        %lt3A_176 = arith.constant 5000 : i32
        %lt3A_177 = arith.cmpi slt, %add3A_175, %lt3A_176 : i32
        %convert_element_type3A_178 = arith.extui %lt3A_177 : i1 to i32
        %cond3A_179 = arith.constant 0 : i32
        %cond3A_180 = arith.cmpi ne, %convert_element_type3A_178, %cond3A_179 : i32
        scf.if %cond3A_180 {
          %add3A_181 = arith.constant 64 : i32
          %add3A_182 = arith.addi %add3A_146, %add3A_181 : i32
          %mul3A_183 = arith.constant 32 : i32
          %mul3A_184 = arith.muli %add3A_182, %mul3A_183 : i32
          %dma_start3A_185 = tpu.memref_slice %arg4[%mul3A_184] : memref<160000xi32, #tpu.memory_space<hbm>> -> memref<32xi32, #tpu.memory_space<hbm>>
          %dma_start3A_186 = tpu.memref_slice %arg4[%mul3A_184] : memref<160000xi32, #tpu.memory_space<hbm>> -> memref<32xi32, #tpu.memory_space<hbm>>
          tpu.enqueue_dma source(%dma_start3A_186 : memref<32xi32, #tpu.memory_space<hbm>>) target(%arg9 : memref<32xi32, #tpu.memory_space<vmem>>) target_semaphore(%arg20 : memref<!tpu.dma_semaphore, #tpu.memory_space<semaphore_mem>>)
          %dma_start3A_187 = tpu.memref_slice %arg5[%mul3A_184] : memref<160000xi32, #tpu.memory_space<hbm>> -> memref<32xi32, #tpu.memory_space<hbm>>
          %dma_start3A_188 = tpu.memref_slice %arg5[%mul3A_184] : memref<160000xi32, #tpu.memory_space<hbm>> -> memref<32xi32, #tpu.memory_space<hbm>>
          tpu.enqueue_dma source(%dma_start3A_188 : memref<32xi32, #tpu.memory_space<hbm>>) target(%arg11 : memref<32xi32, #tpu.memory_space<vmem>>) target_semaphore(%arg20 : memref<!tpu.dma_semaphore, #tpu.memory_space<semaphore_mem>>)
          %dma_start3A_189 = arith.constant 0 : i32
          %dma_start3A_190 = tpu.memref_slice %arg13[%dma_start3A_189] : memref<48xf32, #tpu.memory_space<vmem>> -> memref<32xf32, #tpu.memory_space<vmem>>
          %dma_start3A_191 = tpu.memref_slice %arg6[%mul3A_184] : memref<160000xf32, #tpu.memory_space<hbm>> -> memref<32xf32, #tpu.memory_space<hbm>>
          %dma_start3A_192 = arith.constant 0 : i32
          %dma_start3A_193 = tpu.memref_slice %arg13[%dma_start3A_192] : memref<48xf32, #tpu.memory_space<vmem>> -> memref<32xf32, #tpu.memory_space<vmem>>
          %dma_start3A_194 = tpu.memref_slice %arg6[%mul3A_184] : memref<160000xf32, #tpu.memory_space<hbm>> -> memref<32xf32, #tpu.memory_space<hbm>>
          tpu.enqueue_dma source(%dma_start3A_194 : memref<32xf32, #tpu.memory_space<hbm>>) target(%dma_start3A_193 : memref<32xf32, #tpu.memory_space<vmem>>) target_semaphore(%arg20 : memref<!tpu.dma_semaphore, #tpu.memory_space<semaphore_mem>>)
        } else {
        }
      } else {
      }
    }
    %scan3A_88 = arith.constant 79 : i32
    %dma_wait3A_89 = arith.constant 0 : i32
    %dma_wait3A_90 = arith.constant 0 : i32
    %dma_wait3A_91 = tpu.memref_slice %arg18[%dma_wait3A_89, %dma_wait3A_90] : memref<10000x128xf32, #tpu.memory_space<vmem_shared>> -> memref<10000x128xf32, #tpu.memory_space<vmem_shared>>
    tpu.wait_indirect_dma semaphore(%arg25 : memref<!tpu.dma_semaphore, #tpu.memory_space<semaphore_mem>>) src(%arg14 : memref<32x128xf32, #tpu.memory_space<vmem>>) dst(%dma_wait3A_91 : memref<10000x128xf32, #tpu.memory_space<vmem_shared>>)
    %dma_wait3A_92 = arith.constant 0 : i32
    %dma_wait3A_93 = arith.constant 0 : i32
    %dma_wait3A_94 = tpu.memref_slice %arg18[%dma_wait3A_92, %dma_wait3A_93] : memref<10000x128xf32, #tpu.memory_space<vmem_shared>> -> memref<10000x128xf32, #tpu.memory_space<vmem_shared>>
    tpu.wait_indirect_dma semaphore(%arg26 : memref<!tpu.dma_semaphore, #tpu.memory_space<semaphore_mem>>) src(%arg15 : memref<32x128xf32, #tpu.memory_space<vmem>>) dst(%dma_wait3A_94 : memref<10000x128xf32, #tpu.memory_space<vmem_shared>>)
    %barrier3A_95 = arith.constant 0 : index
    tpu.barrier barrier_id(%barrier3A_95)
    %jit3A_96 = arith.constant 8 : i32
    %div3A_97 = arith.divsi %select_n3A, %jit3A_96 : i32
    %sign3A_98 = arith.constant 0 : i32
    %sign3A_99 = arith.cmpi sgt, %select_n3A, %sign3A_98 : i32
    %sign3A_100 = arith.extui %sign3A_99 : i1 to i32
    %sign3A_101 = arith.constant 0 : i32
    %sign3A_102 = arith.cmpi slt, %select_n3A, %sign3A_101 : i32
    %sign3A_103 = arith.extui %sign3A_102 : i1 to i32
    %sign3A_104 = arith.subi %sign3A_100, %sign3A_103 : i32
    %sign3A_105 = arith.constant 0 : i32
    %sign3A_106 = arith.cmpi sgt, %jit3A_96, %sign3A_105 : i32
    %sign3A_107 = arith.extui %sign3A_106 : i1 to i32
    %sign3A_108 = arith.constant 0 : i32
    %sign3A_109 = arith.cmpi slt, %jit3A_96, %sign3A_108 : i32
    %sign3A_110 = arith.extui %sign3A_109 : i1 to i32
    %sign3A_111 = arith.subi %sign3A_107, %sign3A_110 : i32
    %ne3A_112 = arith.cmpi ne, %sign3A_104, %sign3A_111 : i32
    %rem3A_113 = arith.remsi %select_n3A, %jit3A_96 : i32
    %ne3A_114 = arith.constant 0 : i32
    %ne3A_115 = arith.cmpi ne, %rem3A_113, %ne3A_114 : i32
    %and3A_116 = arith.andi %ne3A_112, %ne3A_115 : i1
    %sub3A_117 = arith.constant 1 : i32
    %sub3A_118 = arith.subi %div3A_97, %sub3A_117 : i32
    %select_n3A_119 = arith.select %and3A_116, %sub3A_118, %div3A_97 : i32
    %while3A_120 = arith.constant 0 : i32
    %while3A_121 = arith.constant 0 : i32
    %while3A_122 = arith.subi %select_n3A_119, %while3A_121 : i32
    %while3A_123 = arith.addi %while3A_121, %while3A_122 : i32
    %while3A_124 = arith.constant 1 : i32
    %while3A_125 = arith.divsi %while3A_122, %while3A_124 : i32
    %while3A_126 = arith.muli %while3A_125, %while3A_124 : i32
    %while3A_127 = arith.addi %while3A_121, %while3A_126 : i32
    %while3A_128 = arith.constant 1 : i32
    scf.for %while3A_130 = %while3A_121 to %while3A_127 step %while3A_128  : i32 {
      %mul3A_131 = arith.constant 8 : i32
      %mul3A_132 = arith.muli %while3A_130, %mul3A_131 : i32
      %add3A_133 = arith.addi %mul3A_4, %mul3A_132 : i32
      "tpu.region"() ({
        %run_scoped3A = tpu.sem_alloc : memref<!tpu.dma_semaphore, #tpu.memory_space<semaphore_mem>>
        %dma_start3A_134 = arith.constant 0 : i32
        %dma_start3A_135 = tpu.memref_slice %arg7[%arg0, %add3A_133, %dma_start3A_134] : memref<2x10000x128xf32, #tpu.memory_space<hbm>> -> memref<1x8x128xf32, #tpu.memory_space<hbm>>
        %dma_start3A_136 = tpu.memref_squeeze %dma_start3A_135 : memref<1x8x128xf32, #tpu.memory_space<hbm>> -> memref<8x128xf32, #tpu.memory_space<hbm>>
        %dma_start3A_137 = arith.constant 0 : i32
        %dma_start3A_138 = tpu.memref_slice %arg18[%add3A_133, %dma_start3A_137] : memref<10000x128xf32, #tpu.memory_space<vmem_shared>> -> memref<8x128xf32, #tpu.memory_space<vmem_shared>>
        tpu.enqueue_dma source(%dma_start3A_138 : memref<8x128xf32, #tpu.memory_space<vmem_shared>>) target(%dma_start3A_136 : memref<8x128xf32, #tpu.memory_space<hbm>>) target_semaphore(%run_scoped3A : memref<!tpu.dma_semaphore, #tpu.memory_space<semaphore_mem>>)
        %dma_wait3A_139 = arith.constant 0 : i32
        %dma_wait3A_140 = tpu.memref_slice %arg7[%arg0, %add3A_133, %dma_wait3A_139] : memref<2x10000x128xf32, #tpu.memory_space<hbm>> -> memref<1x8x128xf32, #tpu.memory_space<hbm>>
        %dma_wait3A_141 = tpu.memref_squeeze %dma_wait3A_140 : memref<1x8x128xf32, #tpu.memory_space<hbm>> -> memref<8x128xf32, #tpu.memory_space<hbm>>
        %dma_wait3A_142 = arith.constant 0 : i32
        %dma_wait3A_143 = tpu.memref_slice %arg18[%add3A_133, %dma_wait3A_142] : memref<10000x128xf32, #tpu.memory_space<vmem_shared>> -> memref<8x128xf32, #tpu.memory_space<vmem_shared>>
        tpu.wait_dma2 semaphore(%run_scoped3A : memref<!tpu.dma_semaphore, #tpu.memory_space<semaphore_mem>>) src(%dma_wait3A_143 : memref<8x128xf32, #tpu.memory_space<vmem_shared>>) dst(%dma_wait3A_141 : memref<8x128xf32, #tpu.memory_space<hbm>>)
        tpu.yield
      }) : () -> ()
    }
    %while3A_129 = arith.constant 1 : i32
    scf.for %while3A_130 = %while3A_127 to %while3A_123 step %while3A_129  : i32 {
      %mul3A_131 = arith.constant 8 : i32
      %mul3A_132 = arith.muli %while3A_130, %mul3A_131 : i32
      %add3A_133 = arith.addi %mul3A_4, %mul3A_132 : i32
      "tpu.region"() ({
        %run_scoped3A = tpu.sem_alloc : memref<!tpu.dma_semaphore, #tpu.memory_space<semaphore_mem>>
        %dma_start3A_134 = arith.constant 0 : i32
        %dma_start3A_135 = tpu.memref_slice %arg7[%arg0, %add3A_133, %dma_start3A_134] : memref<2x10000x128xf32, #tpu.memory_space<hbm>> -> memref<1x8x128xf32, #tpu.memory_space<hbm>>
        %dma_start3A_136 = tpu.memref_squeeze %dma_start3A_135 : memref<1x8x128xf32, #tpu.memory_space<hbm>> -> memref<8x128xf32, #tpu.memory_space<hbm>>
        %dma_start3A_137 = arith.constant 0 : i32
        %dma_start3A_138 = tpu.memref_slice %arg18[%add3A_133, %dma_start3A_137] : memref<10000x128xf32, #tpu.memory_space<vmem_shared>> -> memref<8x128xf32, #tpu.memory_space<vmem_shared>>
        tpu.enqueue_dma source(%dma_start3A_138 : memref<8x128xf32, #tpu.memory_space<vmem_shared>>) target(%dma_start3A_136 : memref<8x128xf32, #tpu.memory_space<hbm>>) target_semaphore(%run_scoped3A : memref<!tpu.dma_semaphore, #tpu.memory_space<semaphore_mem>>)
        %dma_wait3A_139 = arith.constant 0 : i32
        %dma_wait3A_140 = tpu.memref_slice %arg7[%arg0, %add3A_133, %dma_wait3A_139] : memref<2x10000x128xf32, #tpu.memory_space<hbm>> -> memref<1x8x128xf32, #tpu.memory_space<hbm>>
        %dma_wait3A_141 = tpu.memref_squeeze %dma_wait3A_140 : memref<1x8x128xf32, #tpu.memory_space<hbm>> -> memref<8x128xf32, #tpu.memory_space<hbm>>
        %dma_wait3A_142 = arith.constant 0 : i32
        %dma_wait3A_143 = tpu.memref_slice %arg18[%add3A_133, %dma_wait3A_142] : memref<10000x128xf32, #tpu.memory_space<vmem_shared>> -> memref<8x128xf32, #tpu.memory_space<vmem_shared>>
        tpu.wait_dma2 semaphore(%run_scoped3A : memref<!tpu.dma_semaphore, #tpu.memory_space<semaphore_mem>>) src(%dma_wait3A_143 : memref<8x128xf32, #tpu.memory_space<vmem_shared>>) dst(%dma_wait3A_141 : memref<8x128xf32, #tpu.memory_space<hbm>>)
        tpu.yield
      }) : () -> ()
    }
    return
  }
}

module attributes {stable_mosaic.version = 14 : i64} {
  func.func @_v_table_body(%arg0: i32, %arg1: memref<128x1024xf32, #tpu.memory_space<vmem>>, %arg2: memref<128x1152xf32, #tpu.memory_space<vmem>>, %arg3: memref<1024x4xf32, #tpu.memory_space<vmem>>, %arg4: memref<1024x4xf32, #tpu.memory_space<vmem>>, %arg5: memref<1024x640xi32, #tpu.memory_space<vmem>>) attributes {dimension_semantics = [#tpu.dimension_semantics<arbitrary>], iteration_bounds = array<i64: 10>, scalar_prefetch = 0 : i64, scratch_operands = 0 : i64, tpu.core_type = #tpu.core_type<tc>, window_params = [{transform_indices = @transform_0, window_bounds = array<i64: 128, 1024>}, {pipeline_mode = #tpu.pipeline_mode<synchronous>, transform_indices = @transform_1, window_bounds = array<i64: 128, 1152>}, {transform_indices = @transform_2, window_bounds = array<i64: 1024, 4>}, {transform_indices = @transform_3, window_bounds = array<i64: 1024, 4>}, {transform_indices = @transform_4, window_bounds = array<i64: 1024, 640>}]} {
    %get3A = arith.constant 0 : index
    %get3A_0 = arith.constant 0 : index
    %get3A_1 = vector.load %arg1[%get3A, %get3A_0] : memref<128x1024xf32, #tpu.memory_space<vmem>>, vector<128x1024xf32>
    %get3A_2 = arith.constant 0 : index
    %get3A_3 = arith.constant 0 : index
    %get3A_4 = vector.load %arg2[%get3A_2, %get3A_3] : memref<128x1152xf32, #tpu.memory_space<vmem>>, vector<128x1152xf32>
    %dot_general3A = arith.constant dense<0.000000e+00> : vector<1024x1152xf32>
    %dot_general3A_5 = tpu.matmul %get3A_1, %get3A_4, %dot_general3A {dimension_numbers = #tpu.dot_dimension_numbers<[0], [0], [1], [1], [0, 1, 1, 1], [], []>, transpose_lhs_hint = false} : vector<128x1024xf32>, vector<128x1152xf32>, vector<1024x1152xf32> -> vector<1024x1152xf32>
    %slice3A = vector.extract_strided_slice %dot_general3A_5 {offsets = [0, 0], sizes = [1024, 128], strides = [1, 1]} : vector<1024x1152xf32> to vector<1024x128xf32>
    %slice3A_6 = vector.extract_strided_slice %slice3A {offsets = [0, 0], sizes = [1024, 16], strides = [1, 1]} : vector<1024x128xf32> to vector<1024x16xf32>
    %convert_element_type3A = arith.truncf %slice3A_6 : vector<1024x16xf32> to vector<1024x16xbf16>
    %bitcast_convert_type3A = tpu.bitcast %convert_element_type3A : vector<1024x16xbf16> -> vector<1024x16xi16>
    %convert_element_type3A_7 = arith.extui %bitcast_convert_type3A : vector<1024x16xi16> to vector<1024x16xi32>
    %slice3A_8 = vector.extract_strided_slice %slice3A {offsets = [0, 16], sizes = [1024, 16], strides = [1, 1]} : vector<1024x128xf32> to vector<1024x16xf32>
    %convert_element_type3A_9 = arith.truncf %slice3A_8 : vector<1024x16xf32> to vector<1024x16xbf16>
    %bitcast_convert_type3A_10 = tpu.bitcast %convert_element_type3A_9 : vector<1024x16xbf16> -> vector<1024x16xi16>
    %convert_element_type3A_11 = arith.extui %bitcast_convert_type3A_10 : vector<1024x16xi16> to vector<1024x16xi32>
    %shift_left3A = arith.constant 16 : i32
    %shift_left3A_12 = vector.broadcast %shift_left3A : i32 to vector<1024x16xi32>
    %shift_left3A_13 = arith.shli %convert_element_type3A_11, %shift_left3A_12 : vector<1024x16xi32>
    %or3A = arith.ori %convert_element_type3A_7, %shift_left3A_13 : vector<1024x16xi32>
    %slice3A_14 = vector.extract_strided_slice %slice3A {offsets = [0, 32], sizes = [1024, 16], strides = [1, 1]} : vector<1024x128xf32> to vector<1024x16xf32>
    %convert_element_type3A_15 = arith.truncf %slice3A_14 : vector<1024x16xf32> to vector<1024x16xbf16>
    %bitcast_convert_type3A_16 = tpu.bitcast %convert_element_type3A_15 : vector<1024x16xbf16> -> vector<1024x16xi16>
    %convert_element_type3A_17 = arith.extui %bitcast_convert_type3A_16 : vector<1024x16xi16> to vector<1024x16xi32>
    %slice3A_18 = vector.extract_strided_slice %slice3A {offsets = [0, 48], sizes = [1024, 16], strides = [1, 1]} : vector<1024x128xf32> to vector<1024x16xf32>
    %convert_element_type3A_19 = arith.truncf %slice3A_18 : vector<1024x16xf32> to vector<1024x16xbf16>
    %bitcast_convert_type3A_20 = tpu.bitcast %convert_element_type3A_19 : vector<1024x16xbf16> -> vector<1024x16xi16>
    %convert_element_type3A_21 = arith.extui %bitcast_convert_type3A_20 : vector<1024x16xi16> to vector<1024x16xi32>
    %shift_left3A_22 = arith.constant 16 : i32
    %shift_left3A_23 = vector.broadcast %shift_left3A_22 : i32 to vector<1024x16xi32>
    %shift_left3A_24 = arith.shli %convert_element_type3A_21, %shift_left3A_23 : vector<1024x16xi32>
    %or3A_25 = arith.ori %convert_element_type3A_17, %shift_left3A_24 : vector<1024x16xi32>
    %slice3A_26 = vector.extract_strided_slice %slice3A {offsets = [0, 64], sizes = [1024, 16], strides = [1, 1]} : vector<1024x128xf32> to vector<1024x16xf32>
    %convert_element_type3A_27 = arith.truncf %slice3A_26 : vector<1024x16xf32> to vector<1024x16xbf16>
    %bitcast_convert_type3A_28 = tpu.bitcast %convert_element_type3A_27 : vector<1024x16xbf16> -> vector<1024x16xi16>
    %convert_element_type3A_29 = arith.extui %bitcast_convert_type3A_28 : vector<1024x16xi16> to vector<1024x16xi32>
    %slice3A_30 = vector.extract_strided_slice %slice3A {offsets = [0, 80], sizes = [1024, 16], strides = [1, 1]} : vector<1024x128xf32> to vector<1024x16xf32>
    %convert_element_type3A_31 = arith.truncf %slice3A_30 : vector<1024x16xf32> to vector<1024x16xbf16>
    %bitcast_convert_type3A_32 = tpu.bitcast %convert_element_type3A_31 : vector<1024x16xbf16> -> vector<1024x16xi16>
    %convert_element_type3A_33 = arith.extui %bitcast_convert_type3A_32 : vector<1024x16xi16> to vector<1024x16xi32>
    %shift_left3A_34 = arith.constant 16 : i32
    %shift_left3A_35 = vector.broadcast %shift_left3A_34 : i32 to vector<1024x16xi32>
    %shift_left3A_36 = arith.shli %convert_element_type3A_33, %shift_left3A_35 : vector<1024x16xi32>
    %or3A_37 = arith.ori %convert_element_type3A_29, %shift_left3A_36 : vector<1024x16xi32>
    %slice3A_38 = vector.extract_strided_slice %slice3A {offsets = [0, 96], sizes = [1024, 16], strides = [1, 1]} : vector<1024x128xf32> to vector<1024x16xf32>
    %convert_element_type3A_39 = arith.truncf %slice3A_38 : vector<1024x16xf32> to vector<1024x16xbf16>
    %bitcast_convert_type3A_40 = tpu.bitcast %convert_element_type3A_39 : vector<1024x16xbf16> -> vector<1024x16xi16>
    %convert_element_type3A_41 = arith.extui %bitcast_convert_type3A_40 : vector<1024x16xi16> to vector<1024x16xi32>
    %slice3A_42 = vector.extract_strided_slice %slice3A {offsets = [0, 112], sizes = [1024, 16], strides = [1, 1]} : vector<1024x128xf32> to vector<1024x16xf32>
    %convert_element_type3A_43 = arith.truncf %slice3A_42 : vector<1024x16xf32> to vector<1024x16xbf16>
    %bitcast_convert_type3A_44 = tpu.bitcast %convert_element_type3A_43 : vector<1024x16xbf16> -> vector<1024x16xi16>
    %convert_element_type3A_45 = arith.extui %bitcast_convert_type3A_44 : vector<1024x16xi16> to vector<1024x16xi32>
    %shift_left3A_46 = arith.constant 16 : i32
    %shift_left3A_47 = vector.broadcast %shift_left3A_46 : i32 to vector<1024x16xi32>
    %shift_left3A_48 = arith.shli %convert_element_type3A_45, %shift_left3A_47 : vector<1024x16xi32>
    %or3A_49 = arith.ori %convert_element_type3A_41, %shift_left3A_48 : vector<1024x16xi32>
    %concatenate3A = tpu.concatenate %or3A, %or3A_25, %or3A_37, %or3A_49 in 1 : vector<1024x16xi32>, vector<1024x16xi32>, vector<1024x16xi32>, vector<1024x16xi32> -> vector<1024x64xi32>
    %swap3A = arith.constant 0 : index
    %swap3A_50 = arith.constant 0 : index
    %swap3A_51 = vector.load %arg5[%swap3A, %swap3A_50] : memref<1024x640xi32, #tpu.memory_space<vmem>>, vector<1024x64xi32>
    tpu.vector_store %arg5[%swap3A, %swap3A_50], %concatenate3A {strides = array<i32>} : memref<1024x640xi32, #tpu.memory_space<vmem>>, vector<1024x64xi32>,
    %slice3A_52 = vector.extract_strided_slice %dot_general3A_5 {offsets = [0, 128], sizes = [1024, 128], strides = [1, 1]} : vector<1024x1152xf32> to vector<1024x128xf32>
    %slice3A_53 = vector.extract_strided_slice %dot_general3A_5 {offsets = [0, 640], sizes = [1024, 128], strides = [1, 1]} : vector<1024x1152xf32> to vector<1024x128xf32>
    %get3A_54 = arith.constant 0 : index
    %get3A_55 = arith.constant 0 : index
    %get3A_56 = vector.load %arg3[%get3A_54, %get3A_55] : memref<1024x4xf32, #tpu.memory_space<vmem>>, vector<1024x1xf32>
    %get3A_57 = arith.constant 0 : index
    %get3A_58 = arith.constant 0 : index
    %get3A_59 = vector.load %arg4[%get3A_57, %get3A_58] : memref<1024x4xf32, #tpu.memory_space<vmem>>, vector<1024x1xf32>
    %mul3A = vector.broadcast %get3A_56 : vector<1024x1xf32> to vector<1024x128xf32>
    %mul3A_60 = arith.mulf %mul3A, %slice3A_52 : vector<1024x128xf32>
    %mul3A_61 = vector.broadcast %get3A_59 : vector<1024x1xf32> to vector<1024x128xf32>
    %mul3A_62 = arith.mulf %mul3A_61, %slice3A_53 : vector<1024x128xf32>
    %add3A = arith.addf %mul3A_60, %mul3A_62 : vector<1024x128xf32>
    %mul3A_63 = arith.constant 2.000000e+00 : f32
    %mul3A_64 = vector.broadcast %mul3A_63 : f32 to vector<1024x128xf32>
    %mul3A_65 = arith.mulf %mul3A_64, %add3A : vector<1024x128xf32>
    %slice3A_66 = vector.extract_strided_slice %mul3A_65 {offsets = [0, 0], sizes = [1024, 16], strides = [1, 1]} : vector<1024x128xf32> to vector<1024x16xf32>
    %convert_element_type3A_67 = arith.truncf %slice3A_66 : vector<1024x16xf32> to vector<1024x16xbf16>
    %bitcast_convert_type3A_68 = tpu.bitcast %convert_element_type3A_67 : vector<1024x16xbf16> -> vector<1024x16xi16>
    %convert_element_type3A_69 = arith.extui %bitcast_convert_type3A_68 : vector<1024x16xi16> to vector<1024x16xi32>
    %slice3A_70 = vector.extract_strided_slice %mul3A_65 {offsets = [0, 16], sizes = [1024, 16], strides = [1, 1]} : vector<1024x128xf32> to vector<1024x16xf32>
    %convert_element_type3A_71 = arith.truncf %slice3A_70 : vector<1024x16xf32> to vector<1024x16xbf16>
    %bitcast_convert_type3A_72 = tpu.bitcast %convert_element_type3A_71 : vector<1024x16xbf16> -> vector<1024x16xi16>
    %convert_element_type3A_73 = arith.extui %bitcast_convert_type3A_72 : vector<1024x16xi16> to vector<1024x16xi32>
    %shift_left3A_74 = arith.constant 16 : i32
    %shift_left3A_75 = vector.broadcast %shift_left3A_74 : i32 to vector<1024x16xi32>
    %shift_left3A_76 = arith.shli %convert_element_type3A_73, %shift_left3A_75 : vector<1024x16xi32>
    %or3A_77 = arith.ori %convert_element_type3A_69, %shift_left3A_76 : vector<1024x16xi32>
    %slice3A_78 = vector.extract_strided_slice %mul3A_65 {offsets = [0, 32], sizes = [1024, 16], strides = [1, 1]} : vector<1024x128xf32> to vector<1024x16xf32>
    %convert_element_type3A_79 = arith.truncf %slice3A_78 : vector<1024x16xf32> to vector<1024x16xbf16>
    %bitcast_convert_type3A_80 = tpu.bitcast %convert_element_type3A_79 : vector<1024x16xbf16> -> vector<1024x16xi16>
    %convert_element_type3A_81 = arith.extui %bitcast_convert_type3A_80 : vector<1024x16xi16> to vector<1024x16xi32>
    %slice3A_82 = vector.extract_strided_slice %mul3A_65 {offsets = [0, 48], sizes = [1024, 16], strides = [1, 1]} : vector<1024x128xf32> to vector<1024x16xf32>
    %convert_element_type3A_83 = arith.truncf %slice3A_82 : vector<1024x16xf32> to vector<1024x16xbf16>
    %bitcast_convert_type3A_84 = tpu.bitcast %convert_element_type3A_83 : vector<1024x16xbf16> -> vector<1024x16xi16>
    %convert_element_type3A_85 = arith.extui %bitcast_convert_type3A_84 : vector<1024x16xi16> to vector<1024x16xi32>
    %shift_left3A_86 = arith.constant 16 : i32
    %shift_left3A_87 = vector.broadcast %shift_left3A_86 : i32 to vector<1024x16xi32>
    %shift_left3A_88 = arith.shli %convert_element_type3A_85, %shift_left3A_87 : vector<1024x16xi32>
    %or3A_89 = arith.ori %convert_element_type3A_81, %shift_left3A_88 : vector<1024x16xi32>
    %slice3A_90 = vector.extract_strided_slice %mul3A_65 {offsets = [0, 64], sizes = [1024, 16], strides = [1, 1]} : vector<1024x128xf32> to vector<1024x16xf32>
    %convert_element_type3A_91 = arith.truncf %slice3A_90 : vector<1024x16xf32> to vector<1024x16xbf16>
    %bitcast_convert_type3A_92 = tpu.bitcast %convert_element_type3A_91 : vector<1024x16xbf16> -> vector<1024x16xi16>
    %convert_element_type3A_93 = arith.extui %bitcast_convert_type3A_92 : vector<1024x16xi16> to vector<1024x16xi32>
    %slice3A_94 = vector.extract_strided_slice %mul3A_65 {offsets = [0, 80], sizes = [1024, 16], strides = [1, 1]} : vector<1024x128xf32> to vector<1024x16xf32>
    %convert_element_type3A_95 = arith.truncf %slice3A_94 : vector<1024x16xf32> to vector<1024x16xbf16>
    %bitcast_convert_type3A_96 = tpu.bitcast %convert_element_type3A_95 : vector<1024x16xbf16> -> vector<1024x16xi16>
    %convert_element_type3A_97 = arith.extui %bitcast_convert_type3A_96 : vector<1024x16xi16> to vector<1024x16xi32>
    %shift_left3A_98 = arith.constant 16 : i32
    %shift_left3A_99 = vector.broadcast %shift_left3A_98 : i32 to vector<1024x16xi32>
    %shift_left3A_100 = arith.shli %convert_element_type3A_97, %shift_left3A_99 : vector<1024x16xi32>
    %or3A_101 = arith.ori %convert_element_type3A_93, %shift_left3A_100 : vector<1024x16xi32>
    %slice3A_102 = vector.extract_strided_slice %mul3A_65 {offsets = [0, 96], sizes = [1024, 16], strides = [1, 1]} : vector<1024x128xf32> to vector<1024x16xf32>
    %convert_element_type3A_103 = arith.truncf %slice3A_102 : vector<1024x16xf32> to vector<1024x16xbf16>
    %bitcast_convert_type3A_104 = tpu.bitcast %convert_element_type3A_103 : vector<1024x16xbf16> -> vector<1024x16xi16>
    %convert_element_type3A_105 = arith.extui %bitcast_convert_type3A_104 : vector<1024x16xi16> to vector<1024x16xi32>
    %slice3A_106 = vector.extract_strided_slice %mul3A_65 {offsets = [0, 112], sizes = [1024, 16], strides = [1, 1]} : vector<1024x128xf32> to vector<1024x16xf32>
    %convert_element_type3A_107 = arith.truncf %slice3A_106 : vector<1024x16xf32> to vector<1024x16xbf16>
    %bitcast_convert_type3A_108 = tpu.bitcast %convert_element_type3A_107 : vector<1024x16xbf16> -> vector<1024x16xi16>
    %convert_element_type3A_109 = arith.extui %bitcast_convert_type3A_108 : vector<1024x16xi16> to vector<1024x16xi32>
    %shift_left3A_110 = arith.constant 16 : i32
    %shift_left3A_111 = vector.broadcast %shift_left3A_110 : i32 to vector<1024x16xi32>
    %shift_left3A_112 = arith.shli %convert_element_type3A_109, %shift_left3A_111 : vector<1024x16xi32>
    %or3A_113 = arith.ori %convert_element_type3A_105, %shift_left3A_112 : vector<1024x16xi32>
    %concatenate3A_114 = tpu.concatenate %or3A_77, %or3A_89, %or3A_101, %or3A_113 in 1 : vector<1024x16xi32>, vector<1024x16xi32>, vector<1024x16xi32>, vector<1024x16xi32> -> vector<1024x64xi32>
    %swap3A_115 = arith.constant 0 : index
    %swap3A_116 = arith.constant 64 : index
    %swap3A_117 = vector.load %arg5[%swap3A_115, %swap3A_116] : memref<1024x640xi32, #tpu.memory_space<vmem>>, vector<1024x64xi32>
    tpu.vector_store %arg5[%swap3A_115, %swap3A_116], %concatenate3A_114 {strides = array<i32>} : memref<1024x640xi32, #tpu.memory_space<vmem>>, vector<1024x64xi32>,
    %mul3A_118 = vector.broadcast %get3A_59 : vector<1024x1xf32> to vector<1024x128xf32>
    %mul3A_119 = arith.mulf %mul3A_118, %slice3A_52 : vector<1024x128xf32>
    %mul3A_120 = vector.broadcast %get3A_56 : vector<1024x1xf32> to vector<1024x128xf32>
    %mul3A_121 = arith.mulf %mul3A_120, %slice3A_53 : vector<1024x128xf32>
    %sub3A = arith.subf %mul3A_119, %mul3A_121 : vector<1024x128xf32>
    %mul3A_122 = arith.constant 2.000000e+00 : f32
    %mul3A_123 = vector.broadcast %mul3A_122 : f32 to vector<1024x128xf32>
    %mul3A_124 = arith.mulf %mul3A_123, %sub3A : vector<1024x128xf32>
    %slice3A_125 = vector.extract_strided_slice %mul3A_124 {offsets = [0, 0], sizes = [1024, 16], strides = [1, 1]} : vector<1024x128xf32> to vector<1024x16xf32>
    %convert_element_type3A_126 = arith.truncf %slice3A_125 : vector<1024x16xf32> to vector<1024x16xbf16>
    %bitcast_convert_type3A_127 = tpu.bitcast %convert_element_type3A_126 : vector<1024x16xbf16> -> vector<1024x16xi16>
    %convert_element_type3A_128 = arith.extui %bitcast_convert_type3A_127 : vector<1024x16xi16> to vector<1024x16xi32>
    %slice3A_129 = vector.extract_strided_slice %mul3A_124 {offsets = [0, 16], sizes = [1024, 16], strides = [1, 1]} : vector<1024x128xf32> to vector<1024x16xf32>
    %convert_element_type3A_130 = arith.truncf %slice3A_129 : vector<1024x16xf32> to vector<1024x16xbf16>
    %bitcast_convert_type3A_131 = tpu.bitcast %convert_element_type3A_130 : vector<1024x16xbf16> -> vector<1024x16xi16>
    %convert_element_type3A_132 = arith.extui %bitcast_convert_type3A_131 : vector<1024x16xi16> to vector<1024x16xi32>
    %shift_left3A_133 = arith.constant 16 : i32
    %shift_left3A_134 = vector.broadcast %shift_left3A_133 : i32 to vector<1024x16xi32>
    %shift_left3A_135 = arith.shli %convert_element_type3A_132, %shift_left3A_134 : vector<1024x16xi32>
    %or3A_136 = arith.ori %convert_element_type3A_128, %shift_left3A_135 : vector<1024x16xi32>
    %slice3A_137 = vector.extract_strided_slice %mul3A_124 {offsets = [0, 32], sizes = [1024, 16], strides = [1, 1]} : vector<1024x128xf32> to vector<1024x16xf32>
    %convert_element_type3A_138 = arith.truncf %slice3A_137 : vector<1024x16xf32> to vector<1024x16xbf16>
    %bitcast_convert_type3A_139 = tpu.bitcast %convert_element_type3A_138 : vector<1024x16xbf16> -> vector<1024x16xi16>
    %convert_element_type3A_140 = arith.extui %bitcast_convert_type3A_139 : vector<1024x16xi16> to vector<1024x16xi32>
    %slice3A_141 = vector.extract_strided_slice %mul3A_124 {offsets = [0, 48], sizes = [1024, 16], strides = [1, 1]} : vector<1024x128xf32> to vector<1024x16xf32>
    %convert_element_type3A_142 = arith.truncf %slice3A_141 : vector<1024x16xf32> to vector<1024x16xbf16>
    %bitcast_convert_type3A_143 = tpu.bitcast %convert_element_type3A_142 : vector<1024x16xbf16> -> vector<1024x16xi16>
    %convert_element_type3A_144 = arith.extui %bitcast_convert_type3A_143 : vector<1024x16xi16> to vector<1024x16xi32>
    %shift_left3A_145 = arith.constant 16 : i32
    %shift_left3A_146 = vector.broadcast %shift_left3A_145 : i32 to vector<1024x16xi32>
    %shift_left3A_147 = arith.shli %convert_element_type3A_144, %shift_left3A_146 : vector<1024x16xi32>
    %or3A_148 = arith.ori %convert_element_type3A_140, %shift_left3A_147 : vector<1024x16xi32>
    %slice3A_149 = vector.extract_strided_slice %mul3A_124 {offsets = [0, 64], sizes = [1024, 16], strides = [1, 1]} : vector<1024x128xf32> to vector<1024x16xf32>
    %convert_element_type3A_150 = arith.truncf %slice3A_149 : vector<1024x16xf32> to vector<1024x16xbf16>
    %bitcast_convert_type3A_151 = tpu.bitcast %convert_element_type3A_150 : vector<1024x16xbf16> -> vector<1024x16xi16>
    %convert_element_type3A_152 = arith.extui %bitcast_convert_type3A_151 : vector<1024x16xi16> to vector<1024x16xi32>
    %slice3A_153 = vector.extract_strided_slice %mul3A_124 {offsets = [0, 80], sizes = [1024, 16], strides = [1, 1]} : vector<1024x128xf32> to vector<1024x16xf32>
    %convert_element_type3A_154 = arith.truncf %slice3A_153 : vector<1024x16xf32> to vector<1024x16xbf16>
    %bitcast_convert_type3A_155 = tpu.bitcast %convert_element_type3A_154 : vector<1024x16xbf16> -> vector<1024x16xi16>
    %convert_element_type3A_156 = arith.extui %bitcast_convert_type3A_155 : vector<1024x16xi16> to vector<1024x16xi32>
    %shift_left3A_157 = arith.constant 16 : i32
    %shift_left3A_158 = vector.broadcast %shift_left3A_157 : i32 to vector<1024x16xi32>
    %shift_left3A_159 = arith.shli %convert_element_type3A_156, %shift_left3A_158 : vector<1024x16xi32>
    %or3A_160 = arith.ori %convert_element_type3A_152, %shift_left3A_159 : vector<1024x16xi32>
    %slice3A_161 = vector.extract_strided_slice %mul3A_124 {offsets = [0, 96], sizes = [1024, 16], strides = [1, 1]} : vector<1024x128xf32> to vector<1024x16xf32>
    %convert_element_type3A_162 = arith.truncf %slice3A_161 : vector<1024x16xf32> to vector<1024x16xbf16>
    %bitcast_convert_type3A_163 = tpu.bitcast %convert_element_type3A_162 : vector<1024x16xbf16> -> vector<1024x16xi16>
    %convert_element_type3A_164 = arith.extui %bitcast_convert_type3A_163 : vector<1024x16xi16> to vector<1024x16xi32>
    %slice3A_165 = vector.extract_strided_slice %mul3A_124 {offsets = [0, 112], sizes = [1024, 16], strides = [1, 1]} : vector<1024x128xf32> to vector<1024x16xf32>
    %convert_element_type3A_166 = arith.truncf %slice3A_165 : vector<1024x16xf32> to vector<1024x16xbf16>
    %bitcast_convert_type3A_167 = tpu.bitcast %convert_element_type3A_166 : vector<1024x16xbf16> -> vector<1024x16xi16>
    %convert_element_type3A_168 = arith.extui %bitcast_convert_type3A_167 : vector<1024x16xi16> to vector<1024x16xi32>
    %shift_left3A_169 = arith.constant 16 : i32
    %shift_left3A_170 = vector.broadcast %shift_left3A_169 : i32 to vector<1024x16xi32>
    %shift_left3A_171 = arith.shli %convert_element_type3A_168, %shift_left3A_170 : vector<1024x16xi32>
    %or3A_172 = arith.ori %convert_element_type3A_164, %shift_left3A_171 : vector<1024x16xi32>
    %concatenate3A_173 = tpu.concatenate %or3A_136, %or3A_148, %or3A_160, %or3A_172 in 1 : vector<1024x16xi32>, vector<1024x16xi32>, vector<1024x16xi32>, vector<1024x16xi32> -> vector<1024x64xi32>
    %swap3A_174 = arith.constant 0 : index
    %swap3A_175 = arith.constant 320 : index
    %swap3A_176 = vector.load %arg5[%swap3A_174, %swap3A_175] : memref<1024x640xi32, #tpu.memory_space<vmem>>, vector<1024x64xi32>
    tpu.vector_store %arg5[%swap3A_174, %swap3A_175], %concatenate3A_173 {strides = array<i32>} : memref<1024x640xi32, #tpu.memory_space<vmem>>, vector<1024x64xi32>,
    %slice3A_177 = vector.extract_strided_slice %dot_general3A_5 {offsets = [0, 256], sizes = [1024, 128], strides = [1, 1]} : vector<1024x1152xf32> to vector<1024x128xf32>
    %slice3A_178 = vector.extract_strided_slice %dot_general3A_5 {offsets = [0, 768], sizes = [1024, 128], strides = [1, 1]} : vector<1024x1152xf32> to vector<1024x128xf32>
    %get3A_179 = arith.constant 0 : index
    %get3A_180 = arith.constant 1 : index
    %get3A_181 = vector.load %arg3[%get3A_179, %get3A_180] : memref<1024x4xf32, #tpu.memory_space<vmem>>, vector<1024x1xf32>
    %get3A_182 = arith.constant 0 : index
    %get3A_183 = arith.constant 1 : index
    %get3A_184 = vector.load %arg4[%get3A_182, %get3A_183] : memref<1024x4xf32, #tpu.memory_space<vmem>>, vector<1024x1xf32>
    %mul3A_185 = vector.broadcast %get3A_181 : vector<1024x1xf32> to vector<1024x128xf32>
    %mul3A_186 = arith.mulf %mul3A_185, %slice3A_177 : vector<1024x128xf32>
    %mul3A_187 = vector.broadcast %get3A_184 : vector<1024x1xf32> to vector<1024x128xf32>
    %mul3A_188 = arith.mulf %mul3A_187, %slice3A_178 : vector<1024x128xf32>
    %add3A_189 = arith.addf %mul3A_186, %mul3A_188 : vector<1024x128xf32>
    %mul3A_190 = arith.constant 2.000000e+00 : f32
    %mul3A_191 = vector.broadcast %mul3A_190 : f32 to vector<1024x128xf32>
    %mul3A_192 = arith.mulf %mul3A_191, %add3A_189 : vector<1024x128xf32>
    %slice3A_193 = vector.extract_strided_slice %mul3A_192 {offsets = [0, 0], sizes = [1024, 16], strides = [1, 1]} : vector<1024x128xf32> to vector<1024x16xf32>
    %convert_element_type3A_194 = arith.truncf %slice3A_193 : vector<1024x16xf32> to vector<1024x16xbf16>
    %bitcast_convert_type3A_195 = tpu.bitcast %convert_element_type3A_194 : vector<1024x16xbf16> -> vector<1024x16xi16>
    %convert_element_type3A_196 = arith.extui %bitcast_convert_type3A_195 : vector<1024x16xi16> to vector<1024x16xi32>
    %slice3A_197 = vector.extract_strided_slice %mul3A_192 {offsets = [0, 16], sizes = [1024, 16], strides = [1, 1]} : vector<1024x128xf32> to vector<1024x16xf32>
    %convert_element_type3A_198 = arith.truncf %slice3A_197 : vector<1024x16xf32> to vector<1024x16xbf16>
    %bitcast_convert_type3A_199 = tpu.bitcast %convert_element_type3A_198 : vector<1024x16xbf16> -> vector<1024x16xi16>
    %convert_element_type3A_200 = arith.extui %bitcast_convert_type3A_199 : vector<1024x16xi16> to vector<1024x16xi32>
    %shift_left3A_201 = arith.constant 16 : i32
    %shift_left3A_202 = vector.broadcast %shift_left3A_201 : i32 to vector<1024x16xi32>
    %shift_left3A_203 = arith.shli %convert_element_type3A_200, %shift_left3A_202 : vector<1024x16xi32>
    %or3A_204 = arith.ori %convert_element_type3A_196, %shift_left3A_203 : vector<1024x16xi32>
    %slice3A_205 = vector.extract_strided_slice %mul3A_192 {offsets = [0, 32], sizes = [1024, 16], strides = [1, 1]} : vector<1024x128xf32> to vector<1024x16xf32>
    %convert_element_type3A_206 = arith.truncf %slice3A_205 : vector<1024x16xf32> to vector<1024x16xbf16>
    %bitcast_convert_type3A_207 = tpu.bitcast %convert_element_type3A_206 : vector<1024x16xbf16> -> vector<1024x16xi16>
    %convert_element_type3A_208 = arith.extui %bitcast_convert_type3A_207 : vector<1024x16xi16> to vector<1024x16xi32>
    %slice3A_209 = vector.extract_strided_slice %mul3A_192 {offsets = [0, 48], sizes = [1024, 16], strides = [1, 1]} : vector<1024x128xf32> to vector<1024x16xf32>
    %convert_element_type3A_210 = arith.truncf %slice3A_209 : vector<1024x16xf32> to vector<1024x16xbf16>
    %bitcast_convert_type3A_211 = tpu.bitcast %convert_element_type3A_210 : vector<1024x16xbf16> -> vector<1024x16xi16>
    %convert_element_type3A_212 = arith.extui %bitcast_convert_type3A_211 : vector<1024x16xi16> to vector<1024x16xi32>
    %shift_left3A_213 = arith.constant 16 : i32
    %shift_left3A_214 = vector.broadcast %shift_left3A_213 : i32 to vector<1024x16xi32>
    %shift_left3A_215 = arith.shli %convert_element_type3A_212, %shift_left3A_214 : vector<1024x16xi32>
    %or3A_216 = arith.ori %convert_element_type3A_208, %shift_left3A_215 : vector<1024x16xi32>
    %slice3A_217 = vector.extract_strided_slice %mul3A_192 {offsets = [0, 64], sizes = [1024, 16], strides = [1, 1]} : vector<1024x128xf32> to vector<1024x16xf32>
    %convert_element_type3A_218 = arith.truncf %slice3A_217 : vector<1024x16xf32> to vector<1024x16xbf16>
    %bitcast_convert_type3A_219 = tpu.bitcast %convert_element_type3A_218 : vector<1024x16xbf16> -> vector<1024x16xi16>
    %convert_element_type3A_220 = arith.extui %bitcast_convert_type3A_219 : vector<1024x16xi16> to vector<1024x16xi32>
    %slice3A_221 = vector.extract_strided_slice %mul3A_192 {offsets = [0, 80], sizes = [1024, 16], strides = [1, 1]} : vector<1024x128xf32> to vector<1024x16xf32>
    %convert_element_type3A_222 = arith.truncf %slice3A_221 : vector<1024x16xf32> to vector<1024x16xbf16>
    %bitcast_convert_type3A_223 = tpu.bitcast %convert_element_type3A_222 : vector<1024x16xbf16> -> vector<1024x16xi16>
    %convert_element_type3A_224 = arith.extui %bitcast_convert_type3A_223 : vector<1024x16xi16> to vector<1024x16xi32>
    %shift_left3A_225 = arith.constant 16 : i32
    %shift_left3A_226 = vector.broadcast %shift_left3A_225 : i32 to vector<1024x16xi32>
    %shift_left3A_227 = arith.shli %convert_element_type3A_224, %shift_left3A_226 : vector<1024x16xi32>
    %or3A_228 = arith.ori %convert_element_type3A_220, %shift_left3A_227 : vector<1024x16xi32>
    %slice3A_229 = vector.extract_strided_slice %mul3A_192 {offsets = [0, 96], sizes = [1024, 16], strides = [1, 1]} : vector<1024x128xf32> to vector<1024x16xf32>
    %convert_element_type3A_230 = arith.truncf %slice3A_229 : vector<1024x16xf32> to vector<1024x16xbf16>
    %bitcast_convert_type3A_231 = tpu.bitcast %convert_element_type3A_230 : vector<1024x16xbf16> -> vector<1024x16xi16>
    %convert_element_type3A_232 = arith.extui %bitcast_convert_type3A_231 : vector<1024x16xi16> to vector<1024x16xi32>
    %slice3A_233 = vector.extract_strided_slice %mul3A_192 {offsets = [0, 112], sizes = [1024, 16], strides = [1, 1]} : vector<1024x128xf32> to vector<1024x16xf32>
    %convert_element_type3A_234 = arith.truncf %slice3A_233 : vector<1024x16xf32> to vector<1024x16xbf16>
    %bitcast_convert_type3A_235 = tpu.bitcast %convert_element_type3A_234 : vector<1024x16xbf16> -> vector<1024x16xi16>
    %convert_element_type3A_236 = arith.extui %bitcast_convert_type3A_235 : vector<1024x16xi16> to vector<1024x16xi32>
    %shift_left3A_237 = arith.constant 16 : i32
    %shift_left3A_238 = vector.broadcast %shift_left3A_237 : i32 to vector<1024x16xi32>
    %shift_left3A_239 = arith.shli %convert_element_type3A_236, %shift_left3A_238 : vector<1024x16xi32>
    %or3A_240 = arith.ori %convert_element_type3A_232, %shift_left3A_239 : vector<1024x16xi32>
    %concatenate3A_241 = tpu.concatenate %or3A_204, %or3A_216, %or3A_228, %or3A_240 in 1 : vector<1024x16xi32>, vector<1024x16xi32>, vector<1024x16xi32>, vector<1024x16xi32> -> vector<1024x64xi32>
    %swap3A_242 = arith.constant 0 : index
    %swap3A_243 = arith.constant 128 : index
    %swap3A_244 = vector.load %arg5[%swap3A_242, %swap3A_243] : memref<1024x640xi32, #tpu.memory_space<vmem>>, vector<1024x64xi32>
    tpu.vector_store %arg5[%swap3A_242, %swap3A_243], %concatenate3A_241 {strides = array<i32>} : memref<1024x640xi32, #tpu.memory_space<vmem>>, vector<1024x64xi32>,
    %mul3A_245 = vector.broadcast %get3A_184 : vector<1024x1xf32> to vector<1024x128xf32>
    %mul3A_246 = arith.mulf %mul3A_245, %slice3A_177 : vector<1024x128xf32>
    %mul3A_247 = vector.broadcast %get3A_181 : vector<1024x1xf32> to vector<1024x128xf32>
    %mul3A_248 = arith.mulf %mul3A_247, %slice3A_178 : vector<1024x128xf32>
    %sub3A_249 = arith.subf %mul3A_246, %mul3A_248 : vector<1024x128xf32>
    %mul3A_250 = arith.constant 2.000000e+00 : f32
    %mul3A_251 = vector.broadcast %mul3A_250 : f32 to vector<1024x128xf32>
    %mul3A_252 = arith.mulf %mul3A_251, %sub3A_249 : vector<1024x128xf32>
    %slice3A_253 = vector.extract_strided_slice %mul3A_252 {offsets = [0, 0], sizes = [1024, 16], strides = [1, 1]} : vector<1024x128xf32> to vector<1024x16xf32>
    %convert_element_type3A_254 = arith.truncf %slice3A_253 : vector<1024x16xf32> to vector<1024x16xbf16>
    %bitcast_convert_type3A_255 = tpu.bitcast %convert_element_type3A_254 : vector<1024x16xbf16> -> vector<1024x16xi16>
    %convert_element_type3A_256 = arith.extui %bitcast_convert_type3A_255 : vector<1024x16xi16> to vector<1024x16xi32>
    %slice3A_257 = vector.extract_strided_slice %mul3A_252 {offsets = [0, 16], sizes = [1024, 16], strides = [1, 1]} : vector<1024x128xf32> to vector<1024x16xf32>
    %convert_element_type3A_258 = arith.truncf %slice3A_257 : vector<1024x16xf32> to vector<1024x16xbf16>
    %bitcast_convert_type3A_259 = tpu.bitcast %convert_element_type3A_258 : vector<1024x16xbf16> -> vector<1024x16xi16>
    %convert_element_type3A_260 = arith.extui %bitcast_convert_type3A_259 : vector<1024x16xi16> to vector<1024x16xi32>
    %shift_left3A_261 = arith.constant 16 : i32
    %shift_left3A_262 = vector.broadcast %shift_left3A_261 : i32 to vector<1024x16xi32>
    %shift_left3A_263 = arith.shli %convert_element_type3A_260, %shift_left3A_262 : vector<1024x16xi32>
    %or3A_264 = arith.ori %convert_element_type3A_256, %shift_left3A_263 : vector<1024x16xi32>
    %slice3A_265 = vector.extract_strided_slice %mul3A_252 {offsets = [0, 32], sizes = [1024, 16], strides = [1, 1]} : vector<1024x128xf32> to vector<1024x16xf32>
    %convert_element_type3A_266 = arith.truncf %slice3A_265 : vector<1024x16xf32> to vector<1024x16xbf16>
    %bitcast_convert_type3A_267 = tpu.bitcast %convert_element_type3A_266 : vector<1024x16xbf16> -> vector<1024x16xi16>
    %convert_element_type3A_268 = arith.extui %bitcast_convert_type3A_267 : vector<1024x16xi16> to vector<1024x16xi32>
    %slice3A_269 = vector.extract_strided_slice %mul3A_252 {offsets = [0, 48], sizes = [1024, 16], strides = [1, 1]} : vector<1024x128xf32> to vector<1024x16xf32>
    %convert_element_type3A_270 = arith.truncf %slice3A_269 : vector<1024x16xf32> to vector<1024x16xbf16>
    %bitcast_convert_type3A_271 = tpu.bitcast %convert_element_type3A_270 : vector<1024x16xbf16> -> vector<1024x16xi16>
    %convert_element_type3A_272 = arith.extui %bitcast_convert_type3A_271 : vector<1024x16xi16> to vector<1024x16xi32>
    %shift_left3A_273 = arith.constant 16 : i32
    %shift_left3A_274 = vector.broadcast %shift_left3A_273 : i32 to vector<1024x16xi32>
    %shift_left3A_275 = arith.shli %convert_element_type3A_272, %shift_left3A_274 : vector<1024x16xi32>
    %or3A_276 = arith.ori %convert_element_type3A_268, %shift_left3A_275 : vector<1024x16xi32>
    %slice3A_277 = vector.extract_strided_slice %mul3A_252 {offsets = [0, 64], sizes = [1024, 16], strides = [1, 1]} : vector<1024x128xf32> to vector<1024x16xf32>
    %convert_element_type3A_278 = arith.truncf %slice3A_277 : vector<1024x16xf32> to vector<1024x16xbf16>
    %bitcast_convert_type3A_279 = tpu.bitcast %convert_element_type3A_278 : vector<1024x16xbf16> -> vector<1024x16xi16>
    %convert_element_type3A_280 = arith.extui %bitcast_convert_type3A_279 : vector<1024x16xi16> to vector<1024x16xi32>
    %slice3A_281 = vector.extract_strided_slice %mul3A_252 {offsets = [0, 80], sizes = [1024, 16], strides = [1, 1]} : vector<1024x128xf32> to vector<1024x16xf32>
    %convert_element_type3A_282 = arith.truncf %slice3A_281 : vector<1024x16xf32> to vector<1024x16xbf16>
    %bitcast_convert_type3A_283 = tpu.bitcast %convert_element_type3A_282 : vector<1024x16xbf16> -> vector<1024x16xi16>
    %convert_element_type3A_284 = arith.extui %bitcast_convert_type3A_283 : vector<1024x16xi16> to vector<1024x16xi32>
    %shift_left3A_285 = arith.constant 16 : i32
    %shift_left3A_286 = vector.broadcast %shift_left3A_285 : i32 to vector<1024x16xi32>
    %shift_left3A_287 = arith.shli %convert_element_type3A_284, %shift_left3A_286 : vector<1024x16xi32>
    %or3A_288 = arith.ori %convert_element_type3A_280, %shift_left3A_287 : vector<1024x16xi32>
    %slice3A_289 = vector.extract_strided_slice %mul3A_252 {offsets = [0, 96], sizes = [1024, 16], strides = [1, 1]} : vector<1024x128xf32> to vector<1024x16xf32>
    %convert_element_type3A_290 = arith.truncf %slice3A_289 : vector<1024x16xf32> to vector<1024x16xbf16>
    %bitcast_convert_type3A_291 = tpu.bitcast %convert_element_type3A_290 : vector<1024x16xbf16> -> vector<1024x16xi16>
    %convert_element_type3A_292 = arith.extui %bitcast_convert_type3A_291 : vector<1024x16xi16> to vector<1024x16xi32>
    %slice3A_293 = vector.extract_strided_slice %mul3A_252 {offsets = [0, 112], sizes = [1024, 16], strides = [1, 1]} : vector<1024x128xf32> to vector<1024x16xf32>
    %convert_element_type3A_294 = arith.truncf %slice3A_293 : vector<1024x16xf32> to vector<1024x16xbf16>
    %bitcast_convert_type3A_295 = tpu.bitcast %convert_element_type3A_294 : vector<1024x16xbf16> -> vector<1024x16xi16>
    %convert_element_type3A_296 = arith.extui %bitcast_convert_type3A_295 : vector<1024x16xi16> to vector<1024x16xi32>
    %shift_left3A_297 = arith.constant 16 : i32
    %shift_left3A_298 = vector.broadcast %shift_left3A_297 : i32 to vector<1024x16xi32>
    %shift_left3A_299 = arith.shli %convert_element_type3A_296, %shift_left3A_298 : vector<1024x16xi32>
    %or3A_300 = arith.ori %convert_element_type3A_292, %shift_left3A_299 : vector<1024x16xi32>
    %concatenate3A_301 = tpu.concatenate %or3A_264, %or3A_276, %or3A_288, %or3A_300 in 1 : vector<1024x16xi32>, vector<1024x16xi32>, vector<1024x16xi32>, vector<1024x16xi32> -> vector<1024x64xi32>
    %swap3A_302 = arith.constant 0 : index
    %swap3A_303 = arith.constant 384 : index
    %swap3A_304 = vector.load %arg5[%swap3A_302, %swap3A_303] : memref<1024x640xi32, #tpu.memory_space<vmem>>, vector<1024x64xi32>
    tpu.vector_store %arg5[%swap3A_302, %swap3A_303], %concatenate3A_301 {strides = array<i32>} : memref<1024x640xi32, #tpu.memory_space<vmem>>, vector<1024x64xi32>,
    %slice3A_305 = vector.extract_strided_slice %dot_general3A_5 {offsets = [0, 384], sizes = [1024, 128], strides = [1, 1]} : vector<1024x1152xf32> to vector<1024x128xf32>
    %slice3A_306 = vector.extract_strided_slice %dot_general3A_5 {offsets = [0, 896], sizes = [1024, 128], strides = [1, 1]} : vector<1024x1152xf32> to vector<1024x128xf32>
    %get3A_307 = arith.constant 0 : index
    %get3A_308 = arith.constant 2 : index
    %get3A_309 = vector.load %arg3[%get3A_307, %get3A_308] : memref<1024x4xf32, #tpu.memory_space<vmem>>, vector<1024x1xf32>
    %get3A_310 = arith.constant 0 : index
    %get3A_311 = arith.constant 2 : index
    %get3A_312 = vector.load %arg4[%get3A_310, %get3A_311] : memref<1024x4xf32, #tpu.memory_space<vmem>>, vector<1024x1xf32>
    %mul3A_313 = vector.broadcast %get3A_309 : vector<1024x1xf32> to vector<1024x128xf32>
    %mul3A_314 = arith.mulf %mul3A_313, %slice3A_305 : vector<1024x128xf32>
    %mul3A_315 = vector.broadcast %get3A_312 : vector<1024x1xf32> to vector<1024x128xf32>
    %mul3A_316 = arith.mulf %mul3A_315, %slice3A_306 : vector<1024x128xf32>
    %add3A_317 = arith.addf %mul3A_314, %mul3A_316 : vector<1024x128xf32>
    %mul3A_318 = arith.constant 2.000000e+00 : f32
    %mul3A_319 = vector.broadcast %mul3A_318 : f32 to vector<1024x128xf32>
    %mul3A_320 = arith.mulf %mul3A_319, %add3A_317 : vector<1024x128xf32>
    %slice3A_321 = vector.extract_strided_slice %mul3A_320 {offsets = [0, 0], sizes = [1024, 16], strides = [1, 1]} : vector<1024x128xf32> to vector<1024x16xf32>
    %convert_element_type3A_322 = arith.truncf %slice3A_321 : vector<1024x16xf32> to vector<1024x16xbf16>
    %bitcast_convert_type3A_323 = tpu.bitcast %convert_element_type3A_322 : vector<1024x16xbf16> -> vector<1024x16xi16>
    %convert_element_type3A_324 = arith.extui %bitcast_convert_type3A_323 : vector<1024x16xi16> to vector<1024x16xi32>
    %slice3A_325 = vector.extract_strided_slice %mul3A_320 {offsets = [0, 16], sizes = [1024, 16], strides = [1, 1]} : vector<1024x128xf32> to vector<1024x16xf32>
    %convert_element_type3A_326 = arith.truncf %slice3A_325 : vector<1024x16xf32> to vector<1024x16xbf16>
    %bitcast_convert_type3A_327 = tpu.bitcast %convert_element_type3A_326 : vector<1024x16xbf16> -> vector<1024x16xi16>
    %convert_element_type3A_328 = arith.extui %bitcast_convert_type3A_327 : vector<1024x16xi16> to vector<1024x16xi32>
    %shift_left3A_329 = arith.constant 16 : i32
    %shift_left3A_330 = vector.broadcast %shift_left3A_329 : i32 to vector<1024x16xi32>
    %shift_left3A_331 = arith.shli %convert_element_type3A_328, %shift_left3A_330 : vector<1024x16xi32>
    %or3A_332 = arith.ori %convert_element_type3A_324, %shift_left3A_331 : vector<1024x16xi32>
    %slice3A_333 = vector.extract_strided_slice %mul3A_320 {offsets = [0, 32], sizes = [1024, 16], strides = [1, 1]} : vector<1024x128xf32> to vector<1024x16xf32>
    %convert_element_type3A_334 = arith.truncf %slice3A_333 : vector<1024x16xf32> to vector<1024x16xbf16>
    %bitcast_convert_type3A_335 = tpu.bitcast %convert_element_type3A_334 : vector<1024x16xbf16> -> vector<1024x16xi16>
    %convert_element_type3A_336 = arith.extui %bitcast_convert_type3A_335 : vector<1024x16xi16> to vector<1024x16xi32>
    %slice3A_337 = vector.extract_strided_slice %mul3A_320 {offsets = [0, 48], sizes = [1024, 16], strides = [1, 1]} : vector<1024x128xf32> to vector<1024x16xf32>
    %convert_element_type3A_338 = arith.truncf %slice3A_337 : vector<1024x16xf32> to vector<1024x16xbf16>
    %bitcast_convert_type3A_339 = tpu.bitcast %convert_element_type3A_338 : vector<1024x16xbf16> -> vector<1024x16xi16>
    %convert_element_type3A_340 = arith.extui %bitcast_convert_type3A_339 : vector<1024x16xi16> to vector<1024x16xi32>
    %shift_left3A_341 = arith.constant 16 : i32
    %shift_left3A_342 = vector.broadcast %shift_left3A_341 : i32 to vector<1024x16xi32>
    %shift_left3A_343 = arith.shli %convert_element_type3A_340, %shift_left3A_342 : vector<1024x16xi32>
    %or3A_344 = arith.ori %convert_element_type3A_336, %shift_left3A_343 : vector<1024x16xi32>
    %slice3A_345 = vector.extract_strided_slice %mul3A_320 {offsets = [0, 64], sizes = [1024, 16], strides = [1, 1]} : vector<1024x128xf32> to vector<1024x16xf32>
    %convert_element_type3A_346 = arith.truncf %slice3A_345 : vector<1024x16xf32> to vector<1024x16xbf16>
    %bitcast_convert_type3A_347 = tpu.bitcast %convert_element_type3A_346 : vector<1024x16xbf16> -> vector<1024x16xi16>
    %convert_element_type3A_348 = arith.extui %bitcast_convert_type3A_347 : vector<1024x16xi16> to vector<1024x16xi32>
    %slice3A_349 = vector.extract_strided_slice %mul3A_320 {offsets = [0, 80], sizes = [1024, 16], strides = [1, 1]} : vector<1024x128xf32> to vector<1024x16xf32>
    %convert_element_type3A_350 = arith.truncf %slice3A_349 : vector<1024x16xf32> to vector<1024x16xbf16>
    %bitcast_convert_type3A_351 = tpu.bitcast %convert_element_type3A_350 : vector<1024x16xbf16> -> vector<1024x16xi16>
    %convert_element_type3A_352 = arith.extui %bitcast_convert_type3A_351 : vector<1024x16xi16> to vector<1024x16xi32>
    %shift_left3A_353 = arith.constant 16 : i32
    %shift_left3A_354 = vector.broadcast %shift_left3A_353 : i32 to vector<1024x16xi32>
    %shift_left3A_355 = arith.shli %convert_element_type3A_352, %shift_left3A_354 : vector<1024x16xi32>
    %or3A_356 = arith.ori %convert_element_type3A_348, %shift_left3A_355 : vector<1024x16xi32>
    %slice3A_357 = vector.extract_strided_slice %mul3A_320 {offsets = [0, 96], sizes = [1024, 16], strides = [1, 1]} : vector<1024x128xf32> to vector<1024x16xf32>
    %convert_element_type3A_358 = arith.truncf %slice3A_357 : vector<1024x16xf32> to vector<1024x16xbf16>
    %bitcast_convert_type3A_359 = tpu.bitcast %convert_element_type3A_358 : vector<1024x16xbf16> -> vector<1024x16xi16>
    %convert_element_type3A_360 = arith.extui %bitcast_convert_type3A_359 : vector<1024x16xi16> to vector<1024x16xi32>
    %slice3A_361 = vector.extract_strided_slice %mul3A_320 {offsets = [0, 112], sizes = [1024, 16], strides = [1, 1]} : vector<1024x128xf32> to vector<1024x16xf32>
    %convert_element_type3A_362 = arith.truncf %slice3A_361 : vector<1024x16xf32> to vector<1024x16xbf16>
    %bitcast_convert_type3A_363 = tpu.bitcast %convert_element_type3A_362 : vector<1024x16xbf16> -> vector<1024x16xi16>
    %convert_element_type3A_364 = arith.extui %bitcast_convert_type3A_363 : vector<1024x16xi16> to vector<1024x16xi32>
    %shift_left3A_365 = arith.constant 16 : i32
    %shift_left3A_366 = vector.broadcast %shift_left3A_365 : i32 to vector<1024x16xi32>
    %shift_left3A_367 = arith.shli %convert_element_type3A_364, %shift_left3A_366 : vector<1024x16xi32>
    %or3A_368 = arith.ori %convert_element_type3A_360, %shift_left3A_367 : vector<1024x16xi32>
    %concatenate3A_369 = tpu.concatenate %or3A_332, %or3A_344, %or3A_356, %or3A_368 in 1 : vector<1024x16xi32>, vector<1024x16xi32>, vector<1024x16xi32>, vector<1024x16xi32> -> vector<1024x64xi32>
    %swap3A_370 = arith.constant 0 : index
    %swap3A_371 = arith.constant 192 : index
    %swap3A_372 = vector.load %arg5[%swap3A_370, %swap3A_371] : memref<1024x640xi32, #tpu.memory_space<vmem>>, vector<1024x64xi32>
    tpu.vector_store %arg5[%swap3A_370, %swap3A_371], %concatenate3A_369 {strides = array<i32>} : memref<1024x640xi32, #tpu.memory_space<vmem>>, vector<1024x64xi32>,
    %mul3A_373 = vector.broadcast %get3A_312 : vector<1024x1xf32> to vector<1024x128xf32>
    %mul3A_374 = arith.mulf %mul3A_373, %slice3A_305 : vector<1024x128xf32>
    %mul3A_375 = vector.broadcast %get3A_309 : vector<1024x1xf32> to vector<1024x128xf32>
    %mul3A_376 = arith.mulf %mul3A_375, %slice3A_306 : vector<1024x128xf32>
    %sub3A_377 = arith.subf %mul3A_374, %mul3A_376 : vector<1024x128xf32>
    %mul3A_378 = arith.constant 2.000000e+00 : f32
    %mul3A_379 = vector.broadcast %mul3A_378 : f32 to vector<1024x128xf32>
    %mul3A_380 = arith.mulf %mul3A_379, %sub3A_377 : vector<1024x128xf32>
    %slice3A_381 = vector.extract_strided_slice %mul3A_380 {offsets = [0, 0], sizes = [1024, 16], strides = [1, 1]} : vector<1024x128xf32> to vector<1024x16xf32>
    %convert_element_type3A_382 = arith.truncf %slice3A_381 : vector<1024x16xf32> to vector<1024x16xbf16>
    %bitcast_convert_type3A_383 = tpu.bitcast %convert_element_type3A_382 : vector<1024x16xbf16> -> vector<1024x16xi16>
    %convert_element_type3A_384 = arith.extui %bitcast_convert_type3A_383 : vector<1024x16xi16> to vector<1024x16xi32>
    %slice3A_385 = vector.extract_strided_slice %mul3A_380 {offsets = [0, 16], sizes = [1024, 16], strides = [1, 1]} : vector<1024x128xf32> to vector<1024x16xf32>
    %convert_element_type3A_386 = arith.truncf %slice3A_385 : vector<1024x16xf32> to vector<1024x16xbf16>
    %bitcast_convert_type3A_387 = tpu.bitcast %convert_element_type3A_386 : vector<1024x16xbf16> -> vector<1024x16xi16>
    %convert_element_type3A_388 = arith.extui %bitcast_convert_type3A_387 : vector<1024x16xi16> to vector<1024x16xi32>
    %shift_left3A_389 = arith.constant 16 : i32
    %shift_left3A_390 = vector.broadcast %shift_left3A_389 : i32 to vector<1024x16xi32>
    %shift_left3A_391 = arith.shli %convert_element_type3A_388, %shift_left3A_390 : vector<1024x16xi32>
    %or3A_392 = arith.ori %convert_element_type3A_384, %shift_left3A_391 : vector<1024x16xi32>
    %slice3A_393 = vector.extract_strided_slice %mul3A_380 {offsets = [0, 32], sizes = [1024, 16], strides = [1, 1]} : vector<1024x128xf32> to vector<1024x16xf32>
    %convert_element_type3A_394 = arith.truncf %slice3A_393 : vector<1024x16xf32> to vector<1024x16xbf16>
    %bitcast_convert_type3A_395 = tpu.bitcast %convert_element_type3A_394 : vector<1024x16xbf16> -> vector<1024x16xi16>
    %convert_element_type3A_396 = arith.extui %bitcast_convert_type3A_395 : vector<1024x16xi16> to vector<1024x16xi32>
    %slice3A_397 = vector.extract_strided_slice %mul3A_380 {offsets = [0, 48], sizes = [1024, 16], strides = [1, 1]} : vector<1024x128xf32> to vector<1024x16xf32>
    %convert_element_type3A_398 = arith.truncf %slice3A_397 : vector<1024x16xf32> to vector<1024x16xbf16>
    %bitcast_convert_type3A_399 = tpu.bitcast %convert_element_type3A_398 : vector<1024x16xbf16> -> vector<1024x16xi16>
    %convert_element_type3A_400 = arith.extui %bitcast_convert_type3A_399 : vector<1024x16xi16> to vector<1024x16xi32>
    %shift_left3A_401 = arith.constant 16 : i32
    %shift_left3A_402 = vector.broadcast %shift_left3A_401 : i32 to vector<1024x16xi32>
    %shift_left3A_403 = arith.shli %convert_element_type3A_400, %shift_left3A_402 : vector<1024x16xi32>
    %or3A_404 = arith.ori %convert_element_type3A_396, %shift_left3A_403 : vector<1024x16xi32>
    %slice3A_405 = vector.extract_strided_slice %mul3A_380 {offsets = [0, 64], sizes = [1024, 16], strides = [1, 1]} : vector<1024x128xf32> to vector<1024x16xf32>
    %convert_element_type3A_406 = arith.truncf %slice3A_405 : vector<1024x16xf32> to vector<1024x16xbf16>
    %bitcast_convert_type3A_407 = tpu.bitcast %convert_element_type3A_406 : vector<1024x16xbf16> -> vector<1024x16xi16>
    %convert_element_type3A_408 = arith.extui %bitcast_convert_type3A_407 : vector<1024x16xi16> to vector<1024x16xi32>
    %slice3A_409 = vector.extract_strided_slice %mul3A_380 {offsets = [0, 80], sizes = [1024, 16], strides = [1, 1]} : vector<1024x128xf32> to vector<1024x16xf32>
    %convert_element_type3A_410 = arith.truncf %slice3A_409 : vector<1024x16xf32> to vector<1024x16xbf16>
    %bitcast_convert_type3A_411 = tpu.bitcast %convert_element_type3A_410 : vector<1024x16xbf16> -> vector<1024x16xi16>
    %convert_element_type3A_412 = arith.extui %bitcast_convert_type3A_411 : vector<1024x16xi16> to vector<1024x16xi32>
    %shift_left3A_413 = arith.constant 16 : i32
    %shift_left3A_414 = vector.broadcast %shift_left3A_413 : i32 to vector<1024x16xi32>
    %shift_left3A_415 = arith.shli %convert_element_type3A_412, %shift_left3A_414 : vector<1024x16xi32>
    %or3A_416 = arith.ori %convert_element_type3A_408, %shift_left3A_415 : vector<1024x16xi32>
    %slice3A_417 = vector.extract_strided_slice %mul3A_380 {offsets = [0, 96], sizes = [1024, 16], strides = [1, 1]} : vector<1024x128xf32> to vector<1024x16xf32>
    %convert_element_type3A_418 = arith.truncf %slice3A_417 : vector<1024x16xf32> to vector<1024x16xbf16>
    %bitcast_convert_type3A_419 = tpu.bitcast %convert_element_type3A_418 : vector<1024x16xbf16> -> vector<1024x16xi16>
    %convert_element_type3A_420 = arith.extui %bitcast_convert_type3A_419 : vector<1024x16xi16> to vector<1024x16xi32>
    %slice3A_421 = vector.extract_strided_slice %mul3A_380 {offsets = [0, 112], sizes = [1024, 16], strides = [1, 1]} : vector<1024x128xf32> to vector<1024x16xf32>
    %convert_element_type3A_422 = arith.truncf %slice3A_421 : vector<1024x16xf32> to vector<1024x16xbf16>
    %bitcast_convert_type3A_423 = tpu.bitcast %convert_element_type3A_422 : vector<1024x16xbf16> -> vector<1024x16xi16>
    %convert_element_type3A_424 = arith.extui %bitcast_convert_type3A_423 : vector<1024x16xi16> to vector<1024x16xi32>
    %shift_left3A_425 = arith.constant 16 : i32
    %shift_left3A_426 = vector.broadcast %shift_left3A_425 : i32 to vector<1024x16xi32>
    %shift_left3A_427 = arith.shli %convert_element_type3A_424, %shift_left3A_426 : vector<1024x16xi32>
    %or3A_428 = arith.ori %convert_element_type3A_420, %shift_left3A_427 : vector<1024x16xi32>
    %concatenate3A_429 = tpu.concatenate %or3A_392, %or3A_404, %or3A_416, %or3A_428 in 1 : vector<1024x16xi32>, vector<1024x16xi32>, vector<1024x16xi32>, vector<1024x16xi32> -> vector<1024x64xi32>
    %swap3A_430 = arith.constant 0 : index
    %swap3A_431 = arith.constant 448 : index
    %swap3A_432 = vector.load %arg5[%swap3A_430, %swap3A_431] : memref<1024x640xi32, #tpu.memory_space<vmem>>, vector<1024x64xi32>
    tpu.vector_store %arg5[%swap3A_430, %swap3A_431], %concatenate3A_429 {strides = array<i32>} : memref<1024x640xi32, #tpu.memory_space<vmem>>, vector<1024x64xi32>,
    %slice3A_433 = vector.extract_strided_slice %dot_general3A_5 {offsets = [0, 512], sizes = [1024, 128], strides = [1, 1]} : vector<1024x1152xf32> to vector<1024x128xf32>
    %slice3A_434 = vector.extract_strided_slice %dot_general3A_5 {offsets = [0, 1024], sizes = [1024, 128], strides = [1, 1]} : vector<1024x1152xf32> to vector<1024x128xf32>
    %get3A_435 = arith.constant 0 : index
    %get3A_436 = arith.constant 3 : index
    %get3A_437 = vector.load %arg3[%get3A_435, %get3A_436] : memref<1024x4xf32, #tpu.memory_space<vmem>>, vector<1024x1xf32>
    %get3A_438 = arith.constant 0 : index
    %get3A_439 = arith.constant 3 : index
    %get3A_440 = vector.load %arg4[%get3A_438, %get3A_439] : memref<1024x4xf32, #tpu.memory_space<vmem>>, vector<1024x1xf32>
    %mul3A_441 = vector.broadcast %get3A_437 : vector<1024x1xf32> to vector<1024x128xf32>
    %mul3A_442 = arith.mulf %mul3A_441, %slice3A_433 : vector<1024x128xf32>
    %mul3A_443 = vector.broadcast %get3A_440 : vector<1024x1xf32> to vector<1024x128xf32>
    %mul3A_444 = arith.mulf %mul3A_443, %slice3A_434 : vector<1024x128xf32>
    %add3A_445 = arith.addf %mul3A_442, %mul3A_444 : vector<1024x128xf32>
    %mul3A_446 = arith.constant 2.000000e+00 : f32
    %mul3A_447 = vector.broadcast %mul3A_446 : f32 to vector<1024x128xf32>
    %mul3A_448 = arith.mulf %mul3A_447, %add3A_445 : vector<1024x128xf32>
    %slice3A_449 = vector.extract_strided_slice %mul3A_448 {offsets = [0, 0], sizes = [1024, 16], strides = [1, 1]} : vector<1024x128xf32> to vector<1024x16xf32>
    %convert_element_type3A_450 = arith.truncf %slice3A_449 : vector<1024x16xf32> to vector<1024x16xbf16>
    %bitcast_convert_type3A_451 = tpu.bitcast %convert_element_type3A_450 : vector<1024x16xbf16> -> vector<1024x16xi16>
    %convert_element_type3A_452 = arith.extui %bitcast_convert_type3A_451 : vector<1024x16xi16> to vector<1024x16xi32>
    %slice3A_453 = vector.extract_strided_slice %mul3A_448 {offsets = [0, 16], sizes = [1024, 16], strides = [1, 1]} : vector<1024x128xf32> to vector<1024x16xf32>
    %convert_element_type3A_454 = arith.truncf %slice3A_453 : vector<1024x16xf32> to vector<1024x16xbf16>
    %bitcast_convert_type3A_455 = tpu.bitcast %convert_element_type3A_454 : vector<1024x16xbf16> -> vector<1024x16xi16>
    %convert_element_type3A_456 = arith.extui %bitcast_convert_type3A_455 : vector<1024x16xi16> to vector<1024x16xi32>
    %shift_left3A_457 = arith.constant 16 : i32
    %shift_left3A_458 = vector.broadcast %shift_left3A_457 : i32 to vector<1024x16xi32>
    %shift_left3A_459 = arith.shli %convert_element_type3A_456, %shift_left3A_458 : vector<1024x16xi32>
    %or3A_460 = arith.ori %convert_element_type3A_452, %shift_left3A_459 : vector<1024x16xi32>
    %slice3A_461 = vector.extract_strided_slice %mul3A_448 {offsets = [0, 32], sizes = [1024, 16], strides = [1, 1]} : vector<1024x128xf32> to vector<1024x16xf32>
    %convert_element_type3A_462 = arith.truncf %slice3A_461 : vector<1024x16xf32> to vector<1024x16xbf16>
    %bitcast_convert_type3A_463 = tpu.bitcast %convert_element_type3A_462 : vector<1024x16xbf16> -> vector<1024x16xi16>
    %convert_element_type3A_464 = arith.extui %bitcast_convert_type3A_463 : vector<1024x16xi16> to vector<1024x16xi32>
    %slice3A_465 = vector.extract_strided_slice %mul3A_448 {offsets = [0, 48], sizes = [1024, 16], strides = [1, 1]} : vector<1024x128xf32> to vector<1024x16xf32>
    %convert_element_type3A_466 = arith.truncf %slice3A_465 : vector<1024x16xf32> to vector<1024x16xbf16>
    %bitcast_convert_type3A_467 = tpu.bitcast %convert_element_type3A_466 : vector<1024x16xbf16> -> vector<1024x16xi16>
    %convert_element_type3A_468 = arith.extui %bitcast_convert_type3A_467 : vector<1024x16xi16> to vector<1024x16xi32>
    %shift_left3A_469 = arith.constant 16 : i32
    %shift_left3A_470 = vector.broadcast %shift_left3A_469 : i32 to vector<1024x16xi32>
    %shift_left3A_471 = arith.shli %convert_element_type3A_468, %shift_left3A_470 : vector<1024x16xi32>
    %or3A_472 = arith.ori %convert_element_type3A_464, %shift_left3A_471 : vector<1024x16xi32>
    %slice3A_473 = vector.extract_strided_slice %mul3A_448 {offsets = [0, 64], sizes = [1024, 16], strides = [1, 1]} : vector<1024x128xf32> to vector<1024x16xf32>
    %convert_element_type3A_474 = arith.truncf %slice3A_473 : vector<1024x16xf32> to vector<1024x16xbf16>
    %bitcast_convert_type3A_475 = tpu.bitcast %convert_element_type3A_474 : vector<1024x16xbf16> -> vector<1024x16xi16>
    %convert_element_type3A_476 = arith.extui %bitcast_convert_type3A_475 : vector<1024x16xi16> to vector<1024x16xi32>
    %slice3A_477 = vector.extract_strided_slice %mul3A_448 {offsets = [0, 80], sizes = [1024, 16], strides = [1, 1]} : vector<1024x128xf32> to vector<1024x16xf32>
    %convert_element_type3A_478 = arith.truncf %slice3A_477 : vector<1024x16xf32> to vector<1024x16xbf16>
    %bitcast_convert_type3A_479 = tpu.bitcast %convert_element_type3A_478 : vector<1024x16xbf16> -> vector<1024x16xi16>
    %convert_element_type3A_480 = arith.extui %bitcast_convert_type3A_479 : vector<1024x16xi16> to vector<1024x16xi32>
    %shift_left3A_481 = arith.constant 16 : i32
    %shift_left3A_482 = vector.broadcast %shift_left3A_481 : i32 to vector<1024x16xi32>
    %shift_left3A_483 = arith.shli %convert_element_type3A_480, %shift_left3A_482 : vector<1024x16xi32>
    %or3A_484 = arith.ori %convert_element_type3A_476, %shift_left3A_483 : vector<1024x16xi32>
    %slice3A_485 = vector.extract_strided_slice %mul3A_448 {offsets = [0, 96], sizes = [1024, 16], strides = [1, 1]} : vector<1024x128xf32> to vector<1024x16xf32>
    %convert_element_type3A_486 = arith.truncf %slice3A_485 : vector<1024x16xf32> to vector<1024x16xbf16>
    %bitcast_convert_type3A_487 = tpu.bitcast %convert_element_type3A_486 : vector<1024x16xbf16> -> vector<1024x16xi16>
    %convert_element_type3A_488 = arith.extui %bitcast_convert_type3A_487 : vector<1024x16xi16> to vector<1024x16xi32>
    %slice3A_489 = vector.extract_strided_slice %mul3A_448 {offsets = [0, 112], sizes = [1024, 16], strides = [1, 1]} : vector<1024x128xf32> to vector<1024x16xf32>
    %convert_element_type3A_490 = arith.truncf %slice3A_489 : vector<1024x16xf32> to vector<1024x16xbf16>
    %bitcast_convert_type3A_491 = tpu.bitcast %convert_element_type3A_490 : vector<1024x16xbf16> -> vector<1024x16xi16>
    %convert_element_type3A_492 = arith.extui %bitcast_convert_type3A_491 : vector<1024x16xi16> to vector<1024x16xi32>
    %shift_left3A_493 = arith.constant 16 : i32
    %shift_left3A_494 = vector.broadcast %shift_left3A_493 : i32 to vector<1024x16xi32>
    %shift_left3A_495 = arith.shli %convert_element_type3A_492, %shift_left3A_494 : vector<1024x16xi32>
    %or3A_496 = arith.ori %convert_element_type3A_488, %shift_left3A_495 : vector<1024x16xi32>
    %concatenate3A_497 = tpu.concatenate %or3A_460, %or3A_472, %or3A_484, %or3A_496 in 1 : vector<1024x16xi32>, vector<1024x16xi32>, vector<1024x16xi32>, vector<1024x16xi32> -> vector<1024x64xi32>
    %swap3A_498 = arith.constant 0 : index
    %swap3A_499 = arith.constant 256 : index
    %swap3A_500 = vector.load %arg5[%swap3A_498, %swap3A_499] : memref<1024x640xi32, #tpu.memory_space<vmem>>, vector<1024x64xi32>
    tpu.vector_store %arg5[%swap3A_498, %swap3A_499], %concatenate3A_497 {strides = array<i32>} : memref<1024x640xi32, #tpu.memory_space<vmem>>, vector<1024x64xi32>,
    %mul3A_501 = vector.broadcast %get3A_440 : vector<1024x1xf32> to vector<1024x128xf32>
    %mul3A_502 = arith.mulf %mul3A_501, %slice3A_433 : vector<1024x128xf32>
    %mul3A_503 = vector.broadcast %get3A_437 : vector<1024x1xf32> to vector<1024x128xf32>
    %mul3A_504 = arith.mulf %mul3A_503, %slice3A_434 : vector<1024x128xf32>
    %sub3A_505 = arith.subf %mul3A_502, %mul3A_504 : vector<1024x128xf32>
    %mul3A_506 = arith.constant 2.000000e+00 : f32
    %mul3A_507 = vector.broadcast %mul3A_506 : f32 to vector<1024x128xf32>
    %mul3A_508 = arith.mulf %mul3A_507, %sub3A_505 : vector<1024x128xf32>
    %slice3A_509 = vector.extract_strided_slice %mul3A_508 {offsets = [0, 0], sizes = [1024, 16], strides = [1, 1]} : vector<1024x128xf32> to vector<1024x16xf32>
    %convert_element_type3A_510 = arith.truncf %slice3A_509 : vector<1024x16xf32> to vector<1024x16xbf16>
    %bitcast_convert_type3A_511 = tpu.bitcast %convert_element_type3A_510 : vector<1024x16xbf16> -> vector<1024x16xi16>
    %convert_element_type3A_512 = arith.extui %bitcast_convert_type3A_511 : vector<1024x16xi16> to vector<1024x16xi32>
    %slice3A_513 = vector.extract_strided_slice %mul3A_508 {offsets = [0, 16], sizes = [1024, 16], strides = [1, 1]} : vector<1024x128xf32> to vector<1024x16xf32>
    %convert_element_type3A_514 = arith.truncf %slice3A_513 : vector<1024x16xf32> to vector<1024x16xbf16>
    %bitcast_convert_type3A_515 = tpu.bitcast %convert_element_type3A_514 : vector<1024x16xbf16> -> vector<1024x16xi16>
    %convert_element_type3A_516 = arith.extui %bitcast_convert_type3A_515 : vector<1024x16xi16> to vector<1024x16xi32>
    %shift_left3A_517 = arith.constant 16 : i32
    %shift_left3A_518 = vector.broadcast %shift_left3A_517 : i32 to vector<1024x16xi32>
    %shift_left3A_519 = arith.shli %convert_element_type3A_516, %shift_left3A_518 : vector<1024x16xi32>
    %or3A_520 = arith.ori %convert_element_type3A_512, %shift_left3A_519 : vector<1024x16xi32>
    %slice3A_521 = vector.extract_strided_slice %mul3A_508 {offsets = [0, 32], sizes = [1024, 16], strides = [1, 1]} : vector<1024x128xf32> to vector<1024x16xf32>
    %convert_element_type3A_522 = arith.truncf %slice3A_521 : vector<1024x16xf32> to vector<1024x16xbf16>
    %bitcast_convert_type3A_523 = tpu.bitcast %convert_element_type3A_522 : vector<1024x16xbf16> -> vector<1024x16xi16>
    %convert_element_type3A_524 = arith.extui %bitcast_convert_type3A_523 : vector<1024x16xi16> to vector<1024x16xi32>
    %slice3A_525 = vector.extract_strided_slice %mul3A_508 {offsets = [0, 48], sizes = [1024, 16], strides = [1, 1]} : vector<1024x128xf32> to vector<1024x16xf32>
    %convert_element_type3A_526 = arith.truncf %slice3A_525 : vector<1024x16xf32> to vector<1024x16xbf16>
    %bitcast_convert_type3A_527 = tpu.bitcast %convert_element_type3A_526 : vector<1024x16xbf16> -> vector<1024x16xi16>
    %convert_element_type3A_528 = arith.extui %bitcast_convert_type3A_527 : vector<1024x16xi16> to vector<1024x16xi32>
    %shift_left3A_529 = arith.constant 16 : i32
    %shift_left3A_530 = vector.broadcast %shift_left3A_529 : i32 to vector<1024x16xi32>
    %shift_left3A_531 = arith.shli %convert_element_type3A_528, %shift_left3A_530 : vector<1024x16xi32>
    %or3A_532 = arith.ori %convert_element_type3A_524, %shift_left3A_531 : vector<1024x16xi32>
    %slice3A_533 = vector.extract_strided_slice %mul3A_508 {offsets = [0, 64], sizes = [1024, 16], strides = [1, 1]} : vector<1024x128xf32> to vector<1024x16xf32>
    %convert_element_type3A_534 = arith.truncf %slice3A_533 : vector<1024x16xf32> to vector<1024x16xbf16>
    %bitcast_convert_type3A_535 = tpu.bitcast %convert_element_type3A_534 : vector<1024x16xbf16> -> vector<1024x16xi16>
    %convert_element_type3A_536 = arith.extui %bitcast_convert_type3A_535 : vector<1024x16xi16> to vector<1024x16xi32>
    %slice3A_537 = vector.extract_strided_slice %mul3A_508 {offsets = [0, 80], sizes = [1024, 16], strides = [1, 1]} : vector<1024x128xf32> to vector<1024x16xf32>
    %convert_element_type3A_538 = arith.truncf %slice3A_537 : vector<1024x16xf32> to vector<1024x16xbf16>
    %bitcast_convert_type3A_539 = tpu.bitcast %convert_element_type3A_538 : vector<1024x16xbf16> -> vector<1024x16xi16>
    %convert_element_type3A_540 = arith.extui %bitcast_convert_type3A_539 : vector<1024x16xi16> to vector<1024x16xi32>
    %shift_left3A_541 = arith.constant 16 : i32
    %shift_left3A_542 = vector.broadcast %shift_left3A_541 : i32 to vector<1024x16xi32>
    %shift_left3A_543 = arith.shli %convert_element_type3A_540, %shift_left3A_542 : vector<1024x16xi32>
    %or3A_544 = arith.ori %convert_element_type3A_536, %shift_left3A_543 : vector<1024x16xi32>
    %slice3A_545 = vector.extract_strided_slice %mul3A_508 {offsets = [0, 96], sizes = [1024, 16], strides = [1, 1]} : vector<1024x128xf32> to vector<1024x16xf32>
    %convert_element_type3A_546 = arith.truncf %slice3A_545 : vector<1024x16xf32> to vector<1024x16xbf16>
    %bitcast_convert_type3A_547 = tpu.bitcast %convert_element_type3A_546 : vector<1024x16xbf16> -> vector<1024x16xi16>
    %convert_element_type3A_548 = arith.extui %bitcast_convert_type3A_547 : vector<1024x16xi16> to vector<1024x16xi32>
    %slice3A_549 = vector.extract_strided_slice %mul3A_508 {offsets = [0, 112], sizes = [1024, 16], strides = [1, 1]} : vector<1024x128xf32> to vector<1024x16xf32>
    %convert_element_type3A_550 = arith.truncf %slice3A_549 : vector<1024x16xf32> to vector<1024x16xbf16>
    %bitcast_convert_type3A_551 = tpu.bitcast %convert_element_type3A_550 : vector<1024x16xbf16> -> vector<1024x16xi16>
    %convert_element_type3A_552 = arith.extui %bitcast_convert_type3A_551 : vector<1024x16xi16> to vector<1024x16xi32>
    %shift_left3A_553 = arith.constant 16 : i32
    %shift_left3A_554 = vector.broadcast %shift_left3A_553 : i32 to vector<1024x16xi32>
    %shift_left3A_555 = arith.shli %convert_element_type3A_552, %shift_left3A_554 : vector<1024x16xi32>
    %or3A_556 = arith.ori %convert_element_type3A_548, %shift_left3A_555 : vector<1024x16xi32>
    %concatenate3A_557 = tpu.concatenate %or3A_520, %or3A_532, %or3A_544, %or3A_556 in 1 : vector<1024x16xi32>, vector<1024x16xi32>, vector<1024x16xi32>, vector<1024x16xi32> -> vector<1024x64xi32>
    %swap3A_558 = arith.constant 0 : index
    %swap3A_559 = arith.constant 512 : index
    %swap3A_560 = vector.load %arg5[%swap3A_558, %swap3A_559] : memref<1024x640xi32, #tpu.memory_space<vmem>>, vector<1024x64xi32>
    tpu.vector_store %arg5[%swap3A_558, %swap3A_559], %concatenate3A_557 {strides = array<i32>} : memref<1024x640xi32, #tpu.memory_space<vmem>>, vector<1024x64xi32>,
    %broadcast_in_dim3A = arith.constant 0 : i32
    %broadcast_in_dim3A_561 = vector.broadcast %broadcast_in_dim3A : i32 to vector<1024x64xi32>
    %swap3A_562 = arith.constant 0 : index
    %swap3A_563 = arith.constant 576 : index
    %swap3A_564 = vector.load %arg5[%swap3A_562, %swap3A_563] : memref<1024x640xi32, #tpu.memory_space<vmem>>, vector<1024x64xi32>
    tpu.vector_store %arg5[%swap3A_562, %swap3A_563], %broadcast_in_dim3A_561 {strides = array<i32>} : memref<1024x640xi32, #tpu.memory_space<vmem>>, vector<1024x64xi32>,
    return
  }
  func.func @transform_0(%arg0: i32) -> (i32, i32) {
    %c0_i32 = arith.constant 0 : i32
    %c0_i32_0 = arith.constant 0 : i32
    return %c0_i32, %arg0 : i32, i32
  }
  func.func @transform_1(%arg0: i32) -> (i32, i32) {
    %c0_i32 = arith.constant 0 : i32
    %c0_i32_0 = arith.constant 0 : i32
    %c0_i32_1 = arith.constant 0 : i32
    return %c0_i32, %c0_i32_0 : i32, i32
  }
  func.func @transform_2(%arg0: i32) -> (i32, i32) {
    %c0_i32 = arith.constant 0 : i32
    %c0_i32_0 = arith.constant 0 : i32
    return %arg0, %c0_i32 : i32, i32
  }
  func.func @transform_3(%arg0: i32) -> (i32, i32) {
    %c0_i32 = arith.constant 0 : i32
    %c0_i32_0 = arith.constant 0 : i32
    return %arg0, %c0_i32 : i32, i32
  }
  func.func @transform_4(%arg0: i32) -> (i32, i32) {
    %c0_i32 = arith.constant 0 : i32
    %c0_i32_0 = arith.constant 0 : i32
    return %arg0, %c0_i32 : i32, i32
  }
}

</mosaic_0001>

<sc_bundles>
// kernel: kernel.4.cloned.1.call-start
scs
__scs_entry_jumppad:
0x0: {  	(pc) =	sbr.rel $0x88, $3  }
0x1: {  	(tag) =	ssettag $0x0;
	lr =	simm.s32 $0x1  }
0x2: {  	[smem:$0x3F99] =	sst lr;
	_ =	strace $0xD0000000  }
0x3: {  	_ = 	snop  }
0x4: {  	_ = 	snop  }
0x5: {  	_ = 	snop  }
0x6: {  	_ = 	snop  }
0x7: {  	_ = 	snop  }
__scs_overlays_trampoline_lowered:
0x8: {  	[smem:$0x3FA8] =	sst s0  }
0x9: {  	[smem:$0x3FA9] =	sst s1  }
0xa: {  	[smem:$0x3FAA] =	sst s2  }
0xb: {  	[smem:$0x3FAB] =	sst s3  }
0xc: {  	[smem:$0x3FAC] =	sst s4  }
0xd: {  	[smem:$0x3FAD] =	sst s5  }
0xe: {  	[smem:$0x3FAE] =	sst s6  }
0xf: {  	[smem:$0x3FAF] =	sst s7  }
0x10: {  	[smem:$0x3FB0] =	sst s8  }
0x11: {  	[smem:$0x3FB1] =	sst s9;
	s0 =	simm.s32 @!p0 $0x0  }
0x12: {  	s1 =	sld [smem:$0x3F97];
	s0 =	simm.s32 @p0 $0x1  }
0x13: {  	[smem:$0x3FB2] =	sst s0;
	s0 =	simm.s32 @!p1 $0x0  }
0x14: {  	s2 =	sld [smem:$0x3F96];
	s0 =	simm.s32 @p1 $0x1  }
0x15: {  	[smem:$0x3FB3] =	sst s0;
	s0 =	simm.s32 @!p2 $0x0  }
0x16: {  	s3 =	sld [smem:$0x3FDB];
	s0 =	simm.s32 @p2 $0x1  }
0x17: {  	s4 =	simm.s32 $0x1BF5;
	[smem:$0x3FB5] =	sst s0  }
0x18: {  	s0 =	sld [smem:$0x3F98];
	_ =	swait.ge [sflag:s4], $0x0  }
0x19: {  	s7 =	sld [smem:$0x3F99]  }
0x1a: {  	s8 =	sadd.s32 $0xFFFFE003, lr  }
0x1b: {  	s9 =	sadd.s32 $0xFFFFFEF7, lr;
	s5 =	simm.s32 $0xFFFFFFFF;
	p2 =	slt.u32 s8, $0xFFFFF086  }
0x1c: {  	p1 =	slt.u32 s9, $0xF7A;
	s5 =	simm.s32 @!p2 $0x0  }
0x1d: {  	s5 =	simm.s32 @p1 $0x1;
	p0 =	seq.s32 s7, s2  }
0x1e: {  	s7 =	smul.u32 @!p0 $0xF7A, s2;
	p2 =	seq.s32 @!p0 s5, $0x0  }
0x1f: {  	s9 =	smul.u32 $0xF7A, s1;
	s8 =	simm.s32 @!p0 $0x1BF5;
	p2 =	por !p2, p0  }
0x20: {  	[sflag:s8] =	ssyncset.s32 @!p0 $0xFFFFF086;
	s6 =	sadd.s32 @!p0 s3, s7;
	s7 =	simm.s32 @!p0 $0x108  }
0x21: {  	s3 =	sadd.s32 s3, s9;
	s6 =	sadd.s32 @!p0 $0x88, s6;
	s7 =	simm.s32 @p2 $0x1082  }
0x22: {  	[simem:s7], [sflag:s8] =	dma.local @!p0 [hbm:s6], $0xF7A  }
0x23: {  	s9 =	sor.u32 $0xD0000000, s2;
	s6 =	simm.s32 $0x108;
	_ =	swait.ge @!p0 [sflag:s8], $0x0  }
0x24: {  	s3 =	sadd.s32 $0x88, s3;
	s6 =	simm.s32 @!p1 $0x1082;
	[sflag:s4] =	ssyncset.s32 $0xFFFFF086  }
0x25: {  	[simem:s6], [sflag:s4] =	dma.local [hbm:s3], $0xF7A  }
0x26: {  	[smem:$0x3F99] =	sst s1;
	(tag) =	ssettag s2;
	_ =	strace s9  }
0x27: {  	s1 =	sld [smem:$0x3FA9]  }
0x28: {  	s2 =	sld [smem:$0x3FAA]  }
0x29: {  	s4 =	sld [smem:$0x3FAC]  }
0x2a: {  	p0 =	seq.s32 s5, $0x0;
	s5 =	sld [smem:$0x3FAD]  }
0x2b: {  	s6 =	sld [smem:$0x3FAE]  }
0x2c: {  	s7 =	sld [smem:$0x3FAF]  }
0x2d: {  	s3 =	simm.s32 $0x108;
	s8 =	sld [smem:$0x3FB0]  }
0x2e: {  	s3 =	simm.s32 @!p0 $0x1082;
	s9 =	sld [smem:$0x3FB1]  }
0x2f: {  	lr =	sadd.s32 s0, s3;
	s0 =	sld [smem:$0x3FA8]  }
0x30: {  	s3 =	sld [smem:$0x3FAB]  }
0x31: {  	[smem:$0x3FB4] =	sst s10  }
0x32: {  	s10 =	sld [smem:$0x3FB2];
	_ =	sdelay $0x3  }
0x33: {  	p0 =	seq.s32 s10, $0x1;
	s10 =	sld [smem:$0x3FB4];
	_ =	sdelay $0x3  }
0x34: {  	[smem:$0x3FB4] =	sst s10  }
0x35: {  	s10 =	sld [smem:$0x3FB3];
	_ =	sdelay $0x3  }
0x36: {  	p1 =	seq.s32 s10, $0x1;
	s10 =	sld [smem:$0x3FB4];
	_ =	sdelay $0x3  }
0x37: {  	[smem:$0x3FB4] =	sst s10  }
0x38: {  	s10 =	sld [smem:$0x3FB5]  }
0x39: {  	_ = 	snop;
	(pc) =	sbr.ind lr, $3  }
0x3a: {  	_ = 	snop  }
0x3b: {  	_ = 	snop  }
0x3c: {  	p2 =	seq.s32 s10, $0x1;
	s10 =	sld [smem:$0x3FB4]  }
0x3d: {  	_ =	shalt  }
0x3e: {  	_ =	shalt  }
0x3f: {  	_ =	shalt  }
0x40: {  	_ =	shalt  }
0x41: {  	_ =	shalt  }
0x42: {  	_ =	shalt  }
0x43: {  	_ =	shalt  }
0x44: {  	_ =	shalt  }
0x45: {  	_ =	shalt  }
0x46: {  	_ =	shalt  }
0x47: {  	_ =	shalt  }
0x48: {  	_ =	shalt  }
0x49: {  	_ =	shalt  }
0x4a: {  	_ =	shalt  }
0x4b: {  	_ =	shalt  }
0x4c: {  	_ =	shalt  }
0x4d: {  	_ =	shalt  }
0x4e: {  	_ =	shalt  }
0x4f: {  	_ =	shalt  }
0x50: {  	_ =	shalt  }
0x51: {  	_ =	shalt  }
0x52: {  	_ =	shalt  }
0x53: {  	_ =	shalt  }
0x54: {  	_ =	shalt  }
0x55: {  	_ =	shalt  }
0x56: {  	_ =	shalt  }
0x57: {  	_ =	shalt  }
0x58: {  	_ =	shalt  }
0x59: {  	_ =	shalt  }
0x5a: {  	_ =	shalt  }
0x5b: {  	_ =	shalt  }
0x5c: {  	_ =	shalt  }
0x5d: {  	_ =	shalt  }
0x5e: {  	_ =	shalt  }
0x5f: {  	_ =	shalt  }
0x60: {  	_ =	shalt  }
0x61: {  	_ =	shalt  }
0x62: {  	_ =	shalt  }
0x63: {  	_ =	shalt  }
0x64: {  	_ =	shalt  }
0x65: {  	_ =	shalt  }
0x66: {  	_ =	shalt  }
0x67: {  	_ =	shalt  }
0x68: {  	_ =	shalt  }
0x69: {  	_ =	shalt  }
0x6a: {  	_ =	shalt  }
0x6b: {  	_ =	shalt  }
0x6c: {  	_ =	shalt  }
0x6d: {  	_ =	shalt  }
0x6e: {  	_ =	shalt  }
0x6f: {  	_ =	shalt  }
0x70: {  	_ =	shalt  }
0x71: {  	_ =	shalt  }
0x72: {  	_ =	shalt  }
0x73: {  	_ =	shalt  }
0x74: {  	_ =	shalt  }
0x75: {  	_ =	shalt  }
0x76: {  	_ =	shalt  }
0x77: {  	_ =	shalt  }
0x78: {  	_ =	shalt  }
0x79: {  	_ =	shalt  }
0x7a: {  	_ =	shalt  }
0x7b: {  	_ =	shalt  }
0x7c: {  	_ =	shalt  }
0x7d: {  	_ =	shalt  }
0x7e: {  	_ =	shalt  }
0x7f: {  	_ =	shalt  }
0x80: {  	_ =	shalt  }
0x81: {  	_ =	shalt  }
0x82: {  	_ =	shalt  }
0x83: {  	_ =	shalt  }
0x84: {  	_ =	shalt  }
0x85: {  	_ =	shalt  }
0x86: {  	_ =	shalt  }
0x87: {  	_ =	shalt  }
.Lfunc_end0:
.L_simem_size_0:
called_computation_lowered:
.L_overlay_start_0:
0x88: {  	s2 =	sld [smem:$0x3FD9]  }
0x89: {  	s3 =	sld [smem:$0x3FFE];
	_ =	sdelay $0x1  }
0x8a: {  	s1 =	srdreg.scid  }
0x8b: {  	s0 =	sand.u32 $0x1, s1  }
0x8c: {  	s17 =	sshll.u32 s0, $0xA;
	s2 =	sadd.s32 s3, s2  }
0x8d: {  	s2 =	sadd.s32 s2, s17  }
0x8e: {  	[smem:$0x3FC0] =	sst s2  }
0x8f: {  	_ = 	snop  }
0x90: {  	s2 =	sld [smem:$0x3FD0];
	(tm) =	ssettm $0x1  }
0x91: {  	s18 =	sld [smem:$0x3FFB];
	_ =	sdelay $0x3  }
0x92: {  	_ =	strace s18  }
0x93: {  	s3 =	sld [smem:$0x3FFC];
	_ =	sdelay $0x3  }
0x94: {  	_ =	strace s3  }
0x95: {  	s3 =	sld [smem:$0x3FFD];
	_ =	sdelay $0x3  }
0x96: {  	_ =	strace s3  }
0x97: {  	_ =	strace $0x8FFFFFFF  }
0x98: {  	s19 =	sld [smem:$0x3FDB];
	_ =	sdelay $0x1  }
0x99: {  	s4 =	simm.s32 $_scs_section_size  }
0x9a: {  	s5 =	simm.s32 $_size__tile_overlayer_lowered;
	s6 =	simm.s32 $_tile_overlayer_lowered  }
0x9b: {  	s22 =	simm.s32 $0x1BFF;
	s21 =	sshll.u32 s6, $0x1;
	s3 =	sadd.s32 s4, s19  }
0x9c: {  	s7 =	simm.s32 $0x0;
	s20 =	sshll.u32 s5, $0x1;
	s5 =	sadd.s32 s21, s3  }
0x9d: {  	[timem:s7], [sflag:s22] =	dma.local [hbm:s5], s20  }
0x9e: {  	_ =	swait.ge [sflag:s22], s20  }
0x9f: {  	s4 =	ssub.s32 $0x0, s20;
	[sflag:s22] =	ssyncset.done $0x0  }
0xa0: {  	[sflag:s22] =	ssyncadd.s32 s4;
	_ =	sdelay $0x1  }
0xa1: {  	s23 =	simm.s32 $0x1B8B  }
0xa2: {  	_ =	swait.ge [sflag:s23], $0x1  }
0xa3: {  	[sflag:s23] =	ssyncset.done $0x0  }
0xa4: {  	s25 =	simm.s32 $0x1B8E;
	s24 =	sld [smem:$0x3FFE];
	[sflag:s23] =	ssyncadd.s32 $0xFFFFFFFF  }
0xa5: {  	s26 =	simm.s32 $execute0_lowered;
	[smem:$0x3FD2] =	sst s25  }
0xa6: {  	s5 =	sshll.u32 s26, $0x1;
	_ =	strace $0x80000046;
	[dreg:$0x1] =	wrdreg $0xFFFFFFFF  }
0xa7: {  	s28 =	simm.s32 $_size_execute0_lowered;
	s3 =	sadd.s32 s3, s5;
	[dreg:$0x0] =	wrdreg $0x0  }
0xa8: {  	s5 =	sshll.u32 s28, $0x1;
	[dreg:$0x2] =	wrdreg s3  }
0xa9: {  	[dreg:$0x3] =	wrdreg s5  }
0xaa: {  	[dreg:$0x4] =	wrdreg $0xC0  }
0xab: {  	_ =	task [dreg:s7], $0x5FFFF  }
0xac: {  	[dreg:$0x1] =	wrdreg $0xFFFFFFFF  }
0xad: {  	[dreg:$0x0] =	wrdreg $0x60  }
0xae: {  	[dreg:$0x2] =	wrdreg s24  }
0xaf: {  	[dreg:$0x3] =	wrdreg s2  }
0xb0: {  	[dreg:$0x4] =	wrdreg $0xC3000  }
0xb1: {  	[dreg:$0x5] =	wrdreg $0x9  }
0xb2: {  	_ =	task.clear_ibuf [dreg:s7], $0x6FFFF;
	_ =	strace $0x90000046  }
0xb3: {  	s29 =	simm.s32 $0x9;
	_ =	strace $0x80000048  }
0xb4: {  	_ =	swait.ge [sflag:s29], $0x1  }
0xb5: {  	[sflag:s29] =	ssyncadd.s32 $0xFFFFFFFF  }
0xb6: {  	_ =	strace $0x90000048  }
0xb7: {  	_ =	sfence  }
0xb8: {  	s30 =	sld [smem:$0x0];
	_ =	sdelay $0x2  }
0xb9: {  	s31 =	sshll.u32 s1, $0xD;
	s1 =	sshrl.u32 s1, $0x2  }
0xba: {  	s3 =	sand.u32 $0x4000, s31;
	s1 =	sadd.s32 s1, s30  }
0xbb: {  	s0 =	sor.u32 s3, s0;
	s1 =	sshll.u32 s1, $0x11  }
0xbc: {  	s0 =	sor.u32 s1, s0  }
0xbd: {  	s0 =	sadd.s32 $0x8F2B, s0  }
0xbe: {  	[sflag:s0] =	ssyncadd.remote.s32 $0x1  }
0xbf: {  	_ =	sfence.sel $0xFFFF  }
0xc0: {  	[dreg:$0x0] =	wrdreg $0xFFFFFFFF;
	(pc) =	sbr.abs _section_cstart, $3  }
0xc1: {  	[dreg:$0x1] =	wrdreg $0xFFFFFFFF  }
0xc2: {  	_ =	task.clear_ibuf [dreg:s7], $0x2FFFF;
	_ =	strace $0x9FFFFFFF  }
0xc3: {  	(tm) =	ssettm $0x7FFFFFFF  }
tec
execute0_lowered:
.L_overlay_start_1:
0x0: {  	(tag) =	ssettag $0x1  }
0x1: {  	s0 =	rddreg [dreg:$0x0]  }
0x2: {  	s2 =	rddreg [dreg:$0x2]  }
0x3: {  	s1 =	srdreg.scid;
	s4 =	simm.s32 $0x0;
	s12 =	stileid.u32  }
0x4: {  	s30 =	simm.s32 $0x1;
	s1 =	sand.u32 $0x1, s1;
	[smem:$0x7FF] =	sst s4  }
0x5: {  	s7 =	smul.u32 $0x13C00, s12;
	s5 =	sadd.s32 $0xF600, s0;
	s6 =	sadd.s32 $0x5600, s0  }
0x6: {  	s8 =	sadd.s32 $0xA600, s0;
	s20 =	sshll.u32 s12, $0x1;
	s11 =	smul.u32 $0x4F000, s12  }
0x7: {  	p0 =	seq.s32 s12, $0xF;
	s18 =	sadd.s32 $0xF700, s0;
	s3 =	smul.u32 $0x138800, s1  }
0x8: {  	s19 =	sadd.s32 $0xF800, s0;
	_ =	strace $0x80000047;
	s9 =	ssub.s32 $0x2, s1  }
0x9: {  	s10 =	sshrl.u32 s9, $0x1;
	s21 =	sshrl.u32 s11, $0x2;
	s3 =	sadd.s32 s7, s3  }
0xa: {  	s7 =	sadd.s32 $0x600, s0;
	s10 =	ssub.s32 s9, s10;
	s9 =	sor.u32 s1, s20  }
0xb: {  	s1 =	simm.s32 $0x41;
	s20 =	simm.s32 $0x20;
	s3 =	sshrl.u32 s3, $0x3  }
0xc: {  	s1 =	simm.s32 @!p0 $0x4F;
	s22 =	sshll.u32 s9, $0x2;
	s29 =	smax.u32 s10, $0x1  }
0xd: {  	s10 =	simm.s32 $0x5;
	s3 =	sadd.s32 s3, s0;
	[dreg:$0x4] =	wrdreg s1  }
0xe: {  	s1 =	sadd.s32 s21, s2;
	s23 =	sadd.s32 s6, s22;
	[dreg:$0xc] =	wrdreg s29  }
0xf: {  	s24 =	sor.u32 $0x80, s22;
	s25 =	sadd.s32 s7, s22;
	[dreg:$0x5] =	wrdreg s1  }
0x10: {  	s11 =	sadd.s32 s8, s22;
	s22 =	simm.s32 $0x300;
	[dreg:$0x6] =	wrdreg s23  }
0x11: {  	v3 =	vlaneseq.u32;
	s21 =	simm.s32 $0x3;
	s0 =	simm.s32 $0x4;
	[dreg:$0x7] =	wrdreg s25  }
0x12: {  	v0 =	vimm.f32 $0.0e+00;
	vm0 =	vmmov $0xffff;
	vm1 =	vmmov $0xff;
	[dreg:$0x8] =	wrdreg s11;
	s26 =	sadd.s32 s6, s24;
	s28 =	sadd.s32 s7, s24  }
0x13: {  	v4 =	vimm.s32 $0x0;
	v5 =	vimm.s32 $0x1;
	v6 =	vimm.s32 $0x2;
	s1 =	sadd.s32 s8, s24;
	s31 =	sadd.s32 $0xD7600, s3;
	[dreg:$0x9] =	wrdreg s26  }
0x14: {  	v7 =	vimm.s32 $0x3;
	v8 =	vimm.s32 $0x4;
	v9 =	vimm.s32 $0x5;
	s23 =	simm.s32 $0x9;
	s24 =	simm.s32 $0x100;
	[dreg:$0xa] =	wrdreg s28  }
0x15: {  	v10 =	vimm.s32 $0x6;
	v11 =	vimm.s32 $0x7;
	v2 =	vshrl.u32 v3, $0x3;
	s11 =	simm.s32 $0x2;
	s25 =	simm.s32 $0x6;
	[dreg:$0xb] =	wrdreg s1  }
0x16: {  	v1 =	vand.u32 $0x7, v3;
	v3 =	vor.u32 $0x8, v3;
	v2 =	vmul.u32 $0x8, v2;
	s3 =	simm.s32 $0x0;
	[dreg:$0xd] =	wrdreg s31;
	s26 =	simm.s32 $0x7  }
.LBB2_1:
0x17: {  	[tilespmem:$0x300] =	vst v0  }
0x18: {  	[tilespmem:$0x310] =	vst v0  }
0x19: {  	[tilespmem:$0x320] =	vst v0  }
0x1a: {  	[tilespmem:$0x330] =	vst v0  }
0x1b: {  	[tilespmem:$0x340] =	vst v0  }
0x1c: {  	[tilespmem:$0x350] =	vst v0  }
0x1d: {  	[tilespmem:$0x360] =	vst v0  }
0x1e: {  	[tilespmem:$0x370] =	vst v0  }
0x1f: {  	[tilespmem:$0x380] =	vst v0  }
0x20: {  	[tilespmem:$0x390] =	vst v0  }
0x21: {  	[tilespmem:$0x3A0] =	vst v0  }
0x22: {  	[tilespmem:$0x3B0] =	vst v0  }
0x23: {  	[tilespmem:$0x3C0] =	vst v0  }
0x24: {  	[tilespmem:$0x3D0] =	vst v0  }
0x25: {  	[tilespmem:$0x3E0] =	vst v0  }
0x26: {  	[tilespmem:$0x3F0] =	vst v0  }
0x27: {  	[tilespmem:$0x400] =	vst v0  }
0x28: {  	[tilespmem:$0x410] =	vst v0  }
0x29: {  	[tilespmem:$0x420] =	vst v0  }
0x2a: {  	[tilespmem:$0x430] =	vst v0  }
0x2b: {  	[tilespmem:$0x440] =	vst v0  }
0x2c: {  	[tilespmem:$0x450] =	vst v0  }
0x2d: {  	[tilespmem:$0x460] =	vst v0  }
0x2e: {  	[tilespmem:$0x470] =	vst v0  }
0x2f: {  	[tilespmem:$0x480] =	vst v0  }
0x30: {  	[tilespmem:$0x490] =	vst v0  }
0x31: {  	[tilespmem:$0x4A0] =	vst v0  }
0x32: {  	[tilespmem:$0x4B0] =	vst v0  }
0x33: {  	[tilespmem:$0x4C0] =	vst v0  }
0x34: {  	[tilespmem:$0x4D0] =	vst v0  }
0x35: {  	[tilespmem:$0x4E0] =	vst v0  }
0x36: {  	[tilespmem:$0x4F0] =	vst v0  }
0x37: {  	[tilespmem:$0x500] =	vst v0  }
0x38: {  	[tilespmem:$0x510] =	vst v0  }
0x39: {  	[tilespmem:$0x520] =	vst v0  }
0x3a: {  	[tilespmem:$0x530] =	vst v0  }
0x3b: {  	[tilespmem:$0x540] =	vst v0  }
0x3c: {  	[tilespmem:$0x550] =	vst v0  }
0x3d: {  	[tilespmem:$0x560] =	vst v0  }
0x3e: {  	[tilespmem:$0x570] =	vst v0  }
0x3f: {  	[tilespmem:$0x580] =	vst v0  }
0x40: {  	[tilespmem:$0x590] =	vst v0  }
0x41: {  	[tilespmem:$0x5A0] =	vst v0  }
0x42: {  	[tilespmem:$0x5B0] =	vst v0  }
0x43: {  	[tilespmem:$0x5C0] =	vst v0  }
0x44: {  	[tilespmem:$0x5D0] =	vst v0  }
0x45: {  	[tilespmem:$0x5E0] =	vst v0  }
0x46: {  	[tilespmem:$0x5F0] =	vst v0  }
0x47: {  	[tilespmem:$0x600] =	vst v0  }
0x48: {  	[tilespmem:$0x610] =	vst v0  }
0x49: {  	[tilespmem:$0x620] =	vst v0  }
0x4a: {  	[tilespmem:$0x630] =	vst v0  }
0x4b: {  	[tilespmem:$0x640] =	vst v0  }
0x4c: {  	[tilespmem:$0x650] =	vst v0  }
0x4d: {  	[tilespmem:$0x660] =	vst v0  }
0x4e: {  	[tilespmem:$0x670] =	vst v0  }
0x4f: {  	[tilespmem:$0x680] =	vst v0  }
0x50: {  	[tilespmem:$0x690] =	vst v0  }
0x51: {  	[tilespmem:$0x6A0] =	vst v0  }
0x52: {  	[tilespmem:$0x6B0] =	vst v0  }
0x53: {  	[tilespmem:$0x6C0] =	vst v0;
	s1 =	rddreg [dreg:$0x4]  }
0x54: {  	[tilespmem:$0x6D0] =	vst v0;
	p0 =	sne.s32 s1, $0x1  }
.Ltmp0:
0x55: {  	[dreg:$0xe] =	wrdreg s3;
	[tilespmem:$0x6E0] =	vst v0;
	(pc) =	sbr.rel @!p0 .LBB2_3-.Ltmp0, $4  }
0x56: {  	[tilespmem:$0x6F0] =	vst v0;
	s3 =	rddreg [dreg:$0x5]  }
0x57: {  	[spmem:s3] =	stream.linear.scatter [tilespmem:s22], [sflag:$0x9], $0x400, $0x38;
	[tilespmem:$0x1FB80] =	vst v63  }
0x58: {  	_ =	swait.ge [sflag:s23], $0x400  }
0x59: {  	s1 =	sadd.s32 $0xFFFFFFFF, s1;
	[sflag:s23] =	ssyncset.done $0x0  }
.LBB2_2:
0x5a: {  	p1 =	sne.s32 s1, $0x1;
	[sflag:s23] =	ssyncadd.s32 $0xFFFFFC00;
	s3 =	sadd.s32 $0x400, s3  }
.Ltmp1:
0x5b: {  	s1 =	sadd.s32 $0xFFFFFFFF, s1;
	(pc) =	sbr.rel @p1 .LBB2_2-.Ltmp1, $4  }
0x5c: {  	_ = 	snop  }
0x5d: {  	[spmem:s3] =	stream.linear.scatter [tilespmem:s22], [sflag:$0x9], $0x400, $0x38;
	[tilespmem:$0x1FB80] =	vst v63  }
0x5e: {  	_ =	swait.ge [sflag:s23], $0x400  }
0x5f: {  	[sflag:s23] =	ssyncset.done $0x0  }
.LBB2_3:
0x60: {  	[sflag:s23] =	ssyncadd.s32 $0xFFFFFC00  }
0x61: {  	[bflag:$0x0] =	sbarrier.arrive $0xFFFF  }
0x62: {  	s3 =	simm.s32 $0x0;
	s1 =	rddreg [dreg:$0x6]  }
0x63: {  	[tilespmem:s3], [sflag:$0x1] =	stream.linear.gather [hbm4b:s1+s3], $0x20, $0x38;
	[tilespmem:$0x1FB80] =	vst v63  }
0x64: {  	s17 =	rddreg [dreg:$0x7]  }
0x65: {  	[tilespmem:s24], [sflag:$0x1] =	stream.linear.gather [hbm4b:s17+s3], $0x20, $0x38;
	[tilespmem:$0x1FB80] =	vst v63  }
0x66: {  	s12 =	simm.s32 $0x200;
	s28 =	rddreg [dreg:$0x8]  }
0x67: {  	[tilespmem:s12], [sflag:$0x1] =	stream.linear.gather [hbm4b:s28+s3], $0x20, $0x38;
	[tilespmem:$0x1FB80] =	vst v63  }
0x68: {  	s31 =	simm.s32 $0x80;
	s29 =	rddreg [dreg:$0x9]  }
0x69: {  	[tilespmem:s31], [sflag:$0x2] =	stream.linear.gather [hbm4b:s29+s3], $0x20, $0x38;
	[tilespmem:$0x1FB80] =	vst v63  }
0x6a: {  	s14 =	simm.s32 $0x180;
	s13 =	rddreg [dreg:$0xa]  }
0x6b: {  	[tilespmem:s14], [sflag:$0x2] =	stream.linear.gather [hbm4b:s13+s3], $0x20, $0x38;
	[tilespmem:$0x1FB80] =	vst v63  }
0x6c: {  	s16 =	simm.s32 $0x280;
	s15 =	rddreg [dreg:$0xb]  }
0x6d: {  	[tilespmem:s16], [sflag:$0x2] =	stream.linear.gather [hbm4b:s15+s3], $0x20, $0x38;
	[tilespmem:$0x1FB80] =	vst v63  }
0x6e: {  	_ =	swait.ge [sflag:s30], $0x20  }
0x6f: {  	[sflag:s30] =	ssyncset.done $0x0  }
0x70: {  	[sflag:s30] =	ssyncadd.s32 $0xFFFFFFE0  }
0x71: {  	_ =	swait.ge [sflag:s30], $0x20  }
0x72: {  	[sflag:s30] =	ssyncset.done $0x0  }
0x73: {  	[sflag:s30] =	ssyncadd.s32 $0xFFFFFFE0  }
0x74: {  	_ =	swait.ge [sflag:s30], $0x20  }
0x75: {  	[sflag:s30] =	ssyncset.done $0x0  }
0x76: {  	[sflag:s30] =	ssyncadd.s32 $0xFFFFFFE0  }
0x77: {  	v12 =	vld [tilespmem:$0x0];
	_ =	sdelay $0x4  }
0x78: {  	v13 =	vshrl.u32 v12, $0x3  }
0x79: {  	v13 =	vmul.u32 $0x28, v13  }
0x7a: {  	v12 =	vand.u32 $0x7, v12  }
0x7b: {  	v12 =	vor.u32 v12, v13  }
0x7c: {  	v13 =	vperm.xlane v12, v1;
	_ =	sdelay $0x1  }
0x7d: {  	v13 =	vadd.s32 v2, v13;
	_ =	sdelay $0x3  }
0x7e: {  	s17 =	simm.s32 $0x2300;
	v12 =	vperm.xlane v12, v3  }
0x7f: {  	[tilespmem:s17], [sflag:$0x3] =	stream.indirect_vreg.gather [hbm4b:s5+s3], $0x80, v13, vm0, $0xb8;
	[tilespmem:$0x1FB80] =	vst v63  }
0x80: {  	s28 =	simm.s32 $0x2B00;
	v12 =	vadd.s32 v2, v12  }
0x81: {  	[tilespmem:s28], [sflag:$0x3] =	stream.indirect_vreg.gather [hbm4b:s18+s3], $0x80, v13, vm0, $0xb8;
	[tilespmem:$0x1FB80] =	vst v63  }
0x82: {  	s29 =	simm.s32 $0x3300  }
0x83: {  	[tilespmem:s29], [sflag:$0x3] =	stream.indirect_vreg.gather [hbm4b:s19+s3], $0x80, v13, vm1, $0xb8;
	[tilespmem:$0x1FB80] =	vst v63  }
0x84: {  	s31 =	simm.s32 $0x3700  }
0x85: {  	[tilespmem:s31], [sflag:$0x3] =	stream.indirect_vreg.gather [hbm4b:s5+s3], $0x80, v12, vm0, $0xb8;
	[tilespmem:$0x1FB80] =	vst v63  }
0x86: {  	s12 =	simm.s32 $0x3F00  }
0x87: {  	[tilespmem:s12], [sflag:$0x3] =	stream.indirect_vreg.gather [hbm4b:s18+s3], $0x80, v12, vm0, $0xb8;
	[tilespmem:$0x1FB80] =	vst v63  }
0x88: {  	s13 =	simm.s32 $0x4700  }
0x89: {  	[tilespmem:s13], [sflag:$0x3] =	stream.indirect_vreg.gather [hbm4b:s19+s3], $0x80, v12, vm1, $0xb8;
	[tilespmem:$0x1FB80] =	vst v63  }
0x8a: {  	v12 =	vld [tilespmem:$0x10];
	_ =	sdelay $0x4  }
0x8b: {  	v63 =	vshrl.u32 v12, $0x3  }
0x8c: {  	v13 =	vmul.u32 $0x28, v63  }
0x8d: {  	v12 =	vand.u32 $0x7, v12  }
0x8e: {  	v12 =	vor.u32 v12, v13  }
0x8f: {  	v13 =	vperm.xlane v12, v1;
	_ =	sdelay $0x1  }
0x90: {  	v13 =	vadd.s32 v2, v13;
	_ =	sdelay $0x3  }
0x91: {  	s14 =	simm.s32 $0x4B00;
	v12 =	vperm.xlane v12, v3  }
0x92: {  	[tilespmem:s14], [sflag:$0x3] =	stream.indirect_vreg.gather [hbm4b:s5+s3], $0x80, v13, vm0, $0xb8;
	[tilespmem:$0x1FB80] =	vst v63  }
0x93: {  	s15 =	simm.s32 $0x5300;
	v12 =	vadd.s32 v2, v12  }
0x94: {  	[tilespmem:s15], [sflag:$0x3] =	stream.indirect_vreg.gather [hbm4b:s18+s3], $0x80, v13, vm0, $0xb8;
	[tilespmem:$0x1FB80] =	vst v63  }
0x95: {  	s16 =	simm.s32 $0x5B00  }
0x96: {  	[tilespmem:s16], [sflag:$0x3] =	stream.indirect_vreg.gather [hbm4b:s19+s3], $0x80, v13, vm1, $0xb8;
	[tilespmem:$0x1FB80] =	vst v63  }
0x97: {  	s17 =	simm.s32 $0x5F00  }
0x98: {  	[tilespmem:s17], [sflag:$0x3] =	stream.indirect_vreg.gather [hbm4b:s5+s3], $0x80, v12, vm0, $0xb8;
	[tilespmem:$0x1FB80] =	vst v63  }
0x99: {  	s28 =	simm.s32 $0x6700  }
0x9a: {  	[tilespmem:s28], [sflag:$0x3] =	stream.indirect_vreg.gather [hbm4b:s18+s3], $0x80, v12, vm0, $0xb8;
	[tilespmem:$0x1FB80] =	vst v63  }
.Ltmp2:
0x9b: {  	_ = 	snop;
	(pc) =	sbr.rel .LBB2_4-.Ltmp2, $4  }
0x9c: {  	s29 =	simm.s32 $0x6F00  }
0x9d: {  	[tilespmem:s29], [sflag:$0x3] =	stream.indirect_vreg.gather [hbm4b:s19+s3], $0x80, v12, vm1, $0xb8;
	[tilespmem:$0x1FB80] =	vst v63  }
0x9e: {  	s31 =	rddreg [dreg:$0x1]  }
0x9f: {  	[tilespmem:s22], [sflag:$0x5] =	stream.indirect.gather [hbm4b:s31+s20], $0x80, s24, s20, $0xb8;
	[tilespmem:$0x1FB80] =	vst v63  }
.LBB2_16:
0xa0: {  	s3 =	sadd.s32 $0x1, s3  }
0xa1: {  	p1 =	sne.s32 s3, $0x4F  }
.Ltmp3:
0xa2: {  	_ = 	snop;
	(pc) =	sbr.rel @!p1 .LBB2_17-.Ltmp3, $1  }
0xa3: {  	_ =	sdelay $0x3  }
.LBB2_4:
0xa4: {  	s1 =	sshll.u32 s3, $0x6  }
0xa5: {  	s12 =	sor.u32 s9, s1  }
0xa6: {  	p1 =	sgt.u32 s12, $0x1387  }
.Ltmp4:
0xa7: {  	_ = 	snop;
	(pc) =	sbr.rel @p1 .LBB2_10-.Ltmp4, $1  }
0xa8: {  	_ =	sdelay $0x3  }
0xa9: {  	_ =	swait.ge [sflag:s21], $0x5000;
	p1 =	sgt.u32 s12, $0x1367  }
.Ltmp5:
0xaa: {  	[sflag:s21] =	ssyncset.done $0x0;
	(pc) =	sbr.rel @p1 .LBB2_7-.Ltmp5, $4  }
0xab: {  	[sflag:s21] =	ssyncadd.s32 $0xFFFFB000  }
0xac: {  	_ =	swait.ge [sflag:s10], $0x1000  }
0xad: {  	[sflag:s10] =	ssyncset.done $0x0  }
0xae: {  	[sflag:s10] =	ssyncadd.s32 $0xFFFFF000  }
0xaf: {  	p1 =	seq.s32 s3, $0x0  }
0xb0: {  	s1 =	simm.s32 @!p1 $0x8  }
0xb1: {  	_ =	swait.ge @!p1 [sflag:s1], $0x1000  }
0xb2: {  	[sflag:s1] =	ssyncset.done @!p1 $0x0  }
0xb3: {  	[sflag:s1] =	ssyncadd.s32 @!p1 $0xFFFFF000  }
0xb4: {  	_ =	swait.ge [sflag:s11], $0x20  }
0xb5: {  	[sflag:s11] =	ssyncset.done $0x0  }
0xb6: {  	[sflag:s11] =	ssyncadd.s32 $0xFFFFFFE0  }
0xb7: {  	_ =	swait.ge [sflag:s11], $0x20  }
0xb8: {  	[sflag:s11] =	ssyncset.done $0x0  }
0xb9: {  	[sflag:s11] =	ssyncadd.s32 $0xFFFFFFE0  }
0xba: {  	_ =	swait.ge [sflag:s11], $0x20  }
0xbb: {  	[sflag:s11] =	ssyncset.done $0x0  }
0xbc: {  	[sflag:s11] =	ssyncadd.s32 $0xFFFFFFE0  }
0xbd: {  	v12 =	vld [tilespmem:$0x80];
	_ =	sdelay $0x4  }
0xbe: {  	v13 =	vshrl.u32 v12, $0x3  }
0xbf: {  	v13 =	vmul.u32 $0x28, v13  }
0xc0: {  	v12 =	vand.u32 $0x7, v12  }
0xc1: {  	v12 =	vor.u32 v12, v13  }
0xc2: {  	v13 =	vperm.xlane v12, v1;
	_ =	sdelay $0x1  }
0xc3: {  	v13 =	vadd.s32 v2, v13;
	_ =	sdelay $0x3  }
0xc4: {  	s16 =	simm.s32 $0x7300;
	v12 =	vperm.xlane v12, v3  }
0xc5: {  	[tilespmem:s16], [sflag:$0x4] =	stream.indirect_vreg.gather [hbm4b:s5+s4], $0x80, v13, vm0, $0xb8;
	[tilespmem:$0x1FB80] =	vst v63  }
0xc6: {  	s17 =	simm.s32 $0x7B00;
	v12 =	vadd.s32 v2, v12  }
0xc7: {  	[tilespmem:s17], [sflag:$0x4] =	stream.indirect_vreg.gather [hbm4b:s18+s4], $0x80, v13, vm0, $0xb8;
	[tilespmem:$0x1FB80] =	vst v63  }
0xc8: {  	s28 =	simm.s32 $0x8300  }
0xc9: {  	[tilespmem:s28], [sflag:$0x4] =	stream.indirect_vreg.gather [hbm4b:s19+s4], $0x80, v13, vm1, $0xb8;
	[tilespmem:$0x1FB80] =	vst v63  }
0xca: {  	s29 =	simm.s32 $0x8700  }
0xcb: {  	[tilespmem:s29], [sflag:$0x4] =	stream.indirect_vreg.gather [hbm4b:s5+s4], $0x80, v12, vm0, $0xb8;
	[tilespmem:$0x1FB80] =	vst v63  }
0xcc: {  	s31 =	simm.s32 $0x8F00  }
0xcd: {  	[tilespmem:s31], [sflag:$0x4] =	stream.indirect_vreg.gather [hbm4b:s18+s4], $0x80, v12, vm0, $0xb8;
	[tilespmem:$0x1FB80] =	vst v63  }
0xce: {  	s13 =	simm.s32 $0x9700  }
0xcf: {  	[tilespmem:s13], [sflag:$0x4] =	stream.indirect_vreg.gather [hbm4b:s19+s4], $0x80, v12, vm1, $0xb8;
	[tilespmem:$0x1FB80] =	vst v63  }
0xd0: {  	v12 =	vld [tilespmem:$0x90];
	_ =	sdelay $0x4  }
0xd1: {  	v63 =	vshrl.u32 v12, $0x3  }
0xd2: {  	v13 =	vmul.u32 $0x28, v63  }
0xd3: {  	v12 =	vand.u32 $0x7, v12  }
0xd4: {  	v12 =	vor.u32 v12, v13  }
0xd5: {  	v13 =	vperm.xlane v12, v1;
	_ =	sdelay $0x1  }
0xd6: {  	v13 =	vadd.s32 v2, v13;
	_ =	sdelay $0x3  }
0xd7: {  	s14 =	simm.s32 $0x9B00;
	v12 =	vperm.xlane v12, v3  }
0xd8: {  	[tilespmem:s14], [sflag:$0x4] =	stream.indirect_vreg.gather [hbm4b:s5+s4], $0x80, v13, vm0, $0xb8;
	[tilespmem:$0x1FB80] =	vst v63  }
0xd9: {  	s15 =	simm.s32 $0xA300;
	v12 =	vadd.s32 v2, v12  }
0xda: {  	[tilespmem:s15], [sflag:$0x4] =	stream.indirect_vreg.gather [hbm4b:s18+s4], $0x80, v13, vm0, $0xb8;
	[tilespmem:$0x1FB80] =	vst v63  }
0xdb: {  	s16 =	simm.s32 $0xAB00  }
0xdc: {  	[tilespmem:s16], [sflag:$0x4] =	stream.indirect_vreg.gather [hbm4b:s19+s4], $0x80, v13, vm1, $0xb8;
	[tilespmem:$0x1FB80] =	vst v63  }
0xdd: {  	s17 =	simm.s32 $0xAF00  }
0xde: {  	[tilespmem:s17], [sflag:$0x4] =	stream.indirect_vreg.gather [hbm4b:s5+s4], $0x80, v12, vm0, $0xb8;
	[tilespmem:$0x1FB80] =	vst v63  }
0xdf: {  	s28 =	simm.s32 $0xB700  }
0xe0: {  	[tilespmem:s28], [sflag:$0x4] =	stream.indirect_vreg.gather [hbm4b:s18+s4], $0x80, v12, vm0, $0xb8;
	[tilespmem:$0x1FB80] =	vst v63  }
0xe1: {  	s29 =	simm.s32 $0xBF00  }
0xe2: {  	[tilespmem:s29], [sflag:$0x4] =	stream.indirect_vreg.gather [hbm4b:s19+s4], $0x80, v12, vm1, $0xb8;
	[tilespmem:$0x1FB80] =	vst v63  }
0xe3: {  	s31 =	rddreg [dreg:$0x1];
	s13 =	simm.s32 $0x180;
	s14 =	simm.s32 $0x1300  }
0xe4: {  	[tilespmem:s14], [sflag:$0x6] =	stream.indirect.gather [hbm4b:s31+s20], $0x80, s13, s20, $0xb8;
	[tilespmem:$0x1FB80] =	vst v63  }
.LBB2_7:
0xe5: {  	s1 =	simm.s32 $0x0  }
0xe6: {  	s1 =	smul.u32 $0x5000, s1  }
0xe7: {  	s14 =	simm.s32 $0x0;
	s15 =	simm.s32 $0x300  }
0xe8: {  	s16 =	sand.u32 $0x10, s14;
	s13 =	sand.u32 $0x380, s14;
	v12 =	vld [tilespmem:s15+$0x0];
	s1 =	sshra.s32 s1, $0x2  }
0xe9: {  	v13 =	vld [tilespmem:s16+$0x200];
	s13 =	sor.u32 s13, s1  }
0xea: {  	v14 =	vld [tilespmem:s13+$0x2340]  }
0xeb: {  	v15 =	vld [tilespmem:s13+$0x2300]  }
0xec: {  	v19 =	vld [tilespmem:s13+$0x2B40]  }
0xed: {  	v16 =	vmov s14;
	v25 =	vld [tilespmem:s13+$0x2F00]  }
0xee: {  	v17 =	vperm.xlane v13, v16  }
0xef: {  	v28 =	vld [tilespmem:s13+$0x2740]  }
0xf0: {  	v12 =	vmul.f32 v12, v17;
	v16 =	vand.u32 $0xFFFF0000, v14;
	v18 =	vshll.u32 v15, $0x10  }
0xf1: {  	v21 =	vand.u32 $0xFFFF0000, v15;
	v14 =	vshll.u32 v14, $0x10;
	v23 =	vand.u32 $0xFFFF0000, v19  }
0xf2: {  	v13 =	vld [tilespmem:s13+$0x2700];
	v19 =	vshll.u32 v19, $0x10;
	v59 =	vand.u32 $0xFFFF0000, v25;
	v20 =	vperm.xlane v12, v4  }
0xf3: {  	v25 =	vshll.u32 v25, $0x10;
	v22 =	vmul.f32 v18, v17;
	v18 =	vperm.xlane v12, v8  }
0xf4: {  	v60 =	vld [tilespmem:s13+$0x2B00];
	v61 =	vand.u32 $0xFFFF0000, v28;
	v21 =	vmul.f32 v21, v17;
	v16 =	vmul.f32 v16, v20  }
0xf5: {  	v62 =	vshll.u32 v28, $0x10;
	v15 =	vperm.xlane v12, v5;
	v14 =	vmul.f32 v14, v20  }
0xf6: {  	v24 =	vmul.f32 v19, v18;
	v23 =	vmul.f32 v23, v18;
	v21 =	vadd.f32 v16, v21  }
0xf7: {  	v19 =	vand.u32 $0xFFFF0000, v13;
	v13 =	vshll.u32 v13, $0x10;
	v22 =	vadd.f32 v14, v22  }
0xf8: {  	v26 =	vmul.f32 v19, v15;
	v19 =	vperm.xlane v12, v9;
	v21 =	vadd.f32 v23, v21;
	v23 =	vld [tilespmem:s13+$0x2F40]  }
0xf9: {  	v32 =	vand.u32 $0xFFFF0000, v60;
	v27 =	vmul.f32 v13, v15;
	v22 =	vadd.f32 v24, v22  }
0xfa: {  	v16 =	vperm.xlane v12, v6;
	v24 =	vmul.f32 v59, v19;
	v21 =	vadd.f32 v26, v21  }
0xfb: {  	v13 =	vperm.xlane v12, v7;
	v25 =	vmul.f32 v25, v19;
	v22 =	vadd.f32 v27, v22  }
0xfc: {  	v63 =	vld [tilespmem:s13+$0x3300];
	v14 =	vperm.xlane v12, v10;
	v27 =	vmul.f32 v61, v16;
	v21 =	vadd.f32 v24, v21  }
0xfd: {  	v22 =	vadd.f32 v25, v22;
	v24 =	vmul.f32 v62, v16;
	v31 =	vand.u32 $0xFFFF0000, v23  }
0xfe: {  	v23 =	vshll.u32 v23, $0x10;
	v21 =	vadd.f32 v27, v21;
	v25 =	vmul.f32 v31, v14  }
0xff: {  	v33 =	vshll.u32 v60, $0x10;
	v22 =	vadd.f32 v24, v22;
	v23 =	vmul.f32 v23, v14  }
0x100: {  	v12 =	vperm.xlane v12, v11;
	v24 =	vmul.f32 v32, v13;
	v21 =	vadd.f32 v25, v21  }
0x101: {  	v34 =	vand.u32 $0xFFFF0000, v63;
	v22 =	vadd.f32 v23, v22;
	v23 =	vmul.f32 v33, v13  }
0x102: {  	v35 =	vshll.u32 v63, $0x10;
	v25 =	vmul.f32 v34, v12;
	v21 =	vadd.f32 v24, v21  }
0x103: {  	v22 =	vadd.f32 v23, v22;
	v23 =	vmul.f32 v35, v12  }
0x104: {  	v21 =	vadd.f32 v25, v21  }
0x105: {  	v22 =	vadd.f32 v23, v22  }
0x106: {  	[tilespmem:s15+$0x10] =	vst v21  }
0x107: {  	[tilespmem:s15+$0x0] =	vst v22  }
0x108: {  	v21 =	vld [tilespmem:s13+$0x2310]  }
0x109: {  	v22 =	vld [tilespmem:s13+$0x2350];
	_ =	sdelay $0x1  }
0x10a: {  	v23 =	vld [tilespmem:s13+$0x2B50];
	_ =	sdelay $0x1  }
0x10b: {  	v36 =	vld [tilespmem:s13+$0x2710]  }
0x10c: {  	v37 =	vshll.u32 v21, $0x10;
	v21 =	vand.u32 $0xFFFF0000, v21;
	v38 =	vshll.u32 v22, $0x10  }
0x10d: {  	v39 =	vld [tilespmem:s13+$0x2F10];
	v22 =	vand.u32 $0xFFFF0000, v22;
	v25 =	vmul.f32 v37, v17;
	v26 =	vmul.f32 v38, v20  }
0x10e: {  	v40 =	vshll.u32 v23, $0x10;
	v22 =	vmul.f32 v22, v20;
	v21 =	vmul.f32 v21, v17  }
0x10f: {  	v41 =	vld [tilespmem:s13+$0x2750];
	v23 =	vand.u32 $0xFFFF0000, v23;
	v28 =	vmul.f32 v40, v18;
	v25 =	vadd.f32 v26, v25  }
0x110: {  	v23 =	vmul.f32 v23, v18;
	v21 =	vadd.f32 v22, v21;
	v22 =	vshll.u32 v36, $0x10  }
0x111: {  	v42 =	vld [tilespmem:s13+$0x2F50];
	v24 =	vand.u32 $0xFFFF0000, v36;
	v22 =	vmul.f32 v22, v15;
	v25 =	vadd.f32 v28, v25  }
0x112: {  	v24 =	vmul.f32 v24, v15;
	v21 =	vadd.f32 v23, v21;
	v23 =	vshll.u32 v39, $0x10  }
0x113: {  	v43 =	vld [tilespmem:s13+$0x2B10];
	v27 =	vand.u32 $0xFFFF0000, v39;
	v23 =	vmul.f32 v23, v19;
	v22 =	vadd.f32 v22, v25  }
0x114: {  	v44 =	vshll.u32 v41, $0x10;
	v27 =	vmul.f32 v27, v19;
	v21 =	vadd.f32 v24, v21  }
0x115: {  	v45 =	vld [tilespmem:s13+$0x3310];
	v26 =	vand.u32 $0xFFFF0000, v41;
	v22 =	vadd.f32 v23, v22;
	v23 =	vmul.f32 v44, v16  }
0x116: {  	v46 =	vshll.u32 v42, $0x10;
	v26 =	vmul.f32 v26, v16;
	v21 =	vadd.f32 v27, v21  }
0x117: {  	v27 =	vmul.f32 v46, v14;
	v22 =	vadd.f32 v23, v22;
	v23 =	vand.u32 $0xFFFF0000, v42  }
0x118: {  	v47 =	vshll.u32 v43, $0x10;
	v21 =	vadd.f32 v26, v21;
	v23 =	vmul.f32 v23, v14  }
0x119: {  	v25 =	vand.u32 $0xFFFF0000, v43;
	v26 =	vmul.f32 v47, v13;
	v22 =	vadd.f32 v27, v22  }
0x11a: {  	v48 =	vshll.u32 v45, $0x10;
	v21 =	vadd.f32 v23, v21;
	v23 =	vmul.f32 v25, v13  }
0x11b: {  	v24 =	vand.u32 $0xFFFF0000, v45;
	v25 =	vmul.f32 v48, v12;
	v22 =	vadd.f32 v26, v22  }
0x11c: {  	v21 =	vadd.f32 v23, v21;
	v23 =	vmul.f32 v24, v12  }
0x11d: {  	v22 =	vadd.f32 v25, v22  }
0x11e: {  	v21 =	vadd.f32 v23, v21  }
0x11f: {  	[tilespmem:s15+$0x20] =	vst v22  }
0x120: {  	[tilespmem:s15+$0x30] =	vst v21  }
0x121: {  	v21 =	vld [tilespmem:s13+$0x2320]  }
0x122: {  	v22 =	vld [tilespmem:s13+$0x2360];
	_ =	sdelay $0x1  }
0x123: {  	v23 =	vld [tilespmem:s13+$0x2B60];
	_ =	sdelay $0x1  }
0x124: {  	v49 =	vld [tilespmem:s13+$0x2720]  }
0x125: {  	v50 =	vshll.u32 v21, $0x10;
	v21 =	vand.u32 $0xFFFF0000, v21;
	v51 =	vshll.u32 v22, $0x10  }
0x126: {  	v52 =	vld [tilespmem:s13+$0x2F20];
	v22 =	vand.u32 $0xFFFF0000, v22;
	v25 =	vmul.f32 v50, v17;
	v26 =	vmul.f32 v51, v20  }
0x127: {  	v53 =	vshll.u32 v23, $0x10;
	v22 =	vmul.f32 v22, v20;
	v21 =	vmul.f32 v21, v17  }
0x128: {  	v29 =	vld [tilespmem:s13+$0x2760];
	v23 =	vand.u32 $0xFFFF0000, v23;
	v28 =	vmul.f32 v53, v18;
	v25 =	vadd.f32 v26, v25  }
0x129: {  	v54 =	vshll.u32 v49, $0x10;
	v23 =	vmul.f32 v23, v18;
	v21 =	vadd.f32 v22, v21  }
0x12a: {  	v24 =	vand.u32 $0xFFFF0000, v49;
	v22 =	vld [tilespmem:s13+$0x2F60];
	v26 =	vmul.f32 v54, v15;
	v25 =	vadd.f32 v28, v25  }
0x12b: {  	v55 =	vshll.u32 v52, $0x10;
	v24 =	vmul.f32 v24, v15;
	v21 =	vadd.f32 v23, v21  }
0x12c: {  	v27 =	vand.u32 $0xFFFF0000, v52;
	v23 =	vld [tilespmem:s13+$0x2B20];
	v28 =	vmul.f32 v55, v19;
	v25 =	vadd.f32 v26, v25  }
0x12d: {  	v57 =	vshll.u32 v29, $0x10;
	v56 =	vmul.f32 v27, v19;
	v21 =	vadd.f32 v24, v21  }
0x12e: {  	v58 =	vld [tilespmem:s13+$0x3320];
	v29 =	vand.u32 $0xFFFF0000, v29;
	v27 =	vmul.f32 v57, v16;
	v25 =	vadd.f32 v28, v25  }
0x12f: {  	v59 =	vmul.f32 v29, v16;
	v60 =	vshll.u32 v22, $0x10;
	v21 =	vadd.f32 v56, v21  }
0x130: {  	v22 =	vand.u32 $0xFFFF0000, v22;
	v61 =	vmul.f32 v60, v14;
	v25 =	vadd.f32 v27, v25  }
0x131: {  	v22 =	vmul.f32 v22, v14;
	v62 =	vshll.u32 v23, $0x10;
	v21 =	vadd.f32 v59, v21  }
0x132: {  	v23 =	vand.u32 $0xFFFF0000, v23;
	v27 =	vmul.f32 v62, v13;
	v25 =	vadd.f32 v61, v25  }
0x133: {  	v63 =	vshll.u32 v58, $0x10;
	v23 =	vmul.f32 v23, v13;
	v21 =	vadd.f32 v22, v21  }
0x134: {  	v24 =	vand.u32 $0xFFFF0000, v58;
	v22 =	vmul.f32 v63, v12;
	v25 =	vadd.f32 v27, v25  }
0x135: {  	v21 =	vadd.f32 v23, v21;
	v23 =	vmul.f32 v24, v12  }
0x136: {  	v22 =	vadd.f32 v22, v25  }
0x137: {  	v21 =	vadd.f32 v23, v21  }
0x138: {  	[tilespmem:s15+$0x40] =	vst v22  }
0x139: {  	s17 =	simm.s32 $0x1;
	s16 =	simm.s32 $0x300;
	[tilespmem:s15+$0x50] =	vst v21  }
.LBB2_8:
0x13a: {  	p1 =	sne.s32 s17, $0x1F;
	v21 =	vld [tilespmem:s13+$0x2370];
	s14 =	sadd.s32 $0x80, s14;
	s15 =	sadd.s32 $0x80, s15  }
0x13b: {  	s29 =	smov.u32 s17;
	s17 =	sadd.s32 $0x1, s17;
	v22 =	vld [tilespmem:s13+$0x2330];
	_ =	sdelay $0x1  }
0x13c: {  	v23 =	vld [tilespmem:s13+$0x2B70];
	_ =	sdelay $0x1  }
0x13d: {  	s1 =	sshrl.u32 s29, $0x3;
	v24 =	vshll.u32 v21, $0x10;
	v21 =	vand.u32 $0xFFFF0000, v21;
	v25 =	vld [tilespmem:s13+$0x2730]  }
0x13e: {  	s31 =	smul.u32 $0x5000, s1;
	v26 =	vshll.u32 v22, $0x10;
	v22 =	vand.u32 $0xFFFF0000, v22;
	v24 =	vmul.f32 v24, v20  }
0x13f: {  	s1 =	sand.u32 $0x10, s29;
	v26 =	vmul.f32 v26, v17;
	v17 =	vmul.f32 v22, v17;
	v22 =	vld [tilespmem:s13+$0x2F30]  }
0x140: {  	s28 =	sand.u32 $0x380, s14;
	s31 =	sshra.s32 s31, $0x2;
	v20 =	vmul.f32 v21, v20;
	v21 =	vshll.u32 v23, $0x10;
	v23 =	vand.u32 $0xFFFF0000, v23  }
0x141: {  	s28 =	sor.u32 s28, s31;
	v24 =	vadd.f32 v24, v26;
	v21 =	vmul.f32 v21, v18;
	v18 =	vmul.f32 v23, v18;
	v23 =	vld [tilespmem:s13+$0x2770]  }
0x142: {  	v17 =	vadd.f32 v20, v17;
	v20 =	vshll.u32 v25, $0x10;
	v25 =	vand.u32 $0xFFFF0000, v25  }
0x143: {  	v21 =	vadd.f32 v21, v24;
	v20 =	vmul.f32 v20, v15;
	v15 =	vmul.f32 v25, v15;
	v24 =	vld [tilespmem:s13+$0x2F70]  }
0x144: {  	v17 =	vadd.f32 v18, v17;
	v18 =	vshll.u32 v22, $0x10;
	v22 =	vand.u32 $0xFFFF0000, v22  }
0x145: {  	v20 =	vadd.f32 v20, v21;
	v18 =	vmul.f32 v18, v19;
	v19 =	vmul.f32 v22, v19;
	v21 =	vld [tilespmem:s13+$0x2B30]  }
0x146: {  	v15 =	vadd.f32 v15, v17;
	v17 =	vshll.u32 v23, $0x10;
	v22 =	vand.u32 $0xFFFF0000, v23  }
0x147: {  	v18 =	vadd.f32 v18, v20;
	v17 =	vmul.f32 v17, v16;
	v16 =	vmul.f32 v22, v16;
	v20 =	vld [tilespmem:s13+$0x3330];
	s13 =	smov.u32 s28  }
0x148: {  	v15 =	vadd.f32 v19, v15;
	v19 =	vshll.u32 v24, $0x10;
	v22 =	vand.u32 $0xFFFF0000, v24  }
0x149: {  	v17 =	vadd.f32 v17, v18;
	v18 =	vmul.f32 v19, v14;
	v14 =	vmul.f32 v22, v14  }
0x14a: {  	v15 =	vadd.f32 v16, v15;
	v16 =	vshll.u32 v21, $0x10;
	v19 =	vand.u32 $0xFFFF0000, v21  }
0x14b: {  	v17 =	vadd.f32 v18, v17;
	v16 =	vmul.f32 v16, v13;
	v13 =	vmul.f32 v19, v13  }
0x14c: {  	v14 =	vadd.f32 v14, v15;
	v15 =	vshll.u32 v20, $0x10;
	v18 =	vand.u32 $0xFFFF0000, v20  }
0x14d: {  	v16 =	vadd.f32 v16, v17;
	v15 =	vmul.f32 v15, v12;
	v12 =	vmul.f32 v18, v12  }
0x14e: {  	v13 =	vadd.f32 v13, v14  }
0x14f: {  	v14 =	vadd.f32 v15, v16  }
0x150: {  	v12 =	vadd.f32 v12, v13  }
0x151: {  	[tilespmem:s16+$0x60] =	vst v14  }
0x152: {  	v13 =	vld [tilespmem:s15+$0x0];
	[tilespmem:s16+$0x70] =	vst v12;
	s16 =	smov.u32 s15  }
0x153: {  	v12 =	vld [tilespmem:s1+$0x200]  }
0x154: {  	v14 =	vld [tilespmem:s13+$0x2340]  }
0x155: {  	v15 =	vld [tilespmem:s13+$0x2300];
	_ =	sdelay $0x1  }
0x156: {  	v16 =	vmov s29;
	v19 =	vld [tilespmem:s13+$0x2B40]  }
0x157: {  	v17 =	vperm.xlane v12, v16  }
0x158: {  	v12 =	vand.u32 $0xFFFF0000, v14;
	v16 =	vld [tilespmem:s13+$0x2700]  }
0x159: {  	v21 =	vmul.f32 v13, v17;
	v13 =	vshll.u32 v15, $0x10  }
0x15a: {  	v14 =	vshll.u32 v14, $0x10;
	v22 =	vand.u32 $0xFFFF0000, v15;
	v13 =	vmul.f32 v13, v17  }
0x15b: {  	v20 =	vperm.xlane v21, v4;
	v18 =	vperm.xlane v21, v8;
	v23 =	vand.u32 $0xFFFF0000, v19  }
0x15c: {  	v22 =	vmul.f32 v22, v17;
	v15 =	vperm.xlane v21, v5;
	v19 =	vshll.u32 v19, $0x10  }
0x15d: {  	v12 =	vmul.f32 v12, v20;
	v24 =	vmul.f32 v19, v18;
	v19 =	vand.u32 $0xFFFF0000, v16;
	v25 =	vld [tilespmem:s13+$0x2F00]  }
0x15e: {  	v14 =	vmul.f32 v14, v20;
	v16 =	vshll.u32 v16, $0x10;
	v26 =	vmul.f32 v19, v15  }
0x15f: {  	v12 =	vadd.f32 v12, v22;
	v22 =	vmul.f32 v23, v18;
	v23 =	vmul.f32 v16, v15;
	v27 =	vld [tilespmem:s13+$0x2740]  }
0x160: {  	v19 =	vperm.xlane v21, v9;
	v16 =	vperm.xlane v21, v6;
	v28 =	vadd.f32 v14, v13  }
0x161: {  	v13 =	vperm.xlane v21, v7;
	v14 =	vperm.xlane v21, v10;
	v22 =	vadd.f32 v22, v12;
	v29 =	vld [tilespmem:s13+$0x2F40]  }
0x162: {  	v12 =	vperm.xlane v21, v11;
	v21 =	vadd.f32 v24, v28;
	v24 =	vand.u32 $0xFFFF0000, v25  }
0x163: {  	v25 =	vshll.u32 v25, $0x10;
	v22 =	vadd.f32 v26, v22;
	v24 =	vmul.f32 v24, v19;
	v26 =	vld [tilespmem:s13+$0x2B00]  }
0x164: {  	v21 =	vadd.f32 v23, v21;
	v23 =	vmul.f32 v25, v19;
	v25 =	vand.u32 $0xFFFF0000, v27  }
0x165: {  	v22 =	vadd.f32 v24, v22;
	v24 =	vshll.u32 v27, $0x10;
	v25 =	vmul.f32 v25, v16;
	v27 =	vld [tilespmem:s13+$0x3300]  }
0x166: {  	v21 =	vadd.f32 v23, v21;
	v23 =	vmul.f32 v24, v16;
	v24 =	vand.u32 $0xFFFF0000, v29  }
0x167: {  	v22 =	vadd.f32 v25, v22;
	v25 =	vshll.u32 v29, $0x10;
	v24 =	vmul.f32 v24, v14  }
0x168: {  	v21 =	vadd.f32 v23, v21;
	v23 =	vmul.f32 v25, v14;
	v25 =	vand.u32 $0xFFFF0000, v26  }
0x169: {  	v22 =	vadd.f32 v24, v22;
	v24 =	vshll.u32 v26, $0x10;
	v25 =	vmul.f32 v25, v13  }
0x16a: {  	v21 =	vadd.f32 v23, v21;
	v23 =	vmul.f32 v24, v13;
	v24 =	vand.u32 $0xFFFF0000, v27  }
0x16b: {  	v22 =	vadd.f32 v25, v22;
	v25 =	vshll.u32 v27, $0x10;
	v24 =	vmul.f32 v24, v12  }
0x16c: {  	v21 =	vadd.f32 v23, v21;
	v23 =	vmul.f32 v25, v12  }
0x16d: {  	v22 =	vadd.f32 v24, v22  }
0x16e: {  	v21 =	vadd.f32 v23, v21  }
0x16f: {  	[tilespmem:s15+$0x10] =	vst v22  }
0x170: {  	[tilespmem:s15+$0x0] =	vst v21  }
0x171: {  	v21 =	vld [tilespmem:s13+$0x2310]  }
0x172: {  	v22 =	vld [tilespmem:s13+$0x2350]  }
0x173: {  	v23 =	vld [tilespmem:s13+$0x2B50];
	_ =	sdelay $0x2  }
0x174: {  	v24 =	vshll.u32 v21, $0x10;
	v21 =	vand.u32 $0xFFFF0000, v21;
	v25 =	vld [tilespmem:s13+$0x2710]  }
0x175: {  	v24 =	vmul.f32 v24, v17;
	v26 =	vshll.u32 v22, $0x10;
	v22 =	vand.u32 $0xFFFF0000, v22  }
0x176: {  	v26 =	vmul.f32 v26, v20;
	v22 =	vmul.f32 v22, v20;
	v27 =	vshll.u32 v23, $0x10;
	v28 =	vld [tilespmem:s13+$0x2F10]  }
0x177: {  	v21 =	vmul.f32 v21, v17;
	v23 =	vand.u32 $0xFFFF0000, v23;
	v27 =	vmul.f32 v27, v18  }
0x178: {  	v23 =	vmul.f32 v23, v18;
	v24 =	vadd.f32 v26, v24;
	v26 =	vld [tilespmem:s13+$0x2750]  }
0x179: {  	v21 =	vadd.f32 v22, v21;
	v22 =	vshll.u32 v25, $0x10;
	v25 =	vand.u32 $0xFFFF0000, v25  }
0x17a: {  	v24 =	vadd.f32 v27, v24;
	v22 =	vmul.f32 v22, v15;
	v25 =	vmul.f32 v25, v15;
	v27 =	vld [tilespmem:s13+$0x2F50]  }
0x17b: {  	v21 =	vadd.f32 v23, v21;
	v23 =	vshll.u32 v28, $0x10;
	v28 =	vand.u32 $0xFFFF0000, v28  }
0x17c: {  	v22 =	vadd.f32 v22, v24;
	v23 =	vmul.f32 v23, v19;
	v24 =	vmul.f32 v28, v19;
	v28 =	vld [tilespmem:s13+$0x2B10]  }
0x17d: {  	v21 =	vadd.f32 v25, v21;
	v25 =	vshll.u32 v26, $0x10;
	v26 =	vand.u32 $0xFFFF0000, v26  }
0x17e: {  	v22 =	vadd.f32 v23, v22;
	v23 =	vmul.f32 v25, v16;
	v25 =	vmul.f32 v26, v16;
	v26 =	vld [tilespmem:s13+$0x3310]  }
0x17f: {  	v21 =	vadd.f32 v24, v21;
	v24 =	vshll.u32 v27, $0x10  }
0x180: {  	v22 =	vadd.f32 v23, v22;
	v23 =	vand.u32 $0xFFFF0000, v27;
	v24 =	vmul.f32 v24, v14  }
0x181: {  	v21 =	vadd.f32 v25, v21;
	v23 =	vmul.f32 v23, v14;
	v25 =	vshll.u32 v28, $0x10  }
0x182: {  	v22 =	vadd.f32 v24, v22;
	v24 =	vand.u32 $0xFFFF0000, v28;
	v25 =	vmul.f32 v25, v13  }
0x183: {  	v21 =	vadd.f32 v23, v21;
	v23 =	vmul.f32 v24, v13;
	v24 =	vshll.u32 v26, $0x10  }
0x184: {  	v22 =	vadd.f32 v25, v22;
	v25 =	vand.u32 $0xFFFF0000, v26;
	v24 =	vmul.f32 v24, v12  }
0x185: {  	v21 =	vadd.f32 v23, v21;
	v23 =	vmul.f32 v25, v12  }
0x186: {  	v22 =	vadd.f32 v24, v22  }
0x187: {  	v21 =	vadd.f32 v23, v21  }
0x188: {  	[tilespmem:s15+$0x20] =	vst v22  }
0x189: {  	[tilespmem:s15+$0x30] =	vst v21  }
0x18a: {  	v21 =	vld [tilespmem:s13+$0x2320]  }
0x18b: {  	v22 =	vld [tilespmem:s13+$0x2360]  }
0x18c: {  	v23 =	vld [tilespmem:s13+$0x2B60]  }
0x18d: {  	v24 =	vld [tilespmem:s13+$0x2720]  }
0x18e: {  	v25 =	vld [tilespmem:s13+$0x2F20]  }
0x18f: {  	v26 =	vshll.u32 v21, $0x10;
	v21 =	vand.u32 $0xFFFF0000, v21;
	v27 =	vld [tilespmem:s13+$0x2760]  }
0x190: {  	v26 =	vmul.f32 v26, v17;
	v28 =	vshll.u32 v22, $0x10;
	v22 =	vand.u32 $0xFFFF0000, v22;
	v29 =	vld [tilespmem:s13+$0x2F60]  }
0x191: {  	v28 =	vmul.f32 v28, v20;
	v22 =	vmul.f32 v22, v20;
	v30 =	vshll.u32 v23, $0x10;
	v31 =	vld [tilespmem:s13+$0x2B20]  }
0x192: {  	v21 =	vmul.f32 v21, v17;
	v23 =	vand.u32 $0xFFFF0000, v23;
	v30 =	vmul.f32 v30, v18;
	v32 =	vld [tilespmem:s13+$0x3320]  }
0x193: {  	v23 =	vmul.f32 v23, v18;
	v26 =	vadd.f32 v28, v26;
	v28 =	vshll.u32 v24, $0x10  }
0x194: {  	v21 =	vadd.f32 v22, v21;
	v22 =	vand.u32 $0xFFFF0000, v24;
	v24 =	vmul.f32 v28, v15  }
0x195: {  	v22 =	vmul.f32 v22, v15;
	v28 =	vshll.u32 v25, $0x10;
	v26 =	vadd.f32 v30, v26  }
0x196: {  	v21 =	vadd.f32 v23, v21;
	v23 =	vand.u32 $0xFFFF0000, v25;
	v25 =	vmul.f32 v28, v19  }
0x197: {  	v23 =	vmul.f32 v23, v19;
	v24 =	vadd.f32 v24, v26;
	v26 =	vshll.u32 v27, $0x10  }
0x198: {  	v21 =	vadd.f32 v22, v21;
	v22 =	vand.u32 $0xFFFF0000, v27;
	v26 =	vmul.f32 v26, v16  }
0x199: {  	v22 =	vmul.f32 v22, v16;
	v24 =	vadd.f32 v25, v24;
	v25 =	vshll.u32 v29, $0x10  }
0x19a: {  	v21 =	vadd.f32 v23, v21;
	v23 =	vand.u32 $0xFFFF0000, v29;
	v25 =	vmul.f32 v25, v14  }
0x19b: {  	v23 =	vmul.f32 v23, v14;
	v24 =	vadd.f32 v26, v24;
	v26 =	vshll.u32 v31, $0x10  }
0x19c: {  	v21 =	vadd.f32 v22, v21;
	v22 =	vand.u32 $0xFFFF0000, v31;
	v26 =	vmul.f32 v26, v13  }
0x19d: {  	v22 =	vmul.f32 v22, v13;
	v24 =	vadd.f32 v25, v24;
	v25 =	vshll.u32 v32, $0x10  }
0x19e: {  	v21 =	vadd.f32 v23, v21;
	v23 =	vmul.f32 v25, v12  }
0x19f: {  	v25 =	vand.u32 $0xFFFF0000, v32;
	v24 =	vadd.f32 v26, v24  }
.Ltmp6:
0x1a0: {  	v21 =	vadd.f32 v22, v21;
	v22 =	vmul.f32 v25, v12;
	(pc) =	sbr.rel @p1 .LBB2_8-.Ltmp6, $4  }
0x1a1: {  	v23 =	vadd.f32 v23, v24  }
0x1a2: {  	v21 =	vadd.f32 v22, v21  }
0x1a3: {  	[tilespmem:s15+$0x40] =	vst v23  }
0x1a4: {  	[tilespmem:s15+$0x50] =	vst v21  }
0x1a5: {  	v21 =	vld [tilespmem:s13+$0x2370]  }
0x1a6: {  	v22 =	vld [tilespmem:s13+$0x2330];
	_ =	sdelay $0x1  }
0x1a7: {  	v23 =	vld [tilespmem:s13+$0x2B70];
	_ =	sdelay $0x1  }
0x1a8: {  	v24 =	vld [tilespmem:s13+$0x2730]  }
0x1a9: {  	v25 =	vshll.u32 v21, $0x10;
	v21 =	vand.u32 $0xFFFF0000, v21;
	v26 =	vshll.u32 v22, $0x10  }
0x1aa: {  	v27 =	vld [tilespmem:s13+$0x2F30];
	v22 =	vand.u32 $0xFFFF0000, v22;
	v25 =	vmul.f32 v25, v20;
	v26 =	vmul.f32 v26, v17  }
0x1ab: {  	v36 =	vshll.u32 v23, $0x10;
	v34 =	vmul.f32 v22, v17;
	v35 =	vmul.f32 v21, v20  }
0x1ac: {  	v39 =	vld [tilespmem:s13+$0x2770];
	v37 =	vand.u32 $0xFFFF0000, v23;
	v21 =	vmul.f32 v36, v18;
	v38 =	vadd.f32 v25, v26  }
0x1ad: {  	v41 =	vshll.u32 v24, $0x10;
	v40 =	vmul.f32 v37, v18;
	v17 =	vadd.f32 v35, v34  }
0x1ae: {  	v43 =	vld [tilespmem:s13+$0x2F70];
	v42 =	vand.u32 $0xFFFF0000, v24;
	v20 =	vmul.f32 v41, v15;
	v21 =	vadd.f32 v21, v38  }
0x1af: {  	v45 =	vshll.u32 v27, $0x10;
	v44 =	vmul.f32 v42, v15;
	v17 =	vadd.f32 v40, v17  }
0x1b0: {  	v47 =	vld [tilespmem:s13+$0x2B30];
	v46 =	vand.u32 $0xFFFF0000, v27;
	v18 =	vmul.f32 v45, v19;
	v20 =	vadd.f32 v20, v21  }
0x1b1: {  	v49 =	vshll.u32 v39, $0x10;
	v48 =	vmul.f32 v46, v19;
	v15 =	vadd.f32 v44, v17  }
0x1b2: {  	v51 =	vld [tilespmem:s13+$0x3330];
	v50 =	vand.u32 $0xFFFF0000, v39;
	v17 =	vmul.f32 v49, v16;
	v18 =	vadd.f32 v18, v20  }
0x1b3: {  	v53 =	vshll.u32 v43, $0x10;
	v52 =	vmul.f32 v50, v16;
	v15 =	vadd.f32 v48, v15  }
0x1b4: {  	v54 =	vand.u32 $0xFFFF0000, v43;
	v55 =	vmul.f32 v53, v14;
	v17 =	vadd.f32 v17, v18  }
0x1b5: {  	v57 =	vshll.u32 v47, $0x10;
	v56 =	vmul.f32 v54, v14;
	v15 =	vadd.f32 v52, v15  }
0x1b6: {  	v58 =	vand.u32 $0xFFFF0000, v47;
	v16 =	vmul.f32 v57, v13;
	v17 =	vadd.f32 v55, v17  }
0x1b7: {  	v60 =	vshll.u32 v51, $0x10;
	v59 =	vmul.f32 v58, v13;
	v14 =	vadd.f32 v56, v15  }
0x1b8: {  	v61 =	vand.u32 $0xFFFF0000, v51;
	v15 =	vmul.f32 v60, v12;
	v16 =	vadd.f32 v16, v17  }
0x1b9: {  	v62 =	vmul.f32 v61, v12;
	v13 =	vadd.f32 v59, v14  }
0x1ba: {  	v63 =	vadd.f32 v15, v16  }
0x1bb: {  	p1 =	sgt.u32 s12, $0x1347;
	v12 =	vadd.f32 v62, v13  }
0x1bc: {  	s1 =	sshll.u32 @!p1 s12, $0x2;
	[tilespmem:s16+$0x60] =	vst v63  }
0x1bd: {  	s1 =	sadd.s32 @!p1 $0x100, s1;
	[tilespmem:s16+$0x70] =	vst v12  }
0x1be: {  	[spmem:s2] =	stream.indirect.scatter.add.f32 [tilespmem:s22], [sflag:$0x7], $0x80, s24, s20, $0xb8;
	[tilespmem:$0x1FB80] =	vst v63  }
0x1bf: {  	s14 =	simm.s32 @!p1 $0x0;
	s13 =	sadd.s32 @!p1 s6, s1  }
0x1c0: {  	[tilespmem:s14], [sflag:$0x1] =	stream.linear.gather @!p1 [hbm4b:s13+s14], $0x20, $0x38;
	[tilespmem:$0x1FB80] =	vst v63  }
0x1c1: {  	s15 =	simm.s32 @!p1 $0x100;
	s13 =	sadd.s32 @!p1 s7, s1  }
0x1c2: {  	[tilespmem:s15], [sflag:$0x1] =	stream.linear.gather @!p1 [hbm4b:s13+s14], $0x20, $0x38;
	[tilespmem:$0x1FB80] =	vst v63  }
0x1c3: {  	s1 =	sadd.s32 @!p1 s8, s1;
	s13 =	simm.s32 @!p1 $0x200  }
0x1c4: {  	[tilespmem:s13], [sflag:$0x1] =	stream.linear.gather @!p1 [hbm4b:s1+s14], $0x20, $0x38;
	[tilespmem:$0x1FB80] =	vst v63  }
.LBB2_10:
0x1c5: {  	s12 =	sor.u32 $0x20, s12  }
0x1c6: {  	p1 =	sgt.u32 s12, $0x1387  }
.Ltmp7:
0x1c7: {  	_ = 	snop;
	(pc) =	sbr.rel @p1 .LBB2_16-.Ltmp7, $1  }
0x1c8: {  	_ =	sdelay $0x3  }
0x1c9: {  	_ =	swait.ge [sflag:s0], $0x5000;
	p1 =	sgt.u32 s12, $0x1367  }
.Ltmp8:
0x1ca: {  	[sflag:s0] =	ssyncset.done $0x0;
	(pc) =	sbr.rel @p1 .LBB2_13-.Ltmp8, $4  }
0x1cb: {  	[sflag:s0] =	ssyncadd.s32 $0xFFFFB000  }
0x1cc: {  	_ =	swait.ge [sflag:s25], $0x1000  }
0x1cd: {  	[sflag:s25] =	ssyncset.done $0x0  }
0x1ce: {  	[sflag:s25] =	ssyncadd.s32 $0xFFFFF000  }
0x1cf: {  	_ =	swait.ge [sflag:s26], $0x1000  }
0x1d0: {  	[sflag:s26] =	ssyncset.done $0x0  }
0x1d1: {  	[sflag:s26] =	ssyncadd.s32 $0xFFFFF000  }
0x1d2: {  	_ =	swait.ge [sflag:s30], $0x20  }
0x1d3: {  	[sflag:s30] =	ssyncset.done $0x0  }
0x1d4: {  	[sflag:s30] =	ssyncadd.s32 $0xFFFFFFE0  }
0x1d5: {  	_ =	swait.ge [sflag:s30], $0x20  }
0x1d6: {  	[sflag:s30] =	ssyncset.done $0x0  }
0x1d7: {  	[sflag:s30] =	ssyncadd.s32 $0xFFFFFFE0  }
0x1d8: {  	_ =	swait.ge [sflag:s30], $0x20  }
0x1d9: {  	[sflag:s30] =	ssyncset.done $0x0  }
0x1da: {  	[sflag:s30] =	ssyncadd.s32 $0xFFFFFFE0  }
0x1db: {  	v12 =	vld [tilespmem:$0x0];
	_ =	sdelay $0x4  }
0x1dc: {  	v13 =	vshrl.u32 v12, $0x3  }
0x1dd: {  	v13 =	vmul.u32 $0x28, v13  }
0x1de: {  	v12 =	vand.u32 $0x7, v12  }
0x1df: {  	v12 =	vor.u32 v12, v13  }
0x1e0: {  	v13 =	vperm.xlane v12, v1;
	_ =	sdelay $0x1  }
0x1e1: {  	v13 =	vadd.s32 v2, v13;
	_ =	sdelay $0x3  }
0x1e2: {  	s1 =	simm.s32 $0x2300;
	v12 =	vperm.xlane v12, v3  }
0x1e3: {  	[tilespmem:s1], [sflag:$0x3] =	stream.indirect_vreg.gather [hbm4b:s5+s4], $0x80, v13, vm0, $0xb8;
	[tilespmem:$0x1FB80] =	vst v63  }
0x1e4: {  	s17 =	simm.s32 $0x2B00;
	v12 =	vadd.s32 v2, v12  }
0x1e5: {  	[tilespmem:s17], [sflag:$0x3] =	stream.indirect_vreg.gather [hbm4b:s18+s4], $0x80, v13, vm0, $0xb8;
	[tilespmem:$0x1FB80] =	vst v63  }
0x1e6: {  	s28 =	simm.s32 $0x3300  }
0x1e7: {  	[tilespmem:s28], [sflag:$0x3] =	stream.indirect_vreg.gather [hbm4b:s19+s4], $0x80, v13, vm1, $0xb8;
	[tilespmem:$0x1FB80] =	vst v63  }
0x1e8: {  	s29 =	simm.s32 $0x3700  }
0x1e9: {  	[tilespmem:s29], [sflag:$0x3] =	stream.indirect_vreg.gather [hbm4b:s5+s4], $0x80, v12, vm0, $0xb8;
	[tilespmem:$0x1FB80] =	vst v63  }
0x1ea: {  	s31 =	simm.s32 $0x3F00  }
0x1eb: {  	[tilespmem:s31], [sflag:$0x3] =	stream.indirect_vreg.gather [hbm4b:s18+s4], $0x80, v12, vm0, $0xb8;
	[tilespmem:$0x1FB80] =	vst v63  }
0x1ec: {  	s13 =	simm.s32 $0x4700  }
0x1ed: {  	[tilespmem:s13], [sflag:$0x3] =	stream.indirect_vreg.gather [hbm4b:s19+s4], $0x80, v12, vm1, $0xb8;
	[tilespmem:$0x1FB80] =	vst v63  }
0x1ee: {  	v12 =	vld [tilespmem:$0x10];
	_ =	sdelay $0x4  }
0x1ef: {  	v63 =	vshrl.u32 v12, $0x3  }
0x1f0: {  	v13 =	vmul.u32 $0x28, v63  }
0x1f1: {  	v12 =	vand.u32 $0x7, v12  }
0x1f2: {  	v12 =	vor.u32 v12, v13  }
0x1f3: {  	v13 =	vperm.xlane v12, v1;
	_ =	sdelay $0x1  }
0x1f4: {  	v13 =	vadd.s32 v2, v13;
	_ =	sdelay $0x3  }
0x1f5: {  	s14 =	simm.s32 $0x4B00;
	v12 =	vperm.xlane v12, v3  }
0x1f6: {  	[tilespmem:s14], [sflag:$0x3] =	stream.indirect_vreg.gather [hbm4b:s5+s4], $0x80, v13, vm0, $0xb8;
	[tilespmem:$0x1FB80] =	vst v63  }
0x1f7: {  	s15 =	simm.s32 $0x5300;
	v12 =	vadd.s32 v2, v12  }
0x1f8: {  	[tilespmem:s15], [sflag:$0x3] =	stream.indirect_vreg.gather [hbm4b:s18+s4], $0x80, v13, vm0, $0xb8;
	[tilespmem:$0x1FB80] =	vst v63  }
0x1f9: {  	s16 =	simm.s32 $0x5B00  }
0x1fa: {  	[tilespmem:s16], [sflag:$0x3] =	stream.indirect_vreg.gather [hbm4b:s19+s4], $0x80, v13, vm1, $0xb8;
	[tilespmem:$0x1FB80] =	vst v63  }
0x1fb: {  	s17 =	simm.s32 $0x5F00  }
0x1fc: {  	[tilespmem:s17], [sflag:$0x3] =	stream.indirect_vreg.gather [hbm4b:s5+s4], $0x80, v12, vm0, $0xb8;
	[tilespmem:$0x1FB80] =	vst v63  }
0x1fd: {  	s28 =	simm.s32 $0x6700  }
0x1fe: {  	[tilespmem:s28], [sflag:$0x3] =	stream.indirect_vreg.gather [hbm4b:s18+s4], $0x80, v12, vm0, $0xb8;
	[tilespmem:$0x1FB80] =	vst v63  }
0x1ff: {  	s29 =	simm.s32 $0x6F00  }
0x200: {  	[tilespmem:s29], [sflag:$0x3] =	stream.indirect_vreg.gather [hbm4b:s19+s4], $0x80, v12, vm1, $0xb8;
	[tilespmem:$0x1FB80] =	vst v63  }
0x201: {  	s31 =	rddreg [dreg:$0x1]  }
0x202: {  	[tilespmem:s22], [sflag:$0x5] =	stream.indirect.gather [hbm4b:s31+s20], $0x80, s24, s20, $0xb8;
	[tilespmem:$0x1FB80] =	vst v63  }
.LBB2_13:
0x203: {  	s1 =	simm.s32 $0x0  }
0x204: {  	s1 =	smul.u32 $0x5000, s1  }
0x205: {  	s14 =	simm.s32 $0x0;
	s15 =	simm.s32 $0x1300  }
0x206: {  	s16 =	sand.u32 $0x10, s14;
	s13 =	sand.u32 $0x380, s14;
	v12 =	vld [tilespmem:s15+$0x0];
	s1 =	sshra.s32 s1, $0x2  }
0x207: {  	v13 =	vld [tilespmem:s16+$0x280];
	s13 =	sor.u32 s13, s1  }
0x208: {  	v14 =	vld [tilespmem:s13+$0x7340]  }
0x209: {  	v15 =	vld [tilespmem:s13+$0x7300]  }
0x20a: {  	v19 =	vld [tilespmem:s13+$0x7B40]  }
0x20b: {  	v16 =	vmov s14;
	v25 =	vld [tilespmem:s13+$0x7F00]  }
0x20c: {  	v17 =	vperm.xlane v13, v16  }
0x20d: {  	v28 =	vld [tilespmem:s13+$0x7740]  }
0x20e: {  	v12 =	vmul.f32 v12, v17;
	v16 =	vand.u32 $0xFFFF0000, v14;
	v18 =	vshll.u32 v15, $0x10  }
0x20f: {  	v21 =	vand.u32 $0xFFFF0000, v15;
	v14 =	vshll.u32 v14, $0x10;
	v23 =	vand.u32 $0xFFFF0000, v19  }
0x210: {  	v13 =	vld [tilespmem:s13+$0x7700];
	v19 =	vshll.u32 v19, $0x10;
	v59 =	vand.u32 $0xFFFF0000, v25;
	v20 =	vperm.xlane v12, v4  }
0x211: {  	v25 =	vshll.u32 v25, $0x10;
	v22 =	vmul.f32 v18, v17;
	v18 =	vperm.xlane v12, v8  }
0x212: {  	v60 =	vld [tilespmem:s13+$0x7B00];
	v61 =	vand.u32 $0xFFFF0000, v28;
	v21 =	vmul.f32 v21, v17;
	v16 =	vmul.f32 v16, v20  }
0x213: {  	v62 =	vshll.u32 v28, $0x10;
	v15 =	vperm.xlane v12, v5;
	v14 =	vmul.f32 v14, v20  }
0x214: {  	v24 =	vmul.f32 v19, v18;
	v23 =	vmul.f32 v23, v18;
	v21 =	vadd.f32 v16, v21  }
0x215: {  	v19 =	vand.u32 $0xFFFF0000, v13;
	v13 =	vshll.u32 v13, $0x10;
	v22 =	vadd.f32 v14, v22  }
0x216: {  	v26 =	vmul.f32 v19, v15;
	v19 =	vperm.xlane v12, v9;
	v21 =	vadd.f32 v23, v21;
	v23 =	vld [tilespmem:s13+$0x7F40]  }
0x217: {  	v32 =	vand.u32 $0xFFFF0000, v60;
	v27 =	vmul.f32 v13, v15;
	v22 =	vadd.f32 v24, v22  }
0x218: {  	v16 =	vperm.xlane v12, v6;
	v24 =	vmul.f32 v59, v19;
	v21 =	vadd.f32 v26, v21  }
0x219: {  	v13 =	vperm.xlane v12, v7;
	v25 =	vmul.f32 v25, v19;
	v22 =	vadd.f32 v27, v22  }
0x21a: {  	v63 =	vld [tilespmem:s13+$0x8300];
	v14 =	vperm.xlane v12, v10;
	v27 =	vmul.f32 v61, v16;
	v21 =	vadd.f32 v24, v21  }
0x21b: {  	v22 =	vadd.f32 v25, v22;
	v24 =	vmul.f32 v62, v16;
	v31 =	vand.u32 $0xFFFF0000, v23  }
0x21c: {  	v23 =	vshll.u32 v23, $0x10;
	v21 =	vadd.f32 v27, v21;
	v25 =	vmul.f32 v31, v14  }
0x21d: {  	v33 =	vshll.u32 v60, $0x10;
	v22 =	vadd.f32 v24, v22;
	v23 =	vmul.f32 v23, v14  }
0x21e: {  	v12 =	vperm.xlane v12, v11;
	v24 =	vmul.f32 v32, v13;
	v21 =	vadd.f32 v25, v21  }
0x21f: {  	v34 =	vand.u32 $0xFFFF0000, v63;
	v22 =	vadd.f32 v23, v22;
	v23 =	vmul.f32 v33, v13  }
0x220: {  	v35 =	vshll.u32 v63, $0x10;
	v25 =	vmul.f32 v34, v12;
	v21 =	vadd.f32 v24, v21  }
0x221: {  	v22 =	vadd.f32 v23, v22;
	v23 =	vmul.f32 v35, v12  }
0x222: {  	v21 =	vadd.f32 v25, v21  }
0x223: {  	v22 =	vadd.f32 v23, v22  }
0x224: {  	[tilespmem:s15+$0x10] =	vst v21  }
0x225: {  	[tilespmem:s15+$0x0] =	vst v22  }
0x226: {  	v21 =	vld [tilespmem:s13+$0x7310]  }
0x227: {  	v22 =	vld [tilespmem:s13+$0x7350];
	_ =	sdelay $0x1  }
0x228: {  	v23 =	vld [tilespmem:s13+$0x7B50];
	_ =	sdelay $0x1  }
0x229: {  	v36 =	vld [tilespmem:s13+$0x7710]  }
0x22a: {  	v37 =	vshll.u32 v21, $0x10;
	v21 =	vand.u32 $0xFFFF0000, v21;
	v38 =	vshll.u32 v22, $0x10  }
0x22b: {  	v39 =	vld [tilespmem:s13+$0x7F10];
	v22 =	vand.u32 $0xFFFF0000, v22;
	v25 =	vmul.f32 v37, v17;
	v26 =	vmul.f32 v38, v20  }
0x22c: {  	v40 =	vshll.u32 v23, $0x10;
	v22 =	vmul.f32 v22, v20;
	v21 =	vmul.f32 v21, v17  }
0x22d: {  	v41 =	vld [tilespmem:s13+$0x7750];
	v23 =	vand.u32 $0xFFFF0000, v23;
	v28 =	vmul.f32 v40, v18;
	v25 =	vadd.f32 v26, v25  }
0x22e: {  	v23 =	vmul.f32 v23, v18;
	v21 =	vadd.f32 v22, v21;
	v22 =	vshll.u32 v36, $0x10  }
0x22f: {  	v42 =	vld [tilespmem:s13+$0x7F50];
	v24 =	vand.u32 $0xFFFF0000, v36;
	v22 =	vmul.f32 v22, v15;
	v25 =	vadd.f32 v28, v25  }
0x230: {  	v24 =	vmul.f32 v24, v15;
	v21 =	vadd.f32 v23, v21;
	v23 =	vshll.u32 v39, $0x10  }
0x231: {  	v43 =	vld [tilespmem:s13+$0x7B10];
	v27 =	vand.u32 $0xFFFF0000, v39;
	v23 =	vmul.f32 v23, v19;
	v22 =	vadd.f32 v22, v25  }
0x232: {  	v44 =	vshll.u32 v41, $0x10;
	v27 =	vmul.f32 v27, v19;
	v21 =	vadd.f32 v24, v21  }
0x233: {  	v45 =	vld [tilespmem:s13+$0x8310];
	v26 =	vand.u32 $0xFFFF0000, v41;
	v22 =	vadd.f32 v23, v22;
	v23 =	vmul.f32 v44, v16  }
0x234: {  	v46 =	vshll.u32 v42, $0x10;
	v26 =	vmul.f32 v26, v16;
	v21 =	vadd.f32 v27, v21  }
0x235: {  	v27 =	vmul.f32 v46, v14;
	v22 =	vadd.f32 v23, v22;
	v23 =	vand.u32 $0xFFFF0000, v42  }
0x236: {  	v47 =	vshll.u32 v43, $0x10;
	v21 =	vadd.f32 v26, v21;
	v23 =	vmul.f32 v23, v14  }
0x237: {  	v25 =	vand.u32 $0xFFFF0000, v43;
	v26 =	vmul.f32 v47, v13;
	v22 =	vadd.f32 v27, v22  }
0x238: {  	v48 =	vshll.u32 v45, $0x10;
	v21 =	vadd.f32 v23, v21;
	v23 =	vmul.f32 v25, v13  }
0x239: {  	v24 =	vand.u32 $0xFFFF0000, v45;
	v25 =	vmul.f32 v48, v12;
	v22 =	vadd.f32 v26, v22  }
0x23a: {  	v21 =	vadd.f32 v23, v21;
	v23 =	vmul.f32 v24, v12  }
0x23b: {  	v22 =	vadd.f32 v25, v22  }
0x23c: {  	v21 =	vadd.f32 v23, v21  }
0x23d: {  	[tilespmem:s15+$0x20] =	vst v22  }
0x23e: {  	[tilespmem:s15+$0x30] =	vst v21  }
0x23f: {  	v21 =	vld [tilespmem:s13+$0x7320]  }
0x240: {  	v22 =	vld [tilespmem:s13+$0x7360];
	_ =	sdelay $0x1  }
0x241: {  	v23 =	vld [tilespmem:s13+$0x7B60];
	_ =	sdelay $0x1  }
0x242: {  	v49 =	vld [tilespmem:s13+$0x7720]  }
0x243: {  	v50 =	vshll.u32 v21, $0x10;
	v21 =	vand.u32 $0xFFFF0000, v21;
	v51 =	vshll.u32 v22, $0x10  }
0x244: {  	v52 =	vld [tilespmem:s13+$0x7F20];
	v22 =	vand.u32 $0xFFFF0000, v22;
	v25 =	vmul.f32 v50, v17;
	v26 =	vmul.f32 v51, v20  }
0x245: {  	v53 =	vshll.u32 v23, $0x10;
	v22 =	vmul.f32 v22, v20;
	v21 =	vmul.f32 v21, v17  }
0x246: {  	v29 =	vld [tilespmem:s13+$0x7760];
	v23 =	vand.u32 $0xFFFF0000, v23;
	v28 =	vmul.f32 v53, v18;
	v25 =	vadd.f32 v26, v25  }
0x247: {  	v54 =	vshll.u32 v49, $0x10;
	v23 =	vmul.f32 v23, v18;
	v21 =	vadd.f32 v22, v21  }
0x248: {  	v24 =	vand.u32 $0xFFFF0000, v49;
	v22 =	vld [tilespmem:s13+$0x7F60];
	v26 =	vmul.f32 v54, v15;
	v25 =	vadd.f32 v28, v25  }
0x249: {  	v55 =	vshll.u32 v52, $0x10;
	v24 =	vmul.f32 v24, v15;
	v21 =	vadd.f32 v23, v21  }
0x24a: {  	v27 =	vand.u32 $0xFFFF0000, v52;
	v23 =	vld [tilespmem:s13+$0x7B20];
	v28 =	vmul.f32 v55, v19;
	v25 =	vadd.f32 v26, v25  }
0x24b: {  	v57 =	vshll.u32 v29, $0x10;
	v56 =	vmul.f32 v27, v19;
	v21 =	vadd.f32 v24, v21  }
0x24c: {  	v58 =	vld [tilespmem:s13+$0x8320];
	v29 =	vand.u32 $0xFFFF0000, v29;
	v27 =	vmul.f32 v57, v16;
	v25 =	vadd.f32 v28, v25  }
0x24d: {  	v59 =	vmul.f32 v29, v16;
	v60 =	vshll.u32 v22, $0x10;
	v21 =	vadd.f32 v56, v21  }
0x24e: {  	v22 =	vand.u32 $0xFFFF0000, v22;
	v61 =	vmul.f32 v60, v14;
	v25 =	vadd.f32 v27, v25  }
0x24f: {  	v22 =	vmul.f32 v22, v14;
	v62 =	vshll.u32 v23, $0x10;
	v21 =	vadd.f32 v59, v21  }
0x250: {  	v23 =	vand.u32 $0xFFFF0000, v23;
	v27 =	vmul.f32 v62, v13;
	v25 =	vadd.f32 v61, v25  }
0x251: {  	v63 =	vshll.u32 v58, $0x10;
	v23 =	vmul.f32 v23, v13;
	v21 =	vadd.f32 v22, v21  }
0x252: {  	v24 =	vand.u32 $0xFFFF0000, v58;
	v22 =	vmul.f32 v63, v12;
	v25 =	vadd.f32 v27, v25  }
0x253: {  	v21 =	vadd.f32 v23, v21;
	v23 =	vmul.f32 v24, v12  }
0x254: {  	v22 =	vadd.f32 v22, v25  }
0x255: {  	v21 =	vadd.f32 v23, v21  }
0x256: {  	[tilespmem:s15+$0x40] =	vst v22  }
0x257: {  	s17 =	simm.s32 $0x1;
	s16 =	simm.s32 $0x1300;
	[tilespmem:s15+$0x50] =	vst v21  }
.LBB2_14:
0x258: {  	p1 =	sne.s32 s17, $0x1F;
	v21 =	vld [tilespmem:s13+$0x7370];
	s14 =	sadd.s32 $0x80, s14;
	s15 =	sadd.s32 $0x80, s15  }
0x259: {  	s29 =	smov.u32 s17;
	s17 =	sadd.s32 $0x1, s17;
	v22 =	vld [tilespmem:s13+$0x7330];
	_ =	sdelay $0x1  }
0x25a: {  	v23 =	vld [tilespmem:s13+$0x7B70];
	_ =	sdelay $0x1  }
0x25b: {  	s1 =	sshrl.u32 s29, $0x3;
	v24 =	vshll.u32 v21, $0x10;
	v21 =	vand.u32 $0xFFFF0000, v21;
	v25 =	vld [tilespmem:s13+$0x7730]  }
0x25c: {  	s28 =	smul.u32 $0x5000, s1;
	v26 =	vshll.u32 v22, $0x10;
	v22 =	vand.u32 $0xFFFF0000, v22;
	v24 =	vmul.f32 v24, v20  }
0x25d: {  	s1 =	sand.u32 $0x10, s29;
	v26 =	vmul.f32 v26, v17;
	v17 =	vmul.f32 v22, v17;
	v22 =	vld [tilespmem:s13+$0x7F30]  }
0x25e: {  	s31 =	sand.u32 $0x380, s14;
	s28 =	sshra.s32 s28, $0x2;
	v20 =	vmul.f32 v21, v20;
	v21 =	vshll.u32 v23, $0x10;
	v23 =	vand.u32 $0xFFFF0000, v23  }
0x25f: {  	s28 =	sor.u32 s31, s28;
	v24 =	vadd.f32 v24, v26;
	v21 =	vmul.f32 v21, v18;
	v18 =	vmul.f32 v23, v18;
	v23 =	vld [tilespmem:s13+$0x7770]  }
0x260: {  	v17 =	vadd.f32 v20, v17;
	v20 =	vshll.u32 v25, $0x10;
	v25 =	vand.u32 $0xFFFF0000, v25  }
0x261: {  	v21 =	vadd.f32 v21, v24;
	v20 =	vmul.f32 v20, v15;
	v15 =	vmul.f32 v25, v15;
	v24 =	vld [tilespmem:s13+$0x7F70]  }
0x262: {  	v17 =	vadd.f32 v18, v17;
	v18 =	vshll.u32 v22, $0x10;
	v22 =	vand.u32 $0xFFFF0000, v22  }
0x263: {  	v20 =	vadd.f32 v20, v21;
	v18 =	vmul.f32 v18, v19;
	v19 =	vmul.f32 v22, v19;
	v21 =	vld [tilespmem:s13+$0x7B30]  }
0x264: {  	v15 =	vadd.f32 v15, v17;
	v17 =	vshll.u32 v23, $0x10;
	v22 =	vand.u32 $0xFFFF0000, v23  }
0x265: {  	v18 =	vadd.f32 v18, v20;
	v17 =	vmul.f32 v17, v16;
	v16 =	vmul.f32 v22, v16;
	v20 =	vld [tilespmem:s13+$0x8330];
	s13 =	smov.u32 s28  }
0x266: {  	v15 =	vadd.f32 v19, v15;
	v19 =	vshll.u32 v24, $0x10;
	v22 =	vand.u32 $0xFFFF0000, v24  }
0x267: {  	v17 =	vadd.f32 v17, v18;
	v18 =	vmul.f32 v19, v14;
	v14 =	vmul.f32 v22, v14  }
0x268: {  	v15 =	vadd.f32 v16, v15;
	v16 =	vshll.u32 v21, $0x10;
	v19 =	vand.u32 $0xFFFF0000, v21  }
0x269: {  	v17 =	vadd.f32 v18, v17;
	v16 =	vmul.f32 v16, v13;
	v13 =	vmul.f32 v19, v13  }
0x26a: {  	v14 =	vadd.f32 v14, v15;
	v15 =	vshll.u32 v20, $0x10;
	v18 =	vand.u32 $0xFFFF0000, v20  }
0x26b: {  	v16 =	vadd.f32 v16, v17;
	v15 =	vmul.f32 v15, v12;
	v12 =	vmul.f32 v18, v12  }
0x26c: {  	v13 =	vadd.f32 v13, v14  }
0x26d: {  	v14 =	vadd.f32 v15, v16  }
0x26e: {  	v12 =	vadd.f32 v12, v13  }
0x26f: {  	[tilespmem:s16+$0x60] =	vst v14  }
0x270: {  	v13 =	vld [tilespmem:s15+$0x0];
	[tilespmem:s16+$0x70] =	vst v12;
	s16 =	smov.u32 s15  }
0x271: {  	v12 =	vld [tilespmem:s1+$0x280]  }
0x272: {  	v14 =	vld [tilespmem:s13+$0x7340]  }
0x273: {  	v15 =	vld [tilespmem:s13+$0x7300];
	_ =	sdelay $0x1  }
0x274: {  	v16 =	vmov s29;
	v19 =	vld [tilespmem:s13+$0x7B40]  }
0x275: {  	v17 =	vperm.xlane v12, v16  }
0x276: {  	v12 =	vand.u32 $0xFFFF0000, v14;
	v16 =	vld [tilespmem:s13+$0x7700]  }
0x277: {  	v21 =	vmul.f32 v13, v17;
	v13 =	vshll.u32 v15, $0x10  }
0x278: {  	v14 =	vshll.u32 v14, $0x10;
	v22 =	vand.u32 $0xFFFF0000, v15;
	v13 =	vmul.f32 v13, v17  }
0x279: {  	v20 =	vperm.xlane v21, v4;
	v18 =	vperm.xlane v21, v8;
	v23 =	vand.u32 $0xFFFF0000, v19  }
0x27a: {  	v22 =	vmul.f32 v22, v17;
	v15 =	vperm.xlane v21, v5;
	v19 =	vshll.u32 v19, $0x10  }
0x27b: {  	v12 =	vmul.f32 v12, v20;
	v24 =	vmul.f32 v19, v18;
	v19 =	vand.u32 $0xFFFF0000, v16;
	v25 =	vld [tilespmem:s13+$0x7F00]  }
0x27c: {  	v14 =	vmul.f32 v14, v20;
	v16 =	vshll.u32 v16, $0x10;
	v26 =	vmul.f32 v19, v15  }
0x27d: {  	v12 =	vadd.f32 v12, v22;
	v22 =	vmul.f32 v23, v18;
	v23 =	vmul.f32 v16, v15;
	v27 =	vld [tilespmem:s13+$0x7740]  }
0x27e: {  	v19 =	vperm.xlane v21, v9;
	v16 =	vperm.xlane v21, v6;
	v28 =	vadd.f32 v14, v13  }
0x27f: {  	v13 =	vperm.xlane v21, v7;
	v14 =	vperm.xlane v21, v10;
	v22 =	vadd.f32 v22, v12;
	v29 =	vld [tilespmem:s13+$0x7F40]  }
0x280: {  	v12 =	vperm.xlane v21, v11;
	v21 =	vadd.f32 v24, v28;
	v24 =	vand.u32 $0xFFFF0000, v25  }
0x281: {  	v25 =	vshll.u32 v25, $0x10;
	v22 =	vadd.f32 v26, v22;
	v24 =	vmul.f32 v24, v19;
	v26 =	vld [tilespmem:s13+$0x7B00]  }
0x282: {  	v21 =	vadd.f32 v23, v21;
	v23 =	vmul.f32 v25, v19;
	v25 =	vand.u32 $0xFFFF0000, v27  }
0x283: {  	v22 =	vadd.f32 v24, v22;
	v24 =	vshll.u32 v27, $0x10;
	v25 =	vmul.f32 v25, v16;
	v27 =	vld [tilespmem:s13+$0x8300]  }
0x284: {  	v21 =	vadd.f32 v23, v21;
	v23 =	vmul.f32 v24, v16;
	v24 =	vand.u32 $0xFFFF0000, v29  }
0x285: {  	v22 =	vadd.f32 v25, v22;
	v25 =	vshll.u32 v29, $0x10;
	v24 =	vmul.f32 v24, v14  }
0x286: {  	v21 =	vadd.f32 v23, v21;
	v23 =	vmul.f32 v25, v14;
	v25 =	vand.u32 $0xFFFF0000, v26  }
0x287: {  	v22 =	vadd.f32 v24, v22;
	v24 =	vshll.u32 v26, $0x10;
	v25 =	vmul.f32 v25, v13  }
0x288: {  	v21 =	vadd.f32 v23, v21;
	v23 =	vmul.f32 v24, v13;
	v24 =	vand.u32 $0xFFFF0000, v27  }
0x289: {  	v22 =	vadd.f32 v25, v22;
	v25 =	vshll.u32 v27, $0x10;
	v24 =	vmul.f32 v24, v12  }
0x28a: {  	v21 =	vadd.f32 v23, v21;
	v23 =	vmul.f32 v25, v12  }
0x28b: {  	v22 =	vadd.f32 v24, v22  }
0x28c: {  	v21 =	vadd.f32 v23, v21  }
0x28d: {  	[tilespmem:s15+$0x10] =	vst v22  }
0x28e: {  	[tilespmem:s15+$0x0] =	vst v21  }
0x28f: {  	v21 =	vld [tilespmem:s13+$0x7310]  }
0x290: {  	v22 =	vld [tilespmem:s13+$0x7350]  }
0x291: {  	v23 =	vld [tilespmem:s13+$0x7B50];
	_ =	sdelay $0x2  }
0x292: {  	v24 =	vshll.u32 v21, $0x10;
	v21 =	vand.u32 $0xFFFF0000, v21;
	v25 =	vld [tilespmem:s13+$0x7710]  }
0x293: {  	v24 =	vmul.f32 v24, v17;
	v26 =	vshll.u32 v22, $0x10;
	v22 =	vand.u32 $0xFFFF0000, v22  }
0x294: {  	v26 =	vmul.f32 v26, v20;
	v22 =	vmul.f32 v22, v20;
	v27 =	vshll.u32 v23, $0x10;
	v28 =	vld [tilespmem:s13+$0x7F10]  }
0x295: {  	v21 =	vmul.f32 v21, v17;
	v23 =	vand.u32 $0xFFFF0000, v23;
	v27 =	vmul.f32 v27, v18  }
0x296: {  	v23 =	vmul.f32 v23, v18;
	v24 =	vadd.f32 v26, v24;
	v26 =	vld [tilespmem:s13+$0x7750]  }
0x297: {  	v21 =	vadd.f32 v22, v21;
	v22 =	vshll.u32 v25, $0x10;
	v25 =	vand.u32 $0xFFFF0000, v25  }
0x298: {  	v24 =	vadd.f32 v27, v24;
	v22 =	vmul.f32 v22, v15;
	v25 =	vmul.f32 v25, v15;
	v27 =	vld [tilespmem:s13+$0x7F50]  }
0x299: {  	v21 =	vadd.f32 v23, v21;
	v23 =	vshll.u32 v28, $0x10;
	v28 =	vand.u32 $0xFFFF0000, v28  }
0x29a: {  	v22 =	vadd.f32 v22, v24;
	v23 =	vmul.f32 v23, v19;
	v24 =	vmul.f32 v28, v19;
	v28 =	vld [tilespmem:s13+$0x7B10]  }
0x29b: {  	v21 =	vadd.f32 v25, v21;
	v25 =	vshll.u32 v26, $0x10;
	v26 =	vand.u32 $0xFFFF0000, v26  }
0x29c: {  	v22 =	vadd.f32 v23, v22;
	v23 =	vmul.f32 v25, v16;
	v25 =	vmul.f32 v26, v16;
	v26 =	vld [tilespmem:s13+$0x8310]  }
0x29d: {  	v21 =	vadd.f32 v24, v21;
	v24 =	vshll.u32 v27, $0x10  }
0x29e: {  	v22 =	vadd.f32 v23, v22;
	v23 =	vand.u32 $0xFFFF0000, v27;
	v24 =	vmul.f32 v24, v14  }
0x29f: {  	v21 =	vadd.f32 v25, v21;
	v23 =	vmul.f32 v23, v14;
	v25 =	vshll.u32 v28, $0x10  }
0x2a0: {  	v22 =	vadd.f32 v24, v22;
	v24 =	vand.u32 $0xFFFF0000, v28;
	v25 =	vmul.f32 v25, v13  }
0x2a1: {  	v21 =	vadd.f32 v23, v21;
	v23 =	vmul.f32 v24, v13;
	v24 =	vshll.u32 v26, $0x10  }
0x2a2: {  	v22 =	vadd.f32 v25, v22;
	v25 =	vand.u32 $0xFFFF0000, v26;
	v24 =	vmul.f32 v24, v12  }
0x2a3: {  	v21 =	vadd.f32 v23, v21;
	v23 =	vmul.f32 v25, v12  }
0x2a4: {  	v22 =	vadd.f32 v24, v22  }
0x2a5: {  	v21 =	vadd.f32 v23, v21  }
0x2a6: {  	[tilespmem:s15+$0x20] =	vst v22  }
0x2a7: {  	[tilespmem:s15+$0x30] =	vst v21  }
0x2a8: {  	v21 =	vld [tilespmem:s13+$0x7320]  }
0x2a9: {  	v22 =	vld [tilespmem:s13+$0x7360]  }
0x2aa: {  	v23 =	vld [tilespmem:s13+$0x7B60]  }
0x2ab: {  	v24 =	vld [tilespmem:s13+$0x7720]  }
0x2ac: {  	v25 =	vld [tilespmem:s13+$0x7F20]  }
0x2ad: {  	v26 =	vshll.u32 v21, $0x10;
	v21 =	vand.u32 $0xFFFF0000, v21;
	v27 =	vld [tilespmem:s13+$0x7760]  }
0x2ae: {  	v26 =	vmul.f32 v26, v17;
	v28 =	vshll.u32 v22, $0x10;
	v22 =	vand.u32 $0xFFFF0000, v22;
	v29 =	vld [tilespmem:s13+$0x7F60]  }
0x2af: {  	v28 =	vmul.f32 v28, v20;
	v22 =	vmul.f32 v22, v20;
	v30 =	vshll.u32 v23, $0x10;
	v31 =	vld [tilespmem:s13+$0x7B20]  }
0x2b0: {  	v21 =	vmul.f32 v21, v17;
	v23 =	vand.u32 $0xFFFF0000, v23;
	v30 =	vmul.f32 v30, v18;
	v32 =	vld [tilespmem:s13+$0x8320]  }
0x2b1: {  	v23 =	vmul.f32 v23, v18;
	v26 =	vadd.f32 v28, v26;
	v28 =	vshll.u32 v24, $0x10  }
0x2b2: {  	v21 =	vadd.f32 v22, v21;
	v22 =	vand.u32 $0xFFFF0000, v24;
	v24 =	vmul.f32 v28, v15  }
0x2b3: {  	v22 =	vmul.f32 v22, v15;
	v28 =	vshll.u32 v25, $0x10;
	v26 =	vadd.f32 v30, v26  }
0x2b4: {  	v21 =	vadd.f32 v23, v21;
	v23 =	vand.u32 $0xFFFF0000, v25;
	v25 =	vmul.f32 v28, v19  }
0x2b5: {  	v23 =	vmul.f32 v23, v19;
	v24 =	vadd.f32 v24, v26;
	v26 =	vshll.u32 v27, $0x10  }
0x2b6: {  	v21 =	vadd.f32 v22, v21;
	v22 =	vand.u32 $0xFFFF0000, v27;
	v26 =	vmul.f32 v26, v16  }
0x2b7: {  	v22 =	vmul.f32 v22, v16;
	v24 =	vadd.f32 v25, v24;
	v25 =	vshll.u32 v29, $0x10  }
0x2b8: {  	v21 =	vadd.f32 v23, v21;
	v23 =	vand.u32 $0xFFFF0000, v29;
	v25 =	vmul.f32 v25, v14  }
0x2b9: {  	v23 =	vmul.f32 v23, v14;
	v24 =	vadd.f32 v26, v24;
	v26 =	vshll.u32 v31, $0x10  }
0x2ba: {  	v21 =	vadd.f32 v22, v21;
	v22 =	vand.u32 $0xFFFF0000, v31;
	v26 =	vmul.f32 v26, v13  }
0x2bb: {  	v22 =	vmul.f32 v22, v13;
	v24 =	vadd.f32 v25, v24;
	v25 =	vshll.u32 v32, $0x10  }
0x2bc: {  	v21 =	vadd.f32 v23, v21;
	v23 =	vmul.f32 v25, v12  }
0x2bd: {  	v25 =	vand.u32 $0xFFFF0000, v32;
	v24 =	vadd.f32 v26, v24  }
.Ltmp9:
0x2be: {  	v21 =	vadd.f32 v22, v21;
	v22 =	vmul.f32 v25, v12;
	(pc) =	sbr.rel @p1 .LBB2_14-.Ltmp9, $4  }
0x2bf: {  	v23 =	vadd.f32 v23, v24  }
0x2c0: {  	v21 =	vadd.f32 v22, v21  }
0x2c1: {  	[tilespmem:s15+$0x40] =	vst v23  }
0x2c2: {  	[tilespmem:s15+$0x50] =	vst v21  }
0x2c3: {  	v21 =	vld [tilespmem:s13+$0x7370]  }
0x2c4: {  	v22 =	vld [tilespmem:s13+$0x7330];
	_ =	sdelay $0x1  }
0x2c5: {  	v23 =	vld [tilespmem:s13+$0x7B70];
	_ =	sdelay $0x1  }
0x2c6: {  	v24 =	vld [tilespmem:s13+$0x7730]  }
0x2c7: {  	v25 =	vshll.u32 v21, $0x10;
	v21 =	vand.u32 $0xFFFF0000, v21;
	v26 =	vshll.u32 v22, $0x10  }
0x2c8: {  	v27 =	vld [tilespmem:s13+$0x7F30];
	v22 =	vand.u32 $0xFFFF0000, v22;
	v25 =	vmul.f32 v25, v20;
	v26 =	vmul.f32 v26, v17  }
0x2c9: {  	v36 =	vshll.u32 v23, $0x10;
	v34 =	vmul.f32 v22, v17;
	v35 =	vmul.f32 v21, v20  }
0x2ca: {  	v39 =	vld [tilespmem:s13+$0x7770];
	v37 =	vand.u32 $0xFFFF0000, v23;
	v21 =	vmul.f32 v36, v18;
	v38 =	vadd.f32 v25, v26  }
0x2cb: {  	v41 =	vshll.u32 v24, $0x10;
	v40 =	vmul.f32 v37, v18;
	v17 =	vadd.f32 v35, v34  }
0x2cc: {  	v43 =	vld [tilespmem:s13+$0x7F70];
	v42 =	vand.u32 $0xFFFF0000, v24;
	v20 =	vmul.f32 v41, v15;
	v21 =	vadd.f32 v21, v38  }
0x2cd: {  	v45 =	vshll.u32 v27, $0x10;
	v44 =	vmul.f32 v42, v15;
	v17 =	vadd.f32 v40, v17  }
0x2ce: {  	v47 =	vld [tilespmem:s13+$0x7B30];
	v46 =	vand.u32 $0xFFFF0000, v27;
	v18 =	vmul.f32 v45, v19;
	v20 =	vadd.f32 v20, v21  }
0x2cf: {  	v49 =	vshll.u32 v39, $0x10;
	v48 =	vmul.f32 v46, v19;
	v15 =	vadd.f32 v44, v17  }
0x2d0: {  	v51 =	vld [tilespmem:s13+$0x8330];
	v50 =	vand.u32 $0xFFFF0000, v39;
	v17 =	vmul.f32 v49, v16;
	v18 =	vadd.f32 v18, v20  }
0x2d1: {  	v53 =	vshll.u32 v43, $0x10;
	v52 =	vmul.f32 v50, v16;
	v15 =	vadd.f32 v48, v15  }
0x2d2: {  	v54 =	vand.u32 $0xFFFF0000, v43;
	v55 =	vmul.f32 v53, v14;
	v17 =	vadd.f32 v17, v18  }
0x2d3: {  	v57 =	vshll.u32 v47, $0x10;
	v56 =	vmul.f32 v54, v14;
	v15 =	vadd.f32 v52, v15  }
0x2d4: {  	v58 =	vand.u32 $0xFFFF0000, v47;
	v16 =	vmul.f32 v57, v13;
	v17 =	vadd.f32 v55, v17  }
0x2d5: {  	v60 =	vshll.u32 v51, $0x10;
	v59 =	vmul.f32 v58, v13;
	v14 =	vadd.f32 v56, v15  }
0x2d6: {  	v61 =	vand.u32 $0xFFFF0000, v51;
	v15 =	vmul.f32 v60, v12;
	v16 =	vadd.f32 v16, v17  }
0x2d7: {  	v62 =	vmul.f32 v61, v12;
	v13 =	vadd.f32 v59, v14  }
0x2d8: {  	v63 =	vadd.f32 v15, v16  }
0x2d9: {  	v12 =	vadd.f32 v62, v13  }
0x2da: {  	[tilespmem:s16+$0x60] =	vst v63  }
0x2db: {  	s1 =	simm.s32 $0x180;
	s31 =	simm.s32 $0x1300;
	p1 =	sgt.u32 s12, $0x1347;
	[tilespmem:s16+$0x70] =	vst v12  }
0x2dc: {  	[spmem:s2] =	stream.indirect.scatter.add.f32 [tilespmem:s31], [sflag:$0x8], $0x80, s1, s20, $0xb8;
	[tilespmem:$0x1FB80] =	vst v63  }
0x2dd: {  	s1 =	sshll.u32 @!p1 s12, $0x2  }
0x2de: {  	s1 =	sadd.s32 @!p1 $0x100, s1  }
0x2df: {  	s13 =	simm.s32 @!p1 $0x0;
	s14 =	simm.s32 @!p1 $0x80;
	s12 =	sadd.s32 @!p1 s6, s1  }
0x2e0: {  	[tilespmem:s14], [sflag:$0x2] =	stream.linear.gather @!p1 [hbm4b:s12+s13], $0x20, $0x38;
	[tilespmem:$0x1FB80] =	vst v63  }
.Ltmp10:
0x2e1: {  	_ = 	snop;
	(pc) =	sbr.rel .LBB2_16-.Ltmp10, $4  }
0x2e2: {  	s12 =	sadd.s32 @!p1 s7, s1;
	s14 =	simm.s32 @!p1 $0x180  }
0x2e3: {  	[tilespmem:s14], [sflag:$0x2] =	stream.linear.gather @!p1 [hbm4b:s12+s13], $0x20, $0x38;
	[tilespmem:$0x1FB80] =	vst v63  }
0x2e4: {  	s1 =	sadd.s32 @!p1 s8, s1;
	s12 =	simm.s32 @!p1 $0x280  }
0x2e5: {  	[tilespmem:s12], [sflag:$0x2] =	stream.linear.gather @!p1 [hbm4b:s1+s13], $0x20, $0x38;
	[tilespmem:$0x1FB80] =	vst v63  }
.LBB2_17:
0x2e6: {  	_ =	swait.ge [sflag:s26], $0x1000  }
0x2e7: {  	[sflag:s26] =	ssyncset.done $0x0  }
0x2e8: {  	s1 =	simm.s32 $0x8;
	[sflag:s26] =	ssyncadd.s32 $0xFFFFF000  }
0x2e9: {  	_ =	swait.ge [sflag:s1], $0x1000  }
0x2ea: {  	[sflag:s1] =	ssyncset.done $0x0  }
0x2eb: {  	[sflag:s1] =	ssyncadd.s32 $0xFFFFF000  }
0x2ec: {  	s31 =	stileid.u32;
	[bflag:$0x0] =	sbarrier.arrive $0xFFFF  }
.Ltmp11:
0x2ed: {  	s1 =	sshll.u32 s31, $0x6;
	s13 =	rddreg [dreg:$0x5];
	(pc) =	sbr.rel @!p0 .LBB2_19-.Ltmp11, $4  }
0x2ee: {  	s1 =	sor.u32 $0x1C09, s1;
	s12 =	rddreg [dreg:$0xd];
	s3 =	sshrl.u32 s13, $0x3  }
0x2ef: {  	[hbm:s12], [sflag:s1] =	dma.local [spmem:s3], $0x80  }
0x2f0: {  	s3 =	rddreg [dreg:$0x4]  }
0x2f1: {  	s12 =	sadd.s32 $0x80, s12;
	_ =	swait.ge [sflag:s23], $0x80;
	s3 =	sadd.s32 $0xFFFFFFFF, s3  }
.LBB2_18:
0x2f2: {  	[sflag:s23] =	ssyncset.done $0x0;
	s13 =	sadd.s32 $0x400, s13;
	p0 =	sne.s32 s3, $0x1  }
.Ltmp12:
0x2f3: {  	s14 =	sshrl.u32 s13, $0x3;
	[sflag:s23] =	ssyncadd.s32 $0xFFFFFF80;
	(pc) =	sbr.rel @p0 .LBB2_18-.Ltmp12, $3  }
0x2f4: {  	[hbm:s12], [sflag:s1] =	dma.local [spmem:s14], $0x80  }
0x2f5: {  	s3 =	sadd.s32 $0xFFFFFFFF, s3;
	_ =	sdelay $0x1  }
0x2f6: {  	s12 =	sadd.s32 $0x80, s12;
	_ =	swait.ge [sflag:s23], $0x80  }
.LBB2_19:
0x2f7: {  	s3 =	rddreg [dreg:$0xe]  }
0x2f8: {  	s1 =	rddreg [dreg:$0xc];
	s3 =	sadd.s32 $0x1, s3  }
0x2f9: {  	p0 =	sne.s32 s3, s1  }
.Ltmp13:
0x2fa: {  	_ = 	snop;
	(pc) =	sbr.rel @p0 .LBB2_1-.Ltmp13, $3  }
0x2fb: {  	_ =	sdelay $0x1  }
0x2fc: {  	[sflag:s23] =	ssyncset.done $0x0  }
0x2fd: {  	[sflag:s23] =	ssyncadd.s32 $0xFFFFFF80  }
0x2fe: {  	_ =	sfence.sel $0x180000  }
0x2ff: {  	[bflag:$0x0] =	sbarrier.arrive $0xFFFF  }
0x300: {  	_ =	strace $0x90000047  }
0x301: {  	s0 =	stileid.u32;
	[bflag:$0x2] =	sbarrier.arrive $0xFFFF  }
0x302: {  	p0 =	sne.s32 s0, $0x0;
	s0 =	rddreg [dreg:$0x3]  }
0x303: {  	s0 =	sadd.s32 @!p0 $0x100000, s0  }
0x304: {  	[sflag:s0] =	ssyncadd.tile.s32 @!p0 $0x1;
	_ =	shalt  }
.Lfunc_end2:
_tile_overlayer_lowered:
.L_overlay_start_2:
0x305: {  	(tag) =	ssettag $0x2  }
0x306: {  	s0 =	rddreg [dreg:$0x0];
	s2 =	stileid.u32  }
0x307: {  	s1 =	rddreg [dreg:$0x1];
	p0 =	sne.s32 s2, $0x0  }
0x308: {  	s3 =	rddreg [dreg:$0x2];
	[bflag:$0x3] =	sbarrier.arrive $0xFFFF;
	s2 =	simm.s32 @!p0 $0x1C09  }
0x309: {  	[timem:s3], [sflag:s2] =	dma.local @!p0 [hbm:s0], s1  }
0x30a: {  	s0 =	simm.s32 @!p0 $0x9  }
0x30b: {  	_ =	swait.ge @!p0 [sflag:s0], s1  }
0x30c: {  	s1 =	ssub.s32 @!p0 $0x0, s1;
	[sflag:s0] =	ssyncset.done @!p0 $0x0  }
0x30d: {  	[sflag:s0] =	ssyncadd.s32 @!p0 s1  }
0x30e: {  	[bflag:$0x3] =	sbarrier.arrive $0xFFFF  }
0x30f: {  	_ =	shalt  }

</sc_bundles>
